<compile_context>
chip_gen: v7x
topology: tpu7x:2x2x1
jax: 0.10.2.dev20260603
libtpu: 0.0.44.dev20260713+nightly
codegen_flags: <defaults>
</compile_context>

<pallas_src>
import functools

import jax
import jax.numpy as jnp
from jax import lax
from jax.experimental import pallas as pl
from jax.experimental.pallas import tpu as pltpu
from jax.experimental.pallas import tpu_sc as plsc

N = 10000
E = 320000
F_IN = 128
HID = 128
CLS = 64

NPAD = 10240
K = 128
NTILES = 32
STEPS = 80
EPAD = NTILES * STEPS * K
ROWS = EPAD // K
S0, S1 = 80, 80
SMAX = max(S0, S1)
RPT = NPAD // 16

_MESH = dict(core_axis_name="c", subcore_axis_name="s")



def _deg_kernel(dstp, ones16, zeros16):

    @functools.partial(
        pl.kernel,
        out_type=jax.ShapeDtypeStruct((2, NPAD, 16), jnp.float32),
        mesh=plsc.VectorSubcoreMesh(**_MESH),
        compiler_params=pltpu.CompilerParams(use_tc_tiling_on_sc=False),
        scratch_types=[
            pltpu.VMEM((STEPS, K), jnp.int32),
            pltpu.VMEM((K, 16), jnp.float32),
            pltpu.VMEM_SHARED((NPAD, 16), jnp.float32),
            pltpu.SemaphoreType.DMA,
        ],
    )
    def body(dst_hbm, ones_hbm, zeros_hbm, out_hbm, dstx, ones_v, acc, sem):
        c = lax.axis_index("c")
        s = lax.axis_index("s")
        wid = s * 2 + c
        r0 = s * RPT
        pltpu.sync_copy(zeros_hbm.at[pl.ds(r0, RPT)], acc.at[pl.ds(r0, RPT)])
        pltpu.sync_copy(ones_hbm, ones_v)
        pltpu.sync_copy(dst_hbm.at[pl.ds(wid * STEPS, STEPS)], dstx)
        plsc.subcore_barrier()

        def step(jo, carry):
            descs = [pltpu.async_copy(ones_v, acc.at[dstx.at[8 * jo + b]], sem,
                                      add=True) for b in range(8)]
            for d in descs:
                d.wait()
            return carry

        lax.fori_loop(0, STEPS // 8, step, 0)
        plsc.subcore_barrier()
        pltpu.sync_copy(acc.at[pl.ds(r0, RPT)], out_hbm.at[c, pl.ds(r0, RPT)])

    return body(dstp, ones16, zeros16)


def _make_spmm(width):

    @functools.partial(
        pl.kernel,
        out_type=jax.ShapeDtypeStruct((2, NPAD, width), jnp.bfloat16),
        mesh=plsc.VectorSubcoreMesh(**_MESH),
        compiler_params=pltpu.CompilerParams(use_tc_tiling_on_sc=False),
        scratch_types=[
            pltpu.VMEM((SMAX, K), jnp.int32),
            pltpu.VMEM((SMAX, K), jnp.int32),
            pltpu.VMEM((8, K, width), jnp.bfloat16),
            pltpu.VMEM_SHARED((NPAD, width), jnp.bfloat16),
        ] + [pltpu.SemaphoreType.DMA] * 8,
    )
    def body(g_hbm, src_hbm, dst_hbm, zeros_hbm, out_hbm, srcx, dstx, buf, acc,
             *sems):
        c = lax.axis_index("c")
        s = lax.axis_index("s")
        r0 = s * RPT
        base = jnp.where(c == 0, s * S0, 16 * S0 + s * S1)
        pltpu.sync_copy(zeros_hbm.at[pl.ds(r0, RPT)], acc.at[pl.ds(r0, RPT)])
        pltpu.sync_copy(src_hbm.at[pl.ds(base, SMAX)], srcx)
        pltpu.sync_copy(dst_hbm.at[pl.ds(base, SMAX)], dstx)
        plsc.subcore_barrier()

        NBUF = 8
        for p in range(NBUF - 1):
            pltpu.async_copy(g_hbm.at[srcx.at[p]], buf.at[p], sems[p])

        def step(jo, carry):
            for b in range(NBUF):
                j = NBUF * jo + b
                nslot = (b + NBUF - 1) % NBUF

                @pl.when(j + NBUF - 1 < S0)
                def _():
                    pltpu.async_copy(g_hbm.at[srcx.at[j + NBUF - 1]],
                                     buf.at[nslot], sems[nslot])

                pltpu.make_async_copy(g_hbm.at[srcx.at[j]], buf.at[b],
                                      sems[b]).wait()
                pltpu.sync_copy(buf.at[b], acc.at[dstx.at[j]], add=True)
            return carry

        lax.fori_loop(0, S0 // NBUF, step, 0)
        plsc.subcore_barrier()
        pltpu.sync_copy(acc.at[pl.ds(r0, RPT)], out_hbm.at[c, pl.ds(r0, RPT)])

    return body


_spmm128 = _make_spmm(HID)
_spmm64 = _make_spmm(CLS)



def _deg_dinv(degp):
    deg = 1.0 + jnp.sum(degp[0], axis=1) + jnp.sum(degp[1], axis=1)
    dinv = lax.rsqrt(deg)
    return deg, dinv


def _tc1_body(degp_ref, x_ref, w1_ref, g1_ref, dinv_ref, sca_ref):
    deg, dinv = _deg_dinv(degp_ref[...])
    g1_ref[...] = jnp.dot(dinv[:, None] * x_ref[...], w1_ref[...],
                          preferred_element_type=jnp.float32
                          ).astype(jnp.bfloat16)
    dinv_ref[...] = dinv[:, None]
    sca_ref[...] = (dinv / deg)[:, None]


def _tc2_body(dinv_ref, sca_ref, part_ref, g1_ref, w2_ref, b1_ref, g2_ref):
    p = part_ref[...].astype(jnp.float32)
    ssum = p[0] + p[1] + g1_ref[...].astype(jnp.float32)
    h1 = jnp.maximum(sca_ref[...] * ssum + b1_ref[...], 0.0)
    g2_ref[...] = (dinv_ref[...] * jnp.dot(h1, w2_ref[...],
                                           preferred_element_type=jnp.float32)
                   ).astype(jnp.bfloat16)


def _tc3_body(sca_ref, part_ref, g2_ref, b2_ref, out_ref):
    p = part_ref[...].astype(jnp.float32)
    a = (sca_ref[...] * (p[0] + p[1] + g2_ref[...].astype(jnp.float32))
         + b2_ref[...])
    m = jnp.max(a, axis=1, keepdims=True)
    ex = jnp.exp(a - m)
    out_ref[...] = (a - m) - jnp.log(jnp.sum(ex, axis=1, keepdims=True))


BLK = 400
TGRID = N // BLK


def _tc1(degp, x, W1):
    return pl.pallas_call(
        _tc1_body,
        grid=(TGRID,),
        in_specs=[
            pl.BlockSpec((2, BLK, 16), lambda i: (0, i, 0)),
            pl.BlockSpec((BLK, F_IN), lambda i: (i, 0)),
            pl.BlockSpec((F_IN, HID), lambda i: (0, 0)),
        ],
        out_specs=[
            pl.BlockSpec((BLK, HID), lambda i: (i, 0)),
            pl.BlockSpec((BLK, 1), lambda i: (i, 0)),
            pl.BlockSpec((BLK, 1), lambda i: (i, 0)),
        ],
        out_shape=[
            jax.ShapeDtypeStruct((NPAD, HID), jnp.bfloat16),
            jax.ShapeDtypeStruct((N, 1), jnp.float32),
            jax.ShapeDtypeStruct((N, 1), jnp.float32),
        ],
    )(degp, x, W1)


def _tc2(dinv, sca, part1, g1, W2, b1):
    return pl.pallas_call(
        _tc2_body,
        grid=(TGRID,),
        in_specs=[
            pl.BlockSpec((BLK, 1), lambda i: (i, 0)),
            pl.BlockSpec((BLK, 1), lambda i: (i, 0)),
            pl.BlockSpec((2, BLK, HID), lambda i: (0, i, 0)),
            pl.BlockSpec((BLK, HID), lambda i: (i, 0)),
            pl.BlockSpec((HID, CLS), lambda i: (0, 0)),
            pl.BlockSpec((1, HID), lambda i: (0, 0)),
        ],
        out_specs=pl.BlockSpec((BLK, CLS), lambda i: (i, 0)),
        out_shape=jax.ShapeDtypeStruct((NPAD, CLS), jnp.bfloat16),
    )(dinv, sca, part1, g1, W2, b1)


def _tc3(sca, part2, g2, b2):
    return pl.pallas_call(
        _tc3_body,
        grid=(TGRID,),
        in_specs=[
            pl.BlockSpec((BLK, 1), lambda i: (i, 0)),
            pl.BlockSpec((2, BLK, CLS), lambda i: (0, i, 0)),
            pl.BlockSpec((BLK, CLS), lambda i: (i, 0)),
            pl.BlockSpec((1, CLS), lambda i: (0, 0)),
        ],
        out_specs=pl.BlockSpec((BLK, CLS), lambda i: (i, 0)),
        out_shape=jax.ShapeDtypeStruct((N, CLS), jnp.float32),
    )(sca, part2, g2, b2)



def kernel(x, edge_index, W1, b1, W2, b2):
    pad = EPAD - E
    padv = N + (jnp.arange(pad, dtype=jnp.int32) % (NPAD - N))
    srcp = jnp.concatenate([edge_index[0], padv]).reshape(ROWS, K)
    dstp = jnp.concatenate([edge_index[1], padv]).reshape(ROWS, K)

    ones16 = jnp.ones((K, 16), jnp.float32)
    zeros16 = jnp.zeros((NPAD, 16), jnp.float32)
    zeros128 = jnp.zeros((NPAD, HID), jnp.bfloat16)
    zeros64 = jnp.zeros((NPAD, CLS), jnp.bfloat16)

    degp = _deg_kernel(dstp, ones16, zeros16)
    g1, dinv, sca = _tc1(degp, x, W1)
    part1 = _spmm128(g1, srcp, dstp, zeros128)
    g2 = _tc2(dinv, sca, part1, g1, W2, b1.reshape(1, HID))
    part2 = _spmm64(g2, srcp, dstp, zeros64)
    return _tc3(sca, part2, g2, b2.reshape(1, CLS))

# --- scband reference (transcript-rebuilt; emitter-appended) ---
"""Pipeline reference for scband-gcn-63780264346287 (READ-ONLY COPY).

The authoritative reference and input builder live on the scoring server;
editing this copy changes nothing except your own understanding.
"""

import jax, jax.numpy as jnp
import numpy as np

N = 10000
E = 320000
F_IN = 128
HID = 128
CLS = 64


def setup_inputs(seed: int = 0) -> dict:
    key = jax.random.key(seed)
    k1, k2, k3, k4, k5, k6 = jax.random.split(key, 6)
    x = jax.random.normal(k1, (N, F_IN), dtype=jnp.float32)
    edge_index = jax.random.randint(k2, (2, E), 0, N, dtype=jnp.int32)
    # GCNConv linear weights (glorot-style init) and biases
    W1 = jax.random.normal(k3, (F_IN, HID), dtype=jnp.float32) * (1.0 / np.sqrt(F_IN))
    b1 = jnp.zeros((HID,), dtype=jnp.float32)
    W2 = jax.random.normal(k4, (HID, CLS), dtype=jnp.float32) * (1.0 / np.sqrt(HID))
    b2 = jnp.zeros((CLS,), dtype=jnp.float32)
    return {"x": x, "edge_index": edge_index, "W1": W1, "b1": b1, "W2": W2, "b2": b2}


def reference(x, edge_index, W1, b1, W2, b2):
    # PyG GCNConv(normalize=True, add_self_loops=True) with aggr='mean':
    # messages are norm-weighted transformed features, aggregated by MEAN over dst.
    loop = jnp.arange(N, dtype=edge_index.dtype)
    src = jnp.concatenate([edge_index[0], loop])
    dst = jnp.concatenate([edge_index[1], loop])
    ones = jnp.ones(src.shape[0], dtype=jnp.float32)
    deg = jax.ops.segment_sum(ones, dst, num_segments=N)
    deg = jnp.maximum(deg, 1.0)
    dinv = jax.lax.rsqrt(deg)
    norm = dinv[src] * dinv[dst]

    def conv(h, W, b):
        h = h @ W
        msg = norm[:, None] * jnp.take(h, src, axis=0)
        agg = jax.ops.segment_sum(msg, dst, num_segments=N)
        agg = agg / deg[:, None]  # mean aggregation
        return agg + b

    h = jax.nn.relu(conv(x, W1, b1))
    out = conv(h, W2, b2)
    return jax.nn.log_softmax(out, axis=1)

if __name__ == "__main__":
    import jax
    _d = setup_inputs()
    print(jax.jit(kernel)(*tuple(_d.values())))

</pallas_src>

<mosaic_0001>
#map = affine_map<(d0, d1) -> (0, 0)>
#map1 = affine_map<(d0, d1) -> (0, 0, 0)>
module attributes {stable_mosaic.version = 14 : i64} {
  func.func @body(%arg0: i32, %arg1: i32, %arg2: memref<10240x64xbf16, #tpu.memory_space<hbm>>, %arg3: memref<2560x128xi32, #tpu.memory_space<hbm>>, %arg4: memref<2560x128xi32, #tpu.memory_space<hbm>>, %arg5: memref<10240x64xbf16, #tpu.memory_space<hbm>>, %arg6: memref<2x10240x64xbf16, #tpu.memory_space<hbm>>, %arg7: memref<80x128xi32, #tpu.memory_space<vmem>>, %arg8: memref<80x128xi32, #tpu.memory_space<vmem>>, %arg9: memref<8x128x64xbf16, #tpu.memory_space<vmem>>, %arg10: memref<10240x64xbf16, #tpu.memory_space<vmem_shared>>, %arg11: memref<!tpu.dma_semaphore, #tpu.memory_space<semaphore_mem>>, %arg12: memref<!tpu.dma_semaphore, #tpu.memory_space<semaphore_mem>>, %arg13: memref<!tpu.dma_semaphore, #tpu.memory_space<semaphore_mem>>, %arg14: memref<!tpu.dma_semaphore, #tpu.memory_space<semaphore_mem>>, %arg15: memref<!tpu.dma_semaphore, #tpu.memory_space<semaphore_mem>>, %arg16: memref<!tpu.dma_semaphore, #tpu.memory_space<semaphore_mem>>, %arg17: memref<!tpu.dma_semaphore, #tpu.memory_space<semaphore_mem>>, %arg18: memref<!tpu.dma_semaphore, #tpu.memory_space<semaphore_mem>>) attributes {dimension_semantics = [#tpu.dimension_semantics<core_parallel>, #tpu.dimension_semantics<subcore_parallel>], iteration_bounds = array<i64: 2, 16>, scalar_prefetch = 0 : i64, scratch_operands = 12 : i64, tpu.core_type = #tpu.core_type<sc_vector_subcore>, window_params = [{transform_indices = #map}, {transform_indices = #map}, {transform_indices = #map}, {transform_indices = #map}, {transform_indices = #map1}]} {
    %mul3A = arith.constant 640 : i32
    %mul3A_0 = arith.muli %arg1, %mul3A : i32
    %eq3A = arith.constant 0 : i32
    %eq3A_1 = arith.cmpi eq, %arg0, %eq3A : i32
    %mul3A_2 = arith.constant 80 : i32
    %mul3A_3 = arith.muli %arg1, %mul3A_2 : i32
    %mul3A_4 = arith.constant 80 : i32
    %mul3A_5 = arith.muli %arg1, %mul3A_4 : i32
    %add3A = arith.constant 1280 : i32
    %add3A_6 = arith.addi %add3A, %mul3A_5 : i32
    %select_n3A = arith.select %eq3A_1, %mul3A_3, %add3A_6 : i32
    "tpu.region"() ({
      %run_scoped3A = tpu.sem_alloc : memref<!tpu.dma_semaphore, #tpu.memory_space<semaphore_mem>>
      %dma_start3A_96 = arith.constant 0 : i32
      %dma_start3A_97 = tpu.memref_slice %arg10[%mul3A_0, %dma_start3A_96] : memref<10240x64xbf16, #tpu.memory_space<vmem_shared>> -> memref<640x64xbf16, #tpu.memory_space<vmem_shared>>
      %dma_start3A_98 = arith.constant 0 : i32
      %dma_start3A_99 = tpu.memref_slice %arg5[%mul3A_0, %dma_start3A_98] : memref<10240x64xbf16, #tpu.memory_space<hbm>> -> memref<640x64xbf16, #tpu.memory_space<hbm>>
      tpu.enqueue_dma source(%dma_start3A_99 : memref<640x64xbf16, #tpu.memory_space<hbm>>) target(%dma_start3A_97 : memref<640x64xbf16, #tpu.memory_space<vmem_shared>>) target_semaphore(%run_scoped3A : memref<!tpu.dma_semaphore, #tpu.memory_space<semaphore_mem>>)
      %dma_wait3A = arith.constant 0 : i32
      %dma_wait3A_100 = tpu.memref_slice %arg10[%mul3A_0, %dma_wait3A] : memref<10240x64xbf16, #tpu.memory_space<vmem_shared>> -> memref<640x64xbf16, #tpu.memory_space<vmem_shared>>
      %dma_wait3A_101 = arith.constant 0 : i32
      %dma_wait3A_102 = tpu.memref_slice %arg5[%mul3A_0, %dma_wait3A_101] : memref<10240x64xbf16, #tpu.memory_space<hbm>> -> memref<640x64xbf16, #tpu.memory_space<hbm>>
      tpu.wait_dma2 semaphore(%run_scoped3A : memref<!tpu.dma_semaphore, #tpu.memory_space<semaphore_mem>>) src(%dma_wait3A_102 : memref<640x64xbf16, #tpu.memory_space<hbm>>) dst(%dma_wait3A_100 : memref<640x64xbf16, #tpu.memory_space<vmem_shared>>)
      tpu.yield
    }) : () -> ()
    "tpu.region"() ({
      %run_scoped3A = tpu.sem_alloc : memref<!tpu.dma_semaphore, #tpu.memory_space<semaphore_mem>>
      %dma_start3A_96 = arith.constant 0 : i32
      %dma_start3A_97 = tpu.memref_slice %arg3[%select_n3A, %dma_start3A_96] : memref<2560x128xi32, #tpu.memory_space<hbm>> -> memref<80x128xi32, #tpu.memory_space<hbm>>
      %dma_start3A_98 = arith.constant 0 : i32
      %dma_start3A_99 = tpu.memref_slice %arg3[%select_n3A, %dma_start3A_98] : memref<2560x128xi32, #tpu.memory_space<hbm>> -> memref<80x128xi32, #tpu.memory_space<hbm>>
      tpu.enqueue_dma source(%dma_start3A_99 : memref<80x128xi32, #tpu.memory_space<hbm>>) target(%arg7 : memref<80x128xi32, #tpu.memory_space<vmem>>) target_semaphore(%run_scoped3A : memref<!tpu.dma_semaphore, #tpu.memory_space<semaphore_mem>>)
      %dma_wait3A = arith.constant 0 : i32
      %dma_wait3A_100 = tpu.memref_slice %arg3[%select_n3A, %dma_wait3A] : memref<2560x128xi32, #tpu.memory_space<hbm>> -> memref<80x128xi32, #tpu.memory_space<hbm>>
      %dma_wait3A_101 = arith.constant 0 : i32
      %dma_wait3A_102 = tpu.memref_slice %arg3[%select_n3A, %dma_wait3A_101] : memref<2560x128xi32, #tpu.memory_space<hbm>> -> memref<80x128xi32, #tpu.memory_space<hbm>>
      tpu.wait_dma2 semaphore(%run_scoped3A : memref<!tpu.dma_semaphore, #tpu.memory_space<semaphore_mem>>) src(%dma_wait3A_102 : memref<80x128xi32, #tpu.memory_space<hbm>>) dst(%arg7 : memref<80x128xi32, #tpu.memory_space<vmem>>)
      tpu.yield
    }) : () -> ()
    "tpu.region"() ({
      %run_scoped3A = tpu.sem_alloc : memref<!tpu.dma_semaphore, #tpu.memory_space<semaphore_mem>>
      %dma_start3A_96 = arith.constant 0 : i32
      %dma_start3A_97 = tpu.memref_slice %arg4[%select_n3A, %dma_start3A_96] : memref<2560x128xi32, #tpu.memory_space<hbm>> -> memref<80x128xi32, #tpu.memory_space<hbm>>
      %dma_start3A_98 = arith.constant 0 : i32
      %dma_start3A_99 = tpu.memref_slice %arg4[%select_n3A, %dma_start3A_98] : memref<2560x128xi32, #tpu.memory_space<hbm>> -> memref<80x128xi32, #tpu.memory_space<hbm>>
      tpu.enqueue_dma source(%dma_start3A_99 : memref<80x128xi32, #tpu.memory_space<hbm>>) target(%arg8 : memref<80x128xi32, #tpu.memory_space<vmem>>) target_semaphore(%run_scoped3A : memref<!tpu.dma_semaphore, #tpu.memory_space<semaphore_mem>>)
      %dma_wait3A = arith.constant 0 : i32
      %dma_wait3A_100 = tpu.memref_slice %arg4[%select_n3A, %dma_wait3A] : memref<2560x128xi32, #tpu.memory_space<hbm>> -> memref<80x128xi32, #tpu.memory_space<hbm>>
      %dma_wait3A_101 = arith.constant 0 : i32
      %dma_wait3A_102 = tpu.memref_slice %arg4[%select_n3A, %dma_wait3A_101] : memref<2560x128xi32, #tpu.memory_space<hbm>> -> memref<80x128xi32, #tpu.memory_space<hbm>>
      tpu.wait_dma2 semaphore(%run_scoped3A : memref<!tpu.dma_semaphore, #tpu.memory_space<semaphore_mem>>) src(%dma_wait3A_102 : memref<80x128xi32, #tpu.memory_space<hbm>>) dst(%arg8 : memref<80x128xi32, #tpu.memory_space<vmem>>)
      tpu.yield
    }) : () -> ()
    %barrier3A = arith.constant 0 : index
    tpu.barrier barrier_id(%barrier3A)
    %dma_start3A = arith.constant 0 : i32
    %dma_start3A_7 = arith.constant 0 : i32
    %dma_start3A_8 = arith.constant 0 : i32
    %dma_start3A_9 = arith.constant 0 : i32
    %dma_start3A_10 = tpu.memref_slice %arg9[%dma_start3A_7, %dma_start3A_8, %dma_start3A_9] : memref<8x128x64xbf16, #tpu.memory_space<vmem>> -> memref<1x128x64xbf16, #tpu.memory_space<vmem>>
    %dma_start3A_11 = tpu.memref_squeeze %dma_start3A_10 : memref<1x128x64xbf16, #tpu.memory_space<vmem>> -> memref<128x64xbf16, #tpu.memory_space<vmem>>
    %dma_start3A_12 = arith.constant 0 : i32
    %dma_start3A_13 = tpu.memref_slice %arg7[%dma_start3A, %dma_start3A_12] : memref<80x128xi32, #tpu.memory_space<vmem>> -> memref<1x128xi32, #tpu.memory_space<vmem>>
    %dma_start3A_14 = tpu.memref_squeeze %dma_start3A_13 : memref<1x128xi32, #tpu.memory_space<vmem>> -> memref<128xi32, #tpu.memory_space<vmem>>
    %dma_start3A_15 = arith.constant 0 : i32
    %dma_start3A_16 = arith.constant 0 : i32
    %dma_start3A_17 = tpu.memref_slice %arg2[%dma_start3A_15, %dma_start3A_16] : memref<10240x64xbf16, #tpu.memory_space<hbm>> -> memref<10240x64xbf16, #tpu.memory_space<hbm>>
    tpu.enqueue_indirect_dma source(%dma_start3A_17 : memref<10240x64xbf16, #tpu.memory_space<hbm>>) target(%dma_start3A_11 : memref<128x64xbf16, #tpu.memory_space<vmem>>) offsets(%dma_start3A_14 : memref<128xi32, #tpu.memory_space<vmem>>) semaphore(%arg11 : memref<!tpu.dma_semaphore, #tpu.memory_space<semaphore_mem>>)
    %dma_start3A_18 = arith.constant 1 : i32
    %dma_start3A_19 = arith.constant 1 : i32
    %dma_start3A_20 = arith.constant 0 : i32
    %dma_start3A_21 = arith.constant 0 : i32
    %dma_start3A_22 = tpu.memref_slice %arg9[%dma_start3A_19, %dma_start3A_20, %dma_start3A_21] : memref<8x128x64xbf16, #tpu.memory_space<vmem>> -> memref<1x128x64xbf16, #tpu.memory_space<vmem>>
    %dma_start3A_23 = tpu.memref_squeeze %dma_start3A_22 : memref<1x128x64xbf16, #tpu.memory_space<vmem>> -> memref<128x64xbf16, #tpu.memory_space<vmem>>
    %dma_start3A_24 = arith.constant 0 : i32
    %dma_start3A_25 = tpu.memref_slice %arg7[%dma_start3A_18, %dma_start3A_24] : memref<80x128xi32, #tpu.memory_space<vmem>> -> memref<1x128xi32, #tpu.memory_space<vmem>>
    %dma_start3A_26 = tpu.memref_squeeze %dma_start3A_25 : memref<1x128xi32, #tpu.memory_space<vmem>> -> memref<128xi32, #tpu.memory_space<vmem>>
    %dma_start3A_27 = arith.constant 0 : i32
    %dma_start3A_28 = arith.constant 0 : i32
    %dma_start3A_29 = tpu.memref_slice %arg2[%dma_start3A_27, %dma_start3A_28] : memref<10240x64xbf16, #tpu.memory_space<hbm>> -> memref<10240x64xbf16, #tpu.memory_space<hbm>>
    tpu.enqueue_indirect_dma source(%dma_start3A_29 : memref<10240x64xbf16, #tpu.memory_space<hbm>>) target(%dma_start3A_23 : memref<128x64xbf16, #tpu.memory_space<vmem>>) offsets(%dma_start3A_26 : memref<128xi32, #tpu.memory_space<vmem>>) semaphore(%arg12 : memref<!tpu.dma_semaphore, #tpu.memory_space<semaphore_mem>>)
    %dma_start3A_30 = arith.constant 2 : i32
    %dma_start3A_31 = arith.constant 2 : i32
    %dma_start3A_32 = arith.constant 0 : i32
    %dma_start3A_33 = arith.constant 0 : i32
    %dma_start3A_34 = tpu.memref_slice %arg9[%dma_start3A_31, %dma_start3A_32, %dma_start3A_33] : memref<8x128x64xbf16, #tpu.memory_space<vmem>> -> memref<1x128x64xbf16, #tpu.memory_space<vmem>>
    %dma_start3A_35 = tpu.memref_squeeze %dma_start3A_34 : memref<1x128x64xbf16, #tpu.memory_space<vmem>> -> memref<128x64xbf16, #tpu.memory_space<vmem>>
    %dma_start3A_36 = arith.constant 0 : i32
    %dma_start3A_37 = tpu.memref_slice %arg7[%dma_start3A_30, %dma_start3A_36] : memref<80x128xi32, #tpu.memory_space<vmem>> -> memref<1x128xi32, #tpu.memory_space<vmem>>
    %dma_start3A_38 = tpu.memref_squeeze %dma_start3A_37 : memref<1x128xi32, #tpu.memory_space<vmem>> -> memref<128xi32, #tpu.memory_space<vmem>>
    %dma_start3A_39 = arith.constant 0 : i32
    %dma_start3A_40 = arith.constant 0 : i32
    %dma_start3A_41 = tpu.memref_slice %arg2[%dma_start3A_39, %dma_start3A_40] : memref<10240x64xbf16, #tpu.memory_space<hbm>> -> memref<10240x64xbf16, #tpu.memory_space<hbm>>
    tpu.enqueue_indirect_dma source(%dma_start3A_41 : memref<10240x64xbf16, #tpu.memory_space<hbm>>) target(%dma_start3A_35 : memref<128x64xbf16, #tpu.memory_space<vmem>>) offsets(%dma_start3A_38 : memref<128xi32, #tpu.memory_space<vmem>>) semaphore(%arg13 : memref<!tpu.dma_semaphore, #tpu.memory_space<semaphore_mem>>)
    %dma_start3A_42 = arith.constant 3 : i32
    %dma_start3A_43 = arith.constant 3 : i32
    %dma_start3A_44 = arith.constant 0 : i32
    %dma_start3A_45 = arith.constant 0 : i32
    %dma_start3A_46 = tpu.memref_slice %arg9[%dma_start3A_43, %dma_start3A_44, %dma_start3A_45] : memref<8x128x64xbf16, #tpu.memory_space<vmem>> -> memref<1x128x64xbf16, #tpu.memory_space<vmem>>
    %dma_start3A_47 = tpu.memref_squeeze %dma_start3A_46 : memref<1x128x64xbf16, #tpu.memory_space<vmem>> -> memref<128x64xbf16, #tpu.memory_space<vmem>>
    %dma_start3A_48 = arith.constant 0 : i32
    %dma_start3A_49 = tpu.memref_slice %arg7[%dma_start3A_42, %dma_start3A_48] : memref<80x128xi32, #tpu.memory_space<vmem>> -> memref<1x128xi32, #tpu.memory_space<vmem>>
    %dma_start3A_50 = tpu.memref_squeeze %dma_start3A_49 : memref<1x128xi32, #tpu.memory_space<vmem>> -> memref<128xi32, #tpu.memory_space<vmem>>
    %dma_start3A_51 = arith.constant 0 : i32
    %dma_start3A_52 = arith.constant 0 : i32
    %dma_start3A_53 = tpu.memref_slice %arg2[%dma_start3A_51, %dma_start3A_52] : memref<10240x64xbf16, #tpu.memory_space<hbm>> -> memref<10240x64xbf16, #tpu.memory_space<hbm>>
    tpu.enqueue_indirect_dma source(%dma_start3A_53 : memref<10240x64xbf16, #tpu.memory_space<hbm>>) target(%dma_start3A_47 : memref<128x64xbf16, #tpu.memory_space<vmem>>) offsets(%dma_start3A_50 : memref<128xi32, #tpu.memory_space<vmem>>) semaphore(%arg14 : memref<!tpu.dma_semaphore, #tpu.memory_space<semaphore_mem>>)
    %dma_start3A_54 = arith.constant 4 : i32
    %dma_start3A_55 = arith.constant 4 : i32
    %dma_start3A_56 = arith.constant 0 : i32
    %dma_start3A_57 = arith.constant 0 : i32
    %dma_start3A_58 = tpu.memref_slice %arg9[%dma_start3A_55, %dma_start3A_56, %dma_start3A_57] : memref<8x128x64xbf16, #tpu.memory_space<vmem>> -> memref<1x128x64xbf16, #tpu.memory_space<vmem>>
    %dma_start3A_59 = tpu.memref_squeeze %dma_start3A_58 : memref<1x128x64xbf16, #tpu.memory_space<vmem>> -> memref<128x64xbf16, #tpu.memory_space<vmem>>
    %dma_start3A_60 = arith.constant 0 : i32
    %dma_start3A_61 = tpu.memref_slice %arg7[%dma_start3A_54, %dma_start3A_60] : memref<80x128xi32, #tpu.memory_space<vmem>> -> memref<1x128xi32, #tpu.memory_space<vmem>>
    %dma_start3A_62 = tpu.memref_squeeze %dma_start3A_61 : memref<1x128xi32, #tpu.memory_space<vmem>> -> memref<128xi32, #tpu.memory_space<vmem>>
    %dma_start3A_63 = arith.constant 0 : i32
    %dma_start3A_64 = arith.constant 0 : i32
    %dma_start3A_65 = tpu.memref_slice %arg2[%dma_start3A_63, %dma_start3A_64] : memref<10240x64xbf16, #tpu.memory_space<hbm>> -> memref<10240x64xbf16, #tpu.memory_space<hbm>>
    tpu.enqueue_indirect_dma source(%dma_start3A_65 : memref<10240x64xbf16, #tpu.memory_space<hbm>>) target(%dma_start3A_59 : memref<128x64xbf16, #tpu.memory_space<vmem>>) offsets(%dma_start3A_62 : memref<128xi32, #tpu.memory_space<vmem>>) semaphore(%arg15 : memref<!tpu.dma_semaphore, #tpu.memory_space<semaphore_mem>>)
    %dma_start3A_66 = arith.constant 5 : i32
    %dma_start3A_67 = arith.constant 5 : i32
    %dma_start3A_68 = arith.constant 0 : i32
    %dma_start3A_69 = arith.constant 0 : i32
    %dma_start3A_70 = tpu.memref_slice %arg9[%dma_start3A_67, %dma_start3A_68, %dma_start3A_69] : memref<8x128x64xbf16, #tpu.memory_space<vmem>> -> memref<1x128x64xbf16, #tpu.memory_space<vmem>>
    %dma_start3A_71 = tpu.memref_squeeze %dma_start3A_70 : memref<1x128x64xbf16, #tpu.memory_space<vmem>> -> memref<128x64xbf16, #tpu.memory_space<vmem>>
    %dma_start3A_72 = arith.constant 0 : i32
    %dma_start3A_73 = tpu.memref_slice %arg7[%dma_start3A_66, %dma_start3A_72] : memref<80x128xi32, #tpu.memory_space<vmem>> -> memref<1x128xi32, #tpu.memory_space<vmem>>
    %dma_start3A_74 = tpu.memref_squeeze %dma_start3A_73 : memref<1x128xi32, #tpu.memory_space<vmem>> -> memref<128xi32, #tpu.memory_space<vmem>>
    %dma_start3A_75 = arith.constant 0 : i32
    %dma_start3A_76 = arith.constant 0 : i32
    %dma_start3A_77 = tpu.memref_slice %arg2[%dma_start3A_75, %dma_start3A_76] : memref<10240x64xbf16, #tpu.memory_space<hbm>> -> memref<10240x64xbf16, #tpu.memory_space<hbm>>
    tpu.enqueue_indirect_dma source(%dma_start3A_77 : memref<10240x64xbf16, #tpu.memory_space<hbm>>) target(%dma_start3A_71 : memref<128x64xbf16, #tpu.memory_space<vmem>>) offsets(%dma_start3A_74 : memref<128xi32, #tpu.memory_space<vmem>>) semaphore(%arg16 : memref<!tpu.dma_semaphore, #tpu.memory_space<semaphore_mem>>)
    %dma_start3A_78 = arith.constant 6 : i32
    %dma_start3A_79 = arith.constant 6 : i32
    %dma_start3A_80 = arith.constant 0 : i32
    %dma_start3A_81 = arith.constant 0 : i32
    %dma_start3A_82 = tpu.memref_slice %arg9[%dma_start3A_79, %dma_start3A_80, %dma_start3A_81] : memref<8x128x64xbf16, #tpu.memory_space<vmem>> -> memref<1x128x64xbf16, #tpu.memory_space<vmem>>
    %dma_start3A_83 = tpu.memref_squeeze %dma_start3A_82 : memref<1x128x64xbf16, #tpu.memory_space<vmem>> -> memref<128x64xbf16, #tpu.memory_space<vmem>>
    %dma_start3A_84 = arith.constant 0 : i32
    %dma_start3A_85 = tpu.memref_slice %arg7[%dma_start3A_78, %dma_start3A_84] : memref<80x128xi32, #tpu.memory_space<vmem>> -> memref<1x128xi32, #tpu.memory_space<vmem>>
    %dma_start3A_86 = tpu.memref_squeeze %dma_start3A_85 : memref<1x128xi32, #tpu.memory_space<vmem>> -> memref<128xi32, #tpu.memory_space<vmem>>
    %dma_start3A_87 = arith.constant 0 : i32
    %dma_start3A_88 = arith.constant 0 : i32
    %dma_start3A_89 = tpu.memref_slice %arg2[%dma_start3A_87, %dma_start3A_88] : memref<10240x64xbf16, #tpu.memory_space<hbm>> -> memref<10240x64xbf16, #tpu.memory_space<hbm>>
    tpu.enqueue_indirect_dma source(%dma_start3A_89 : memref<10240x64xbf16, #tpu.memory_space<hbm>>) target(%dma_start3A_83 : memref<128x64xbf16, #tpu.memory_space<vmem>>) offsets(%dma_start3A_86 : memref<128xi32, #tpu.memory_space<vmem>>) semaphore(%arg17 : memref<!tpu.dma_semaphore, #tpu.memory_space<semaphore_mem>>)
    %scan3A = arith.constant 0 : i32
    %scan3A_90 = arith.constant 0 : i32
    %scan3A_91 = arith.constant 10 : i32
    %scan3A_92 = arith.addi %scan3A_90, %scan3A_91 : i32
    %scan3A_93 = arith.constant 1 : i32
    scf.for %scan3A_96 = %scan3A_90 to %scan3A_92 step %scan3A_93  : i32 {
      %mul3A_97 = arith.constant 8 : i32
      %mul3A_98 = arith.muli %mul3A_97, %scan3A_96 : i32
      %add3A_99 = arith.constant 0 : i32
      %add3A_100 = arith.addi %mul3A_98, %add3A_99 : i32
      %add3A_101 = arith.constant 8 : i32
      %add3A_102 = arith.addi %add3A_100, %add3A_101 : i32
      %sub3A = arith.constant 1 : i32
      %sub3A_103 = arith.subi %add3A_102, %sub3A : i32
      %lt3A = arith.constant 80 : i32
      %lt3A_104 = arith.cmpi slt, %sub3A_103, %lt3A : i32
      %convert_element_type3A = arith.extui %lt3A_104 : i1 to i32
      %cond3A = arith.constant 0 : i32
      %cond3A_105 = arith.cmpi ne, %convert_element_type3A, %cond3A : i32
      scf.if %cond3A_105 {
        %add3A_291 = arith.constant 8 : i32
        %add3A_292 = arith.addi %add3A_100, %add3A_291 : i32
        %sub3A_293 = arith.constant 1 : i32
        %sub3A_294 = arith.subi %add3A_292, %sub3A_293 : i32
        %dma_start3A_295 = arith.constant 7 : i32
        %dma_start3A_296 = arith.constant 0 : i32
        %dma_start3A_297 = arith.constant 0 : i32
        %dma_start3A_298 = tpu.memref_slice %arg9[%dma_start3A_295, %dma_start3A_296, %dma_start3A_297] : memref<8x128x64xbf16, #tpu.memory_space<vmem>> -> memref<1x128x64xbf16, #tpu.memory_space<vmem>>
        %dma_start3A_299 = tpu.memref_squeeze %dma_start3A_298 : memref<1x128x64xbf16, #tpu.memory_space<vmem>> -> memref<128x64xbf16, #tpu.memory_space<vmem>>
        %dma_start3A_300 = arith.constant 0 : i32
        %dma_start3A_301 = tpu.memref_slice %arg7[%sub3A_294, %dma_start3A_300] : memref<80x128xi32, #tpu.memory_space<vmem>> -> memref<1x128xi32, #tpu.memory_space<vmem>>
        %dma_start3A_302 = tpu.memref_squeeze %dma_start3A_301 : memref<1x128xi32, #tpu.memory_space<vmem>> -> memref<128xi32, #tpu.memory_space<vmem>>
        %dma_start3A_303 = arith.constant 0 : i32
        %dma_start3A_304 = arith.constant 0 : i32
        %dma_start3A_305 = tpu.memref_slice %arg2[%dma_start3A_303, %dma_start3A_304] : memref<10240x64xbf16, #tpu.memory_space<hbm>> -> memref<10240x64xbf16, #tpu.memory_space<hbm>>
        tpu.enqueue_indirect_dma source(%dma_start3A_305 : memref<10240x64xbf16, #tpu.memory_space<hbm>>) target(%dma_start3A_299 : memref<128x64xbf16, #tpu.memory_space<vmem>>) offsets(%dma_start3A_302 : memref<128xi32, #tpu.memory_space<vmem>>) semaphore(%arg18 : memref<!tpu.dma_semaphore, #tpu.memory_space<semaphore_mem>>)
      } else {
      }
      %dma_wait3A = arith.constant 0 : i32
      %dma_wait3A_106 = arith.constant 0 : i32
      %dma_wait3A_107 = arith.constant 0 : i32
      %dma_wait3A_108 = tpu.memref_slice %arg9[%dma_wait3A, %dma_wait3A_106, %dma_wait3A_107] : memref<8x128x64xbf16, #tpu.memory_space<vmem>> -> memref<1x128x64xbf16, #tpu.memory_space<vmem>>
      %dma_wait3A_109 = tpu.memref_squeeze %dma_wait3A_108 : memref<1x128x64xbf16, #tpu.memory_space<vmem>> -> memref<128x64xbf16, #tpu.memory_space<vmem>>
      %dma_wait3A_110 = arith.constant 0 : i32
      %dma_wait3A_111 = tpu.memref_slice %arg7[%add3A_100, %dma_wait3A_110] : memref<80x128xi32, #tpu.memory_space<vmem>> -> memref<1x128xi32, #tpu.memory_space<vmem>>
      %dma_wait3A_112 = tpu.memref_squeeze %dma_wait3A_111 : memref<1x128xi32, #tpu.memory_space<vmem>> -> memref<128xi32, #tpu.memory_space<vmem>>
      %dma_wait3A_113 = arith.constant 0 : i32
      %dma_wait3A_114 = arith.constant 0 : i32
      %dma_wait3A_115 = tpu.memref_slice %arg2[%dma_wait3A_113, %dma_wait3A_114] : memref<10240x64xbf16, #tpu.memory_space<hbm>> -> memref<10240x64xbf16, #tpu.memory_space<hbm>>
      tpu.wait_indirect_dma semaphore(%arg11 : memref<!tpu.dma_semaphore, #tpu.memory_space<semaphore_mem>>) src(%dma_wait3A_115 : memref<10240x64xbf16, #tpu.memory_space<hbm>>) dst(%dma_wait3A_109 : memref<128x64xbf16, #tpu.memory_space<vmem>>)
      %run_scoped3A = arith.constant 0 : i32
      "tpu.region"() ({
        %run_scoped3A_291 = tpu.sem_alloc : memref<!tpu.dma_semaphore, #tpu.memory_space<semaphore_mem>>
        %dma_start3A_292 = arith.constant 0 : i32
        %dma_start3A_293 = arith.constant 0 : i32
        %dma_start3A_294 = tpu.memref_slice %arg9[%run_scoped3A, %dma_start3A_292, %dma_start3A_293] : memref<8x128x64xbf16, #tpu.memory_space<vmem>> -> memref<1x128x64xbf16, #tpu.memory_space<vmem>>
        %dma_start3A_295 = tpu.memref_squeeze %dma_start3A_294 : memref<1x128x64xbf16, #tpu.memory_space<vmem>> -> memref<128x64xbf16, #tpu.memory_space<vmem>>
        %dma_start3A_296 = arith.constant 0 : i32
        %dma_start3A_297 = tpu.memref_slice %arg8[%add3A_100, %dma_start3A_296] : memref<80x128xi32, #tpu.memory_space<vmem>> -> memref<1x128xi32, #tpu.memory_space<vmem>>
        %dma_start3A_298 = tpu.memref_squeeze %dma_start3A_297 : memref<1x128xi32, #tpu.memory_space<vmem>> -> memref<128xi32, #tpu.memory_space<vmem>>
        %dma_start3A_299 = arith.constant 0 : i32
        %dma_start3A_300 = arith.constant 0 : i32
        %dma_start3A_301 = tpu.memref_slice %arg10[%dma_start3A_299, %dma_start3A_300] : memref<10240x64xbf16, #tpu.memory_space<vmem_shared>> -> memref<10240x64xbf16, #tpu.memory_space<vmem_shared>>
        tpu.enqueue_indirect_dma source(%dma_start3A_295 : memref<128x64xbf16, #tpu.memory_space<vmem>>) target(%dma_start3A_301 : memref<10240x64xbf16, #tpu.memory_space<vmem_shared>>) offsets(%dma_start3A_298 : memref<128xi32, #tpu.memory_space<vmem>>) semaphore(%run_scoped3A_291 : memref<!tpu.dma_semaphore, #tpu.memory_space<semaphore_mem>>) {add = true}
        %dma_wait3A_302 = arith.constant 0 : i32
        %dma_wait3A_303 = arith.constant 0 : i32
        %dma_wait3A_304 = tpu.memref_slice %arg9[%run_scoped3A, %dma_wait3A_302, %dma_wait3A_303] : memref<8x128x64xbf16, #tpu.memory_space<vmem>> -> memref<1x128x64xbf16, #tpu.memory_space<vmem>>
        %dma_wait3A_305 = tpu.memref_squeeze %dma_wait3A_304 : memref<1x128x64xbf16, #tpu.memory_space<vmem>> -> memref<128x64xbf16, #tpu.memory_space<vmem>>
        %dma_wait3A_306 = arith.constant 0 : i32
        %dma_wait3A_307 = tpu.memref_slice %arg8[%add3A_100, %dma_wait3A_306] : memref<80x128xi32, #tpu.memory_space<vmem>> -> memref<1x128xi32, #tpu.memory_space<vmem>>
        %dma_wait3A_308 = tpu.memref_squeeze %dma_wait3A_307 : memref<1x128xi32, #tpu.memory_space<vmem>> -> memref<128xi32, #tpu.memory_space<vmem>>
        %dma_wait3A_309 = arith.constant 0 : i32
        %dma_wait3A_310 = arith.constant 0 : i32
        %dma_wait3A_311 = tpu.memref_slice %arg10[%dma_wait3A_309, %dma_wait3A_310] : memref<10240x64xbf16, #tpu.memory_space<vmem_shared>> -> memref<10240x64xbf16, #tpu.memory_space<vmem_shared>>
        tpu.wait_indirect_dma semaphore(%run_scoped3A_291 : memref<!tpu.dma_semaphore, #tpu.memory_space<semaphore_mem>>) src(%dma_wait3A_305 : memref<128x64xbf16, #tpu.memory_space<vmem>>) dst(%dma_wait3A_311 : memref<10240x64xbf16, #tpu.memory_space<vmem_shared>>)
        tpu.yield
      }) : () -> ()
      %mul3A_116 = arith.constant 8 : i32
      %mul3A_117 = arith.muli %mul3A_116, %scan3A_96 : i32
      %add3A_118 = arith.constant 1 : i32
      %add3A_119 = arith.addi %mul3A_117, %add3A_118 : i32
      %add3A_120 = arith.constant 8 : i32
      %add3A_121 = arith.addi %add3A_119, %add3A_120 : i32
      %sub3A_122 = arith.constant 1 : i32
      %sub3A_123 = arith.subi %add3A_121, %sub3A_122 : i32
      %lt3A_124 = arith.constant 80 : i32
      %lt3A_125 = arith.cmpi slt, %sub3A_123, %lt3A_124 : i32
      %convert_element_type3A_126 = arith.extui %lt3A_125 : i1 to i32
      %cond3A_127 = arith.constant 0 : i32
      %cond3A_128 = arith.cmpi ne, %convert_element_type3A_126, %cond3A_127 : i32
      scf.if %cond3A_128 {
        %add3A_291 = arith.constant 8 : i32
        %add3A_292 = arith.addi %add3A_119, %add3A_291 : i32
        %sub3A_293 = arith.constant 1 : i32
        %sub3A_294 = arith.subi %add3A_292, %sub3A_293 : i32
        %dma_start3A_295 = arith.constant 0 : i32
        %dma_start3A_296 = arith.constant 0 : i32
        %dma_start3A_297 = arith.constant 0 : i32
        %dma_start3A_298 = tpu.memref_slice %arg9[%dma_start3A_295, %dma_start3A_296, %dma_start3A_297] : memref<8x128x64xbf16, #tpu.memory_space<vmem>> -> memref<1x128x64xbf16, #tpu.memory_space<vmem>>
        %dma_start3A_299 = tpu.memref_squeeze %dma_start3A_298 : memref<1x128x64xbf16, #tpu.memory_space<vmem>> -> memref<128x64xbf16, #tpu.memory_space<vmem>>
        %dma_start3A_300 = arith.constant 0 : i32
        %dma_start3A_301 = tpu.memref_slice %arg7[%sub3A_294, %dma_start3A_300] : memref<80x128xi32, #tpu.memory_space<vmem>> -> memref<1x128xi32, #tpu.memory_space<vmem>>
        %dma_start3A_302 = tpu.memref_squeeze %dma_start3A_301 : memref<1x128xi32, #tpu.memory_space<vmem>> -> memref<128xi32, #tpu.memory_space<vmem>>
        %dma_start3A_303 = arith.constant 0 : i32
        %dma_start3A_304 = arith.constant 0 : i32
        %dma_start3A_305 = tpu.memref_slice %arg2[%dma_start3A_303, %dma_start3A_304] : memref<10240x64xbf16, #tpu.memory_space<hbm>> -> memref<10240x64xbf16, #tpu.memory_space<hbm>>
        tpu.enqueue_indirect_dma source(%dma_start3A_305 : memref<10240x64xbf16, #tpu.memory_space<hbm>>) target(%dma_start3A_299 : memref<128x64xbf16, #tpu.memory_space<vmem>>) offsets(%dma_start3A_302 : memref<128xi32, #tpu.memory_space<vmem>>) semaphore(%arg11 : memref<!tpu.dma_semaphore, #tpu.memory_space<semaphore_mem>>)
      } else {
      }
      %dma_wait3A_129 = arith.constant 1 : i32
      %dma_wait3A_130 = arith.constant 0 : i32
      %dma_wait3A_131 = arith.constant 0 : i32
      %dma_wait3A_132 = tpu.memref_slice %arg9[%dma_wait3A_129, %dma_wait3A_130, %dma_wait3A_131] : memref<8x128x64xbf16, #tpu.memory_space<vmem>> -> memref<1x128x64xbf16, #tpu.memory_space<vmem>>
      %dma_wait3A_133 = tpu.memref_squeeze %dma_wait3A_132 : memref<1x128x64xbf16, #tpu.memory_space<vmem>> -> memref<128x64xbf16, #tpu.memory_space<vmem>>
      %dma_wait3A_134 = arith.constant 0 : i32
      %dma_wait3A_135 = tpu.memref_slice %arg7[%add3A_119, %dma_wait3A_134] : memref<80x128xi32, #tpu.memory_space<vmem>> -> memref<1x128xi32, #tpu.memory_space<vmem>>
      %dma_wait3A_136 = tpu.memref_squeeze %dma_wait3A_135 : memref<1x128xi32, #tpu.memory_space<vmem>> -> memref<128xi32, #tpu.memory_space<vmem>>
      %dma_wait3A_137 = arith.constant 0 : i32
      %dma_wait3A_138 = arith.constant 0 : i32
      %dma_wait3A_139 = tpu.memref_slice %arg2[%dma_wait3A_137, %dma_wait3A_138] : memref<10240x64xbf16, #tpu.memory_space<hbm>> -> memref<10240x64xbf16, #tpu.memory_space<hbm>>
      tpu.wait_indirect_dma semaphore(%arg12 : memref<!tpu.dma_semaphore, #tpu.memory_space<semaphore_mem>>) src(%dma_wait3A_139 : memref<10240x64xbf16, #tpu.memory_space<hbm>>) dst(%dma_wait3A_133 : memref<128x64xbf16, #tpu.memory_space<vmem>>)
      %run_scoped3A_140 = arith.constant 1 : i32
      "tpu.region"() ({
        %run_scoped3A_291 = tpu.sem_alloc : memref<!tpu.dma_semaphore, #tpu.memory_space<semaphore_mem>>
        %dma_start3A_292 = arith.constant 0 : i32
        %dma_start3A_293 = arith.constant 0 : i32
        %dma_start3A_294 = tpu.memref_slice %arg9[%run_scoped3A_140, %dma_start3A_292, %dma_start3A_293] : memref<8x128x64xbf16, #tpu.memory_space<vmem>> -> memref<1x128x64xbf16, #tpu.memory_space<vmem>>
        %dma_start3A_295 = tpu.memref_squeeze %dma_start3A_294 : memref<1x128x64xbf16, #tpu.memory_space<vmem>> -> memref<128x64xbf16, #tpu.memory_space<vmem>>
        %dma_start3A_296 = arith.constant 0 : i32
        %dma_start3A_297 = tpu.memref_slice %arg8[%add3A_119, %dma_start3A_296] : memref<80x128xi32, #tpu.memory_space<vmem>> -> memref<1x128xi32, #tpu.memory_space<vmem>>
        %dma_start3A_298 = tpu.memref_squeeze %dma_start3A_297 : memref<1x128xi32, #tpu.memory_space<vmem>> -> memref<128xi32, #tpu.memory_space<vmem>>
        %dma_start3A_299 = arith.constant 0 : i32
        %dma_start3A_300 = arith.constant 0 : i32
        %dma_start3A_301 = tpu.memref_slice %arg10[%dma_start3A_299, %dma_start3A_300] : memref<10240x64xbf16, #tpu.memory_space<vmem_shared>> -> memref<10240x64xbf16, #tpu.memory_space<vmem_shared>>
        tpu.enqueue_indirect_dma source(%dma_start3A_295 : memref<128x64xbf16, #tpu.memory_space<vmem>>) target(%dma_start3A_301 : memref<10240x64xbf16, #tpu.memory_space<vmem_shared>>) offsets(%dma_start3A_298 : memref<128xi32, #tpu.memory_space<vmem>>) semaphore(%run_scoped3A_291 : memref<!tpu.dma_semaphore, #tpu.memory_space<semaphore_mem>>) {add = true}
        %dma_wait3A_302 = arith.constant 0 : i32
        %dma_wait3A_303 = arith.constant 0 : i32
        %dma_wait3A_304 = tpu.memref_slice %arg9[%run_scoped3A_140, %dma_wait3A_302, %dma_wait3A_303] : memref<8x128x64xbf16, #tpu.memory_space<vmem>> -> memref<1x128x64xbf16, #tpu.memory_space<vmem>>
        %dma_wait3A_305 = tpu.memref_squeeze %dma_wait3A_304 : memref<1x128x64xbf16, #tpu.memory_space<vmem>> -> memref<128x64xbf16, #tpu.memory_space<vmem>>
        %dma_wait3A_306 = arith.constant 0 : i32
        %dma_wait3A_307 = tpu.memref_slice %arg8[%add3A_119, %dma_wait3A_306] : memref<80x128xi32, #tpu.memory_space<vmem>> -> memref<1x128xi32, #tpu.memory_space<vmem>>
        %dma_wait3A_308 = tpu.memref_squeeze %dma_wait3A_307 : memref<1x128xi32, #tpu.memory_space<vmem>> -> memref<128xi32, #tpu.memory_space<vmem>>
        %dma_wait3A_309 = arith.constant 0 : i32
        %dma_wait3A_310 = arith.constant 0 : i32
        %dma_wait3A_311 = tpu.memref_slice %arg10[%dma_wait3A_309, %dma_wait3A_310] : memref<10240x64xbf16, #tpu.memory_space<vmem_shared>> -> memref<10240x64xbf16, #tpu.memory_space<vmem_shared>>
        tpu.wait_indirect_dma semaphore(%run_scoped3A_291 : memref<!tpu.dma_semaphore, #tpu.memory_space<semaphore_mem>>) src(%dma_wait3A_305 : memref<128x64xbf16, #tpu.memory_space<vmem>>) dst(%dma_wait3A_311 : memref<10240x64xbf16, #tpu.memory_space<vmem_shared>>)
        tpu.yield
      }) : () -> ()
      %mul3A_141 = arith.constant 8 : i32
      %mul3A_142 = arith.muli %mul3A_141, %scan3A_96 : i32
      %add3A_143 = arith.constant 2 : i32
      %add3A_144 = arith.addi %mul3A_142, %add3A_143 : i32
      %add3A_145 = arith.constant 8 : i32
      %add3A_146 = arith.addi %add3A_144, %add3A_145 : i32
      %sub3A_147 = arith.constant 1 : i32
      %sub3A_148 = arith.subi %add3A_146, %sub3A_147 : i32
      %lt3A_149 = arith.constant 80 : i32
      %lt3A_150 = arith.cmpi slt, %sub3A_148, %lt3A_149 : i32
      %convert_element_type3A_151 = arith.extui %lt3A_150 : i1 to i32
      %cond3A_152 = arith.constant 0 : i32
      %cond3A_153 = arith.cmpi ne, %convert_element_type3A_151, %cond3A_152 : i32
      scf.if %cond3A_153 {
        %add3A_291 = arith.constant 8 : i32
        %add3A_292 = arith.addi %add3A_144, %add3A_291 : i32
        %sub3A_293 = arith.constant 1 : i32
        %sub3A_294 = arith.subi %add3A_292, %sub3A_293 : i32
        %dma_start3A_295 = arith.constant 1 : i32
        %dma_start3A_296 = arith.constant 0 : i32
        %dma_start3A_297 = arith.constant 0 : i32
        %dma_start3A_298 = tpu.memref_slice %arg9[%dma_start3A_295, %dma_start3A_296, %dma_start3A_297] : memref<8x128x64xbf16, #tpu.memory_space<vmem>> -> memref<1x128x64xbf16, #tpu.memory_space<vmem>>
        %dma_start3A_299 = tpu.memref_squeeze %dma_start3A_298 : memref<1x128x64xbf16, #tpu.memory_space<vmem>> -> memref<128x64xbf16, #tpu.memory_space<vmem>>
        %dma_start3A_300 = arith.constant 0 : i32
        %dma_start3A_301 = tpu.memref_slice %arg7[%sub3A_294, %dma_start3A_300] : memref<80x128xi32, #tpu.memory_space<vmem>> -> memref<1x128xi32, #tpu.memory_space<vmem>>
        %dma_start3A_302 = tpu.memref_squeeze %dma_start3A_301 : memref<1x128xi32, #tpu.memory_space<vmem>> -> memref<128xi32, #tpu.memory_space<vmem>>
        %dma_start3A_303 = arith.constant 0 : i32
        %dma_start3A_304 = arith.constant 0 : i32
        %dma_start3A_305 = tpu.memref_slice %arg2[%dma_start3A_303, %dma_start3A_304] : memref<10240x64xbf16, #tpu.memory_space<hbm>> -> memref<10240x64xbf16, #tpu.memory_space<hbm>>
        tpu.enqueue_indirect_dma source(%dma_start3A_305 : memref<10240x64xbf16, #tpu.memory_space<hbm>>) target(%dma_start3A_299 : memref<128x64xbf16, #tpu.memory_space<vmem>>) offsets(%dma_start3A_302 : memref<128xi32, #tpu.memory_space<vmem>>) semaphore(%arg12 : memref<!tpu.dma_semaphore, #tpu.memory_space<semaphore_mem>>)
      } else {
      }
      %dma_wait3A_154 = arith.constant 2 : i32
      %dma_wait3A_155 = arith.constant 0 : i32
      %dma_wait3A_156 = arith.constant 0 : i32
      %dma_wait3A_157 = tpu.memref_slice %arg9[%dma_wait3A_154, %dma_wait3A_155, %dma_wait3A_156] : memref<8x128x64xbf16, #tpu.memory_space<vmem>> -> memref<1x128x64xbf16, #tpu.memory_space<vmem>>
      %dma_wait3A_158 = tpu.memref_squeeze %dma_wait3A_157 : memref<1x128x64xbf16, #tpu.memory_space<vmem>> -> memref<128x64xbf16, #tpu.memory_space<vmem>>
      %dma_wait3A_159 = arith.constant 0 : i32
      %dma_wait3A_160 = tpu.memref_slice %arg7[%add3A_144, %dma_wait3A_159] : memref<80x128xi32, #tpu.memory_space<vmem>> -> memref<1x128xi32, #tpu.memory_space<vmem>>
      %dma_wait3A_161 = tpu.memref_squeeze %dma_wait3A_160 : memref<1x128xi32, #tpu.memory_space<vmem>> -> memref<128xi32, #tpu.memory_space<vmem>>
      %dma_wait3A_162 = arith.constant 0 : i32
      %dma_wait3A_163 = arith.constant 0 : i32
      %dma_wait3A_164 = tpu.memref_slice %arg2[%dma_wait3A_162, %dma_wait3A_163] : memref<10240x64xbf16, #tpu.memory_space<hbm>> -> memref<10240x64xbf16, #tpu.memory_space<hbm>>
      tpu.wait_indirect_dma semaphore(%arg13 : memref<!tpu.dma_semaphore, #tpu.memory_space<semaphore_mem>>) src(%dma_wait3A_164 : memref<10240x64xbf16, #tpu.memory_space<hbm>>) dst(%dma_wait3A_158 : memref<128x64xbf16, #tpu.memory_space<vmem>>)
      %run_scoped3A_165 = arith.constant 2 : i32
      "tpu.region"() ({
        %run_scoped3A_291 = tpu.sem_alloc : memref<!tpu.dma_semaphore, #tpu.memory_space<semaphore_mem>>
        %dma_start3A_292 = arith.constant 0 : i32
        %dma_start3A_293 = arith.constant 0 : i32
        %dma_start3A_294 = tpu.memref_slice %arg9[%run_scoped3A_165, %dma_start3A_292, %dma_start3A_293] : memref<8x128x64xbf16, #tpu.memory_space<vmem>> -> memref<1x128x64xbf16, #tpu.memory_space<vmem>>
        %dma_start3A_295 = tpu.memref_squeeze %dma_start3A_294 : memref<1x128x64xbf16, #tpu.memory_space<vmem>> -> memref<128x64xbf16, #tpu.memory_space<vmem>>
        %dma_start3A_296 = arith.constant 0 : i32
        %dma_start3A_297 = tpu.memref_slice %arg8[%add3A_144, %dma_start3A_296] : memref<80x128xi32, #tpu.memory_space<vmem>> -> memref<1x128xi32, #tpu.memory_space<vmem>>
        %dma_start3A_298 = tpu.memref_squeeze %dma_start3A_297 : memref<1x128xi32, #tpu.memory_space<vmem>> -> memref<128xi32, #tpu.memory_space<vmem>>
        %dma_start3A_299 = arith.constant 0 : i32
        %dma_start3A_300 = arith.constant 0 : i32
        %dma_start3A_301 = tpu.memref_slice %arg10[%dma_start3A_299, %dma_start3A_300] : memref<10240x64xbf16, #tpu.memory_space<vmem_shared>> -> memref<10240x64xbf16, #tpu.memory_space<vmem_shared>>
        tpu.enqueue_indirect_dma source(%dma_start3A_295 : memref<128x64xbf16, #tpu.memory_space<vmem>>) target(%dma_start3A_301 : memref<10240x64xbf16, #tpu.memory_space<vmem_shared>>) offsets(%dma_start3A_298 : memref<128xi32, #tpu.memory_space<vmem>>) semaphore(%run_scoped3A_291 : memref<!tpu.dma_semaphore, #tpu.memory_space<semaphore_mem>>) {add = true}
        %dma_wait3A_302 = arith.constant 0 : i32
        %dma_wait3A_303 = arith.constant 0 : i32
        %dma_wait3A_304 = tpu.memref_slice %arg9[%run_scoped3A_165, %dma_wait3A_302, %dma_wait3A_303] : memref<8x128x64xbf16, #tpu.memory_space<vmem>> -> memref<1x128x64xbf16, #tpu.memory_space<vmem>>
        %dma_wait3A_305 = tpu.memref_squeeze %dma_wait3A_304 : memref<1x128x64xbf16, #tpu.memory_space<vmem>> -> memref<128x64xbf16, #tpu.memory_space<vmem>>
        %dma_wait3A_306 = arith.constant 0 : i32
        %dma_wait3A_307 = tpu.memref_slice %arg8[%add3A_144, %dma_wait3A_306] : memref<80x128xi32, #tpu.memory_space<vmem>> -> memref<1x128xi32, #tpu.memory_space<vmem>>
        %dma_wait3A_308 = tpu.memref_squeeze %dma_wait3A_307 : memref<1x128xi32, #tpu.memory_space<vmem>> -> memref<128xi32, #tpu.memory_space<vmem>>
        %dma_wait3A_309 = arith.constant 0 : i32
        %dma_wait3A_310 = arith.constant 0 : i32
        %dma_wait3A_311 = tpu.memref_slice %arg10[%dma_wait3A_309, %dma_wait3A_310] : memref<10240x64xbf16, #tpu.memory_space<vmem_shared>> -> memref<10240x64xbf16, #tpu.memory_space<vmem_shared>>
        tpu.wait_indirect_dma semaphore(%run_scoped3A_291 : memref<!tpu.dma_semaphore, #tpu.memory_space<semaphore_mem>>) src(%dma_wait3A_305 : memref<128x64xbf16, #tpu.memory_space<vmem>>) dst(%dma_wait3A_311 : memref<10240x64xbf16, #tpu.memory_space<vmem_shared>>)
        tpu.yield
      }) : () -> ()
      %mul3A_166 = arith.constant 8 : i32
      %mul3A_167 = arith.muli %mul3A_166, %scan3A_96 : i32
      %add3A_168 = arith.constant 3 : i32
      %add3A_169 = arith.addi %mul3A_167, %add3A_168 : i32
      %add3A_170 = arith.constant 8 : i32
      %add3A_171 = arith.addi %add3A_169, %add3A_170 : i32
      %sub3A_172 = arith.constant 1 : i32
      %sub3A_173 = arith.subi %add3A_171, %sub3A_172 : i32
      %lt3A_174 = arith.constant 80 : i32
      %lt3A_175 = arith.cmpi slt, %sub3A_173, %lt3A_174 : i32
      %convert_element_type3A_176 = arith.extui %lt3A_175 : i1 to i32
      %cond3A_177 = arith.constant 0 : i32
      %cond3A_178 = arith.cmpi ne, %convert_element_type3A_176, %cond3A_177 : i32
      scf.if %cond3A_178 {
        %add3A_291 = arith.constant 8 : i32
        %add3A_292 = arith.addi %add3A_169, %add3A_291 : i32
        %sub3A_293 = arith.constant 1 : i32
        %sub3A_294 = arith.subi %add3A_292, %sub3A_293 : i32
        %dma_start3A_295 = arith.constant 2 : i32
        %dma_start3A_296 = arith.constant 0 : i32
        %dma_start3A_297 = arith.constant 0 : i32
        %dma_start3A_298 = tpu.memref_slice %arg9[%dma_start3A_295, %dma_start3A_296, %dma_start3A_297] : memref<8x128x64xbf16, #tpu.memory_space<vmem>> -> memref<1x128x64xbf16, #tpu.memory_space<vmem>>
        %dma_start3A_299 = tpu.memref_squeeze %dma_start3A_298 : memref<1x128x64xbf16, #tpu.memory_space<vmem>> -> memref<128x64xbf16, #tpu.memory_space<vmem>>
        %dma_start3A_300 = arith.constant 0 : i32
        %dma_start3A_301 = tpu.memref_slice %arg7[%sub3A_294, %dma_start3A_300] : memref<80x128xi32, #tpu.memory_space<vmem>> -> memref<1x128xi32, #tpu.memory_space<vmem>>
        %dma_start3A_302 = tpu.memref_squeeze %dma_start3A_301 : memref<1x128xi32, #tpu.memory_space<vmem>> -> memref<128xi32, #tpu.memory_space<vmem>>
        %dma_start3A_303 = arith.constant 0 : i32
        %dma_start3A_304 = arith.constant 0 : i32
        %dma_start3A_305 = tpu.memref_slice %arg2[%dma_start3A_303, %dma_start3A_304] : memref<10240x64xbf16, #tpu.memory_space<hbm>> -> memref<10240x64xbf16, #tpu.memory_space<hbm>>
        tpu.enqueue_indirect_dma source(%dma_start3A_305 : memref<10240x64xbf16, #tpu.memory_space<hbm>>) target(%dma_start3A_299 : memref<128x64xbf16, #tpu.memory_space<vmem>>) offsets(%dma_start3A_302 : memref<128xi32, #tpu.memory_space<vmem>>) semaphore(%arg13 : memref<!tpu.dma_semaphore, #tpu.memory_space<semaphore_mem>>)
      } else {
      }
      %dma_wait3A_179 = arith.constant 3 : i32
      %dma_wait3A_180 = arith.constant 0 : i32
      %dma_wait3A_181 = arith.constant 0 : i32
      %dma_wait3A_182 = tpu.memref_slice %arg9[%dma_wait3A_179, %dma_wait3A_180, %dma_wait3A_181] : memref<8x128x64xbf16, #tpu.memory_space<vmem>> -> memref<1x128x64xbf16, #tpu.memory_space<vmem>>
      %dma_wait3A_183 = tpu.memref_squeeze %dma_wait3A_182 : memref<1x128x64xbf16, #tpu.memory_space<vmem>> -> memref<128x64xbf16, #tpu.memory_space<vmem>>
      %dma_wait3A_184 = arith.constant 0 : i32
      %dma_wait3A_185 = tpu.memref_slice %arg7[%add3A_169, %dma_wait3A_184] : memref<80x128xi32, #tpu.memory_space<vmem>> -> memref<1x128xi32, #tpu.memory_space<vmem>>
      %dma_wait3A_186 = tpu.memref_squeeze %dma_wait3A_185 : memref<1x128xi32, #tpu.memory_space<vmem>> -> memref<128xi32, #tpu.memory_space<vmem>>
      %dma_wait3A_187 = arith.constant 0 : i32
      %dma_wait3A_188 = arith.constant 0 : i32
      %dma_wait3A_189 = tpu.memref_slice %arg2[%dma_wait3A_187, %dma_wait3A_188] : memref<10240x64xbf16, #tpu.memory_space<hbm>> -> memref<10240x64xbf16, #tpu.memory_space<hbm>>
      tpu.wait_indirect_dma semaphore(%arg14 : memref<!tpu.dma_semaphore, #tpu.memory_space<semaphore_mem>>) src(%dma_wait3A_189 : memref<10240x64xbf16, #tpu.memory_space<hbm>>) dst(%dma_wait3A_183 : memref<128x64xbf16, #tpu.memory_space<vmem>>)
      %run_scoped3A_190 = arith.constant 3 : i32
      "tpu.region"() ({
        %run_scoped3A_291 = tpu.sem_alloc : memref<!tpu.dma_semaphore, #tpu.memory_space<semaphore_mem>>
        %dma_start3A_292 = arith.constant 0 : i32
        %dma_start3A_293 = arith.constant 0 : i32
        %dma_start3A_294 = tpu.memref_slice %arg9[%run_scoped3A_190, %dma_start3A_292, %dma_start3A_293] : memref<8x128x64xbf16, #tpu.memory_space<vmem>> -> memref<1x128x64xbf16, #tpu.memory_space<vmem>>
        %dma_start3A_295 = tpu.memref_squeeze %dma_start3A_294 : memref<1x128x64xbf16, #tpu.memory_space<vmem>> -> memref<128x64xbf16, #tpu.memory_space<vmem>>
        %dma_start3A_296 = arith.constant 0 : i32
        %dma_start3A_297 = tpu.memref_slice %arg8[%add3A_169, %dma_start3A_296] : memref<80x128xi32, #tpu.memory_space<vmem>> -> memref<1x128xi32, #tpu.memory_space<vmem>>
        %dma_start3A_298 = tpu.memref_squeeze %dma_start3A_297 : memref<1x128xi32, #tpu.memory_space<vmem>> -> memref<128xi32, #tpu.memory_space<vmem>>
        %dma_start3A_299 = arith.constant 0 : i32
        %dma_start3A_300 = arith.constant 0 : i32
        %dma_start3A_301 = tpu.memref_slice %arg10[%dma_start3A_299, %dma_start3A_300] : memref<10240x64xbf16, #tpu.memory_space<vmem_shared>> -> memref<10240x64xbf16, #tpu.memory_space<vmem_shared>>
        tpu.enqueue_indirect_dma source(%dma_start3A_295 : memref<128x64xbf16, #tpu.memory_space<vmem>>) target(%dma_start3A_301 : memref<10240x64xbf16, #tpu.memory_space<vmem_shared>>) offsets(%dma_start3A_298 : memref<128xi32, #tpu.memory_space<vmem>>) semaphore(%run_scoped3A_291 : memref<!tpu.dma_semaphore, #tpu.memory_space<semaphore_mem>>) {add = true}
        %dma_wait3A_302 = arith.constant 0 : i32
        %dma_wait3A_303 = arith.constant 0 : i32
        %dma_wait3A_304 = tpu.memref_slice %arg9[%run_scoped3A_190, %dma_wait3A_302, %dma_wait3A_303] : memref<8x128x64xbf16, #tpu.memory_space<vmem>> -> memref<1x128x64xbf16, #tpu.memory_space<vmem>>
        %dma_wait3A_305 = tpu.memref_squeeze %dma_wait3A_304 : memref<1x128x64xbf16, #tpu.memory_space<vmem>> -> memref<128x64xbf16, #tpu.memory_space<vmem>>
        %dma_wait3A_306 = arith.constant 0 : i32
        %dma_wait3A_307 = tpu.memref_slice %arg8[%add3A_169, %dma_wait3A_306] : memref<80x128xi32, #tpu.memory_space<vmem>> -> memref<1x128xi32, #tpu.memory_space<vmem>>
        %dma_wait3A_308 = tpu.memref_squeeze %dma_wait3A_307 : memref<1x128xi32, #tpu.memory_space<vmem>> -> memref<128xi32, #tpu.memory_space<vmem>>
        %dma_wait3A_309 = arith.constant 0 : i32
        %dma_wait3A_310 = arith.constant 0 : i32
        %dma_wait3A_311 = tpu.memref_slice %arg10[%dma_wait3A_309, %dma_wait3A_310] : memref<10240x64xbf16, #tpu.memory_space<vmem_shared>> -> memref<10240x64xbf16, #tpu.memory_space<vmem_shared>>
        tpu.wait_indirect_dma semaphore(%run_scoped3A_291 : memref<!tpu.dma_semaphore, #tpu.memory_space<semaphore_mem>>) src(%dma_wait3A_305 : memref<128x64xbf16, #tpu.memory_space<vmem>>) dst(%dma_wait3A_311 : memref<10240x64xbf16, #tpu.memory_space<vmem_shared>>)
        tpu.yield
      }) : () -> ()
      %mul3A_191 = arith.constant 8 : i32
      %mul3A_192 = arith.muli %mul3A_191, %scan3A_96 : i32
      %add3A_193 = arith.constant 4 : i32
      %add3A_194 = arith.addi %mul3A_192, %add3A_193 : i32
      %add3A_195 = arith.constant 8 : i32
      %add3A_196 = arith.addi %add3A_194, %add3A_195 : i32
      %sub3A_197 = arith.constant 1 : i32
      %sub3A_198 = arith.subi %add3A_196, %sub3A_197 : i32
      %lt3A_199 = arith.constant 80 : i32
      %lt3A_200 = arith.cmpi slt, %sub3A_198, %lt3A_199 : i32
      %convert_element_type3A_201 = arith.extui %lt3A_200 : i1 to i32
      %cond3A_202 = arith.constant 0 : i32
      %cond3A_203 = arith.cmpi ne, %convert_element_type3A_201, %cond3A_202 : i32
      scf.if %cond3A_203 {
        %add3A_291 = arith.constant 8 : i32
        %add3A_292 = arith.addi %add3A_194, %add3A_291 : i32
        %sub3A_293 = arith.constant 1 : i32
        %sub3A_294 = arith.subi %add3A_292, %sub3A_293 : i32
        %dma_start3A_295 = arith.constant 3 : i32
        %dma_start3A_296 = arith.constant 0 : i32
        %dma_start3A_297 = arith.constant 0 : i32
        %dma_start3A_298 = tpu.memref_slice %arg9[%dma_start3A_295, %dma_start3A_296, %dma_start3A_297] : memref<8x128x64xbf16, #tpu.memory_space<vmem>> -> memref<1x128x64xbf16, #tpu.memory_space<vmem>>
        %dma_start3A_299 = tpu.memref_squeeze %dma_start3A_298 : memref<1x128x64xbf16, #tpu.memory_space<vmem>> -> memref<128x64xbf16, #tpu.memory_space<vmem>>
        %dma_start3A_300 = arith.constant 0 : i32
        %dma_start3A_301 = tpu.memref_slice %arg7[%sub3A_294, %dma_start3A_300] : memref<80x128xi32, #tpu.memory_space<vmem>> -> memref<1x128xi32, #tpu.memory_space<vmem>>
        %dma_start3A_302 = tpu.memref_squeeze %dma_start3A_301 : memref<1x128xi32, #tpu.memory_space<vmem>> -> memref<128xi32, #tpu.memory_space<vmem>>
        %dma_start3A_303 = arith.constant 0 : i32
        %dma_start3A_304 = arith.constant 0 : i32
        %dma_start3A_305 = tpu.memref_slice %arg2[%dma_start3A_303, %dma_start3A_304] : memref<10240x64xbf16, #tpu.memory_space<hbm>> -> memref<10240x64xbf16, #tpu.memory_space<hbm>>
        tpu.enqueue_indirect_dma source(%dma_start3A_305 : memref<10240x64xbf16, #tpu.memory_space<hbm>>) target(%dma_start3A_299 : memref<128x64xbf16, #tpu.memory_space<vmem>>) offsets(%dma_start3A_302 : memref<128xi32, #tpu.memory_space<vmem>>) semaphore(%arg14 : memref<!tpu.dma_semaphore, #tpu.memory_space<semaphore_mem>>)
      } else {
      }
      %dma_wait3A_204 = arith.constant 4 : i32
      %dma_wait3A_205 = arith.constant 0 : i32
      %dma_wait3A_206 = arith.constant 0 : i32
      %dma_wait3A_207 = tpu.memref_slice %arg9[%dma_wait3A_204, %dma_wait3A_205, %dma_wait3A_206] : memref<8x128x64xbf16, #tpu.memory_space<vmem>> -> memref<1x128x64xbf16, #tpu.memory_space<vmem>>
      %dma_wait3A_208 = tpu.memref_squeeze %dma_wait3A_207 : memref<1x128x64xbf16, #tpu.memory_space<vmem>> -> memref<128x64xbf16, #tpu.memory_space<vmem>>
      %dma_wait3A_209 = arith.constant 0 : i32
      %dma_wait3A_210 = tpu.memref_slice %arg7[%add3A_194, %dma_wait3A_209] : memref<80x128xi32, #tpu.memory_space<vmem>> -> memref<1x128xi32, #tpu.memory_space<vmem>>
      %dma_wait3A_211 = tpu.memref_squeeze %dma_wait3A_210 : memref<1x128xi32, #tpu.memory_space<vmem>> -> memref<128xi32, #tpu.memory_space<vmem>>
      %dma_wait3A_212 = arith.constant 0 : i32
      %dma_wait3A_213 = arith.constant 0 : i32
      %dma_wait3A_214 = tpu.memref_slice %arg2[%dma_wait3A_212, %dma_wait3A_213] : memref<10240x64xbf16, #tpu.memory_space<hbm>> -> memref<10240x64xbf16, #tpu.memory_space<hbm>>
      tpu.wait_indirect_dma semaphore(%arg15 : memref<!tpu.dma_semaphore, #tpu.memory_space<semaphore_mem>>) src(%dma_wait3A_214 : memref<10240x64xbf16, #tpu.memory_space<hbm>>) dst(%dma_wait3A_208 : memref<128x64xbf16, #tpu.memory_space<vmem>>)
      %run_scoped3A_215 = arith.constant 4 : i32
      "tpu.region"() ({
        %run_scoped3A_291 = tpu.sem_alloc : memref<!tpu.dma_semaphore, #tpu.memory_space<semaphore_mem>>
        %dma_start3A_292 = arith.constant 0 : i32
        %dma_start3A_293 = arith.constant 0 : i32
        %dma_start3A_294 = tpu.memref_slice %arg9[%run_scoped3A_215, %dma_start3A_292, %dma_start3A_293] : memref<8x128x64xbf16, #tpu.memory_space<vmem>> -> memref<1x128x64xbf16, #tpu.memory_space<vmem>>
        %dma_start3A_295 = tpu.memref_squeeze %dma_start3A_294 : memref<1x128x64xbf16, #tpu.memory_space<vmem>> -> memref<128x64xbf16, #tpu.memory_space<vmem>>
        %dma_start3A_296 = arith.constant 0 : i32
        %dma_start3A_297 = tpu.memref_slice %arg8[%add3A_194, %dma_start3A_296] : memref<80x128xi32, #tpu.memory_space<vmem>> -> memref<1x128xi32, #tpu.memory_space<vmem>>
        %dma_start3A_298 = tpu.memref_squeeze %dma_start3A_297 : memref<1x128xi32, #tpu.memory_space<vmem>> -> memref<128xi32, #tpu.memory_space<vmem>>
        %dma_start3A_299 = arith.constant 0 : i32
        %dma_start3A_300 = arith.constant 0 : i32
        %dma_start3A_301 = tpu.memref_slice %arg10[%dma_start3A_299, %dma_start3A_300] : memref<10240x64xbf16, #tpu.memory_space<vmem_shared>> -> memref<10240x64xbf16, #tpu.memory_space<vmem_shared>>
        tpu.enqueue_indirect_dma source(%dma_start3A_295 : memref<128x64xbf16, #tpu.memory_space<vmem>>) target(%dma_start3A_301 : memref<10240x64xbf16, #tpu.memory_space<vmem_shared>>) offsets(%dma_start3A_298 : memref<128xi32, #tpu.memory_space<vmem>>) semaphore(%run_scoped3A_291 : memref<!tpu.dma_semaphore, #tpu.memory_space<semaphore_mem>>) {add = true}
        %dma_wait3A_302 = arith.constant 0 : i32
        %dma_wait3A_303 = arith.constant 0 : i32
        %dma_wait3A_304 = tpu.memref_slice %arg9[%run_scoped3A_215, %dma_wait3A_302, %dma_wait3A_303] : memref<8x128x64xbf16, #tpu.memory_space<vmem>> -> memref<1x128x64xbf16, #tpu.memory_space<vmem>>
        %dma_wait3A_305 = tpu.memref_squeeze %dma_wait3A_304 : memref<1x128x64xbf16, #tpu.memory_space<vmem>> -> memref<128x64xbf16, #tpu.memory_space<vmem>>
        %dma_wait3A_306 = arith.constant 0 : i32
        %dma_wait3A_307 = tpu.memref_slice %arg8[%add3A_194, %dma_wait3A_306] : memref<80x128xi32, #tpu.memory_space<vmem>> -> memref<1x128xi32, #tpu.memory_space<vmem>>
        %dma_wait3A_308 = tpu.memref_squeeze %dma_wait3A_307 : memref<1x128xi32, #tpu.memory_space<vmem>> -> memref<128xi32, #tpu.memory_space<vmem>>
        %dma_wait3A_309 = arith.constant 0 : i32
        %dma_wait3A_310 = arith.constant 0 : i32
        %dma_wait3A_311 = tpu.memref_slice %arg10[%dma_wait3A_309, %dma_wait3A_310] : memref<10240x64xbf16, #tpu.memory_space<vmem_shared>> -> memref<10240x64xbf16, #tpu.memory_space<vmem_shared>>
        tpu.wait_indirect_dma semaphore(%run_scoped3A_291 : memref<!tpu.dma_semaphore, #tpu.memory_space<semaphore_mem>>) src(%dma_wait3A_305 : memref<128x64xbf16, #tpu.memory_space<vmem>>) dst(%dma_wait3A_311 : memref<10240x64xbf16, #tpu.memory_space<vmem_shared>>)
        tpu.yield
      }) : () -> ()
      %mul3A_216 = arith.constant 8 : i32
      %mul3A_217 = arith.muli %mul3A_216, %scan3A_96 : i32
      %add3A_218 = arith.constant 5 : i32
      %add3A_219 = arith.addi %mul3A_217, %add3A_218 : i32
      %add3A_220 = arith.constant 8 : i32
      %add3A_221 = arith.addi %add3A_219, %add3A_220 : i32
      %sub3A_222 = arith.constant 1 : i32
      %sub3A_223 = arith.subi %add3A_221, %sub3A_222 : i32
      %lt3A_224 = arith.constant 80 : i32
      %lt3A_225 = arith.cmpi slt, %sub3A_223, %lt3A_224 : i32
      %convert_element_type3A_226 = arith.extui %lt3A_225 : i1 to i32
      %cond3A_227 = arith.constant 0 : i32
      %cond3A_228 = arith.cmpi ne, %convert_element_type3A_226, %cond3A_227 : i32
      scf.if %cond3A_228 {
        %add3A_291 = arith.constant 8 : i32
        %add3A_292 = arith.addi %add3A_219, %add3A_291 : i32
        %sub3A_293 = arith.constant 1 : i32
        %sub3A_294 = arith.subi %add3A_292, %sub3A_293 : i32
        %dma_start3A_295 = arith.constant 4 : i32
        %dma_start3A_296 = arith.constant 0 : i32
        %dma_start3A_297 = arith.constant 0 : i32
        %dma_start3A_298 = tpu.memref_slice %arg9[%dma_start3A_295, %dma_start3A_296, %dma_start3A_297] : memref<8x128x64xbf16, #tpu.memory_space<vmem>> -> memref<1x128x64xbf16, #tpu.memory_space<vmem>>
        %dma_start3A_299 = tpu.memref_squeeze %dma_start3A_298 : memref<1x128x64xbf16, #tpu.memory_space<vmem>> -> memref<128x64xbf16, #tpu.memory_space<vmem>>
        %dma_start3A_300 = arith.constant 0 : i32
        %dma_start3A_301 = tpu.memref_slice %arg7[%sub3A_294, %dma_start3A_300] : memref<80x128xi32, #tpu.memory_space<vmem>> -> memref<1x128xi32, #tpu.memory_space<vmem>>
        %dma_start3A_302 = tpu.memref_squeeze %dma_start3A_301 : memref<1x128xi32, #tpu.memory_space<vmem>> -> memref<128xi32, #tpu.memory_space<vmem>>
        %dma_start3A_303 = arith.constant 0 : i32
        %dma_start3A_304 = arith.constant 0 : i32
        %dma_start3A_305 = tpu.memref_slice %arg2[%dma_start3A_303, %dma_start3A_304] : memref<10240x64xbf16, #tpu.memory_space<hbm>> -> memref<10240x64xbf16, #tpu.memory_space<hbm>>
        tpu.enqueue_indirect_dma source(%dma_start3A_305 : memref<10240x64xbf16, #tpu.memory_space<hbm>>) target(%dma_start3A_299 : memref<128x64xbf16, #tpu.memory_space<vmem>>) offsets(%dma_start3A_302 : memref<128xi32, #tpu.memory_space<vmem>>) semaphore(%arg15 : memref<!tpu.dma_semaphore, #tpu.memory_space<semaphore_mem>>)
      } else {
      }
      %dma_wait3A_229 = arith.constant 5 : i32
      %dma_wait3A_230 = arith.constant 0 : i32
      %dma_wait3A_231 = arith.constant 0 : i32
      %dma_wait3A_232 = tpu.memref_slice %arg9[%dma_wait3A_229, %dma_wait3A_230, %dma_wait3A_231] : memref<8x128x64xbf16, #tpu.memory_space<vmem>> -> memref<1x128x64xbf16, #tpu.memory_space<vmem>>
      %dma_wait3A_233 = tpu.memref_squeeze %dma_wait3A_232 : memref<1x128x64xbf16, #tpu.memory_space<vmem>> -> memref<128x64xbf16, #tpu.memory_space<vmem>>
      %dma_wait3A_234 = arith.constant 0 : i32
      %dma_wait3A_235 = tpu.memref_slice %arg7[%add3A_219, %dma_wait3A_234] : memref<80x128xi32, #tpu.memory_space<vmem>> -> memref<1x128xi32, #tpu.memory_space<vmem>>
      %dma_wait3A_236 = tpu.memref_squeeze %dma_wait3A_235 : memref<1x128xi32, #tpu.memory_space<vmem>> -> memref<128xi32, #tpu.memory_space<vmem>>
      %dma_wait3A_237 = arith.constant 0 : i32
      %dma_wait3A_238 = arith.constant 0 : i32
      %dma_wait3A_239 = tpu.memref_slice %arg2[%dma_wait3A_237, %dma_wait3A_238] : memref<10240x64xbf16, #tpu.memory_space<hbm>> -> memref<10240x64xbf16, #tpu.memory_space<hbm>>
      tpu.wait_indirect_dma semaphore(%arg16 : memref<!tpu.dma_semaphore, #tpu.memory_space<semaphore_mem>>) src(%dma_wait3A_239 : memref<10240x64xbf16, #tpu.memory_space<hbm>>) dst(%dma_wait3A_233 : memref<128x64xbf16, #tpu.memory_space<vmem>>)
      %run_scoped3A_240 = arith.constant 5 : i32
      "tpu.region"() ({
        %run_scoped3A_291 = tpu.sem_alloc : memref<!tpu.dma_semaphore, #tpu.memory_space<semaphore_mem>>
        %dma_start3A_292 = arith.constant 0 : i32
        %dma_start3A_293 = arith.constant 0 : i32
        %dma_start3A_294 = tpu.memref_slice %arg9[%run_scoped3A_240, %dma_start3A_292, %dma_start3A_293] : memref<8x128x64xbf16, #tpu.memory_space<vmem>> -> memref<1x128x64xbf16, #tpu.memory_space<vmem>>
        %dma_start3A_295 = tpu.memref_squeeze %dma_start3A_294 : memref<1x128x64xbf16, #tpu.memory_space<vmem>> -> memref<128x64xbf16, #tpu.memory_space<vmem>>
        %dma_start3A_296 = arith.constant 0 : i32
        %dma_start3A_297 = tpu.memref_slice %arg8[%add3A_219, %dma_start3A_296] : memref<80x128xi32, #tpu.memory_space<vmem>> -> memref<1x128xi32, #tpu.memory_space<vmem>>
        %dma_start3A_298 = tpu.memref_squeeze %dma_start3A_297 : memref<1x128xi32, #tpu.memory_space<vmem>> -> memref<128xi32, #tpu.memory_space<vmem>>
        %dma_start3A_299 = arith.constant 0 : i32
        %dma_start3A_300 = arith.constant 0 : i32
        %dma_start3A_301 = tpu.memref_slice %arg10[%dma_start3A_299, %dma_start3A_300] : memref<10240x64xbf16, #tpu.memory_space<vmem_shared>> -> memref<10240x64xbf16, #tpu.memory_space<vmem_shared>>
        tpu.enqueue_indirect_dma source(%dma_start3A_295 : memref<128x64xbf16, #tpu.memory_space<vmem>>) target(%dma_start3A_301 : memref<10240x64xbf16, #tpu.memory_space<vmem_shared>>) offsets(%dma_start3A_298 : memref<128xi32, #tpu.memory_space<vmem>>) semaphore(%run_scoped3A_291 : memref<!tpu.dma_semaphore, #tpu.memory_space<semaphore_mem>>) {add = true}
        %dma_wait3A_302 = arith.constant 0 : i32
        %dma_wait3A_303 = arith.constant 0 : i32
        %dma_wait3A_304 = tpu.memref_slice %arg9[%run_scoped3A_240, %dma_wait3A_302, %dma_wait3A_303] : memref<8x128x64xbf16, #tpu.memory_space<vmem>> -> memref<1x128x64xbf16, #tpu.memory_space<vmem>>
        %dma_wait3A_305 = tpu.memref_squeeze %dma_wait3A_304 : memref<1x128x64xbf16, #tpu.memory_space<vmem>> -> memref<128x64xbf16, #tpu.memory_space<vmem>>
        %dma_wait3A_306 = arith.constant 0 : i32
        %dma_wait3A_307 = tpu.memref_slice %arg8[%add3A_219, %dma_wait3A_306] : memref<80x128xi32, #tpu.memory_space<vmem>> -> memref<1x128xi32, #tpu.memory_space<vmem>>
        %dma_wait3A_308 = tpu.memref_squeeze %dma_wait3A_307 : memref<1x128xi32, #tpu.memory_space<vmem>> -> memref<128xi32, #tpu.memory_space<vmem>>
        %dma_wait3A_309 = arith.constant 0 : i32
        %dma_wait3A_310 = arith.constant 0 : i32
        %dma_wait3A_311 = tpu.memref_slice %arg10[%dma_wait3A_309, %dma_wait3A_310] : memref<10240x64xbf16, #tpu.memory_space<vmem_shared>> -> memref<10240x64xbf16, #tpu.memory_space<vmem_shared>>
        tpu.wait_indirect_dma semaphore(%run_scoped3A_291 : memref<!tpu.dma_semaphore, #tpu.memory_space<semaphore_mem>>) src(%dma_wait3A_305 : memref<128x64xbf16, #tpu.memory_space<vmem>>) dst(%dma_wait3A_311 : memref<10240x64xbf16, #tpu.memory_space<vmem_shared>>)
        tpu.yield
      }) : () -> ()
      %mul3A_241 = arith.constant 8 : i32
      %mul3A_242 = arith.muli %mul3A_241, %scan3A_96 : i32
      %add3A_243 = arith.constant 6 : i32
      %add3A_244 = arith.addi %mul3A_242, %add3A_243 : i32
      %add3A_245 = arith.constant 8 : i32
      %add3A_246 = arith.addi %add3A_244, %add3A_245 : i32
      %sub3A_247 = arith.constant 1 : i32
      %sub3A_248 = arith.subi %add3A_246, %sub3A_247 : i32
      %lt3A_249 = arith.constant 80 : i32
      %lt3A_250 = arith.cmpi slt, %sub3A_248, %lt3A_249 : i32
      %convert_element_type3A_251 = arith.extui %lt3A_250 : i1 to i32
      %cond3A_252 = arith.constant 0 : i32
      %cond3A_253 = arith.cmpi ne, %convert_element_type3A_251, %cond3A_252 : i32
      scf.if %cond3A_253 {
        %add3A_291 = arith.constant 8 : i32
        %add3A_292 = arith.addi %add3A_244, %add3A_291 : i32
        %sub3A_293 = arith.constant 1 : i32
        %sub3A_294 = arith.subi %add3A_292, %sub3A_293 : i32
        %dma_start3A_295 = arith.constant 5 : i32
        %dma_start3A_296 = arith.constant 0 : i32
        %dma_start3A_297 = arith.constant 0 : i32
        %dma_start3A_298 = tpu.memref_slice %arg9[%dma_start3A_295, %dma_start3A_296, %dma_start3A_297] : memref<8x128x64xbf16, #tpu.memory_space<vmem>> -> memref<1x128x64xbf16, #tpu.memory_space<vmem>>
        %dma_start3A_299 = tpu.memref_squeeze %dma_start3A_298 : memref<1x128x64xbf16, #tpu.memory_space<vmem>> -> memref<128x64xbf16, #tpu.memory_space<vmem>>
        %dma_start3A_300 = arith.constant 0 : i32
        %dma_start3A_301 = tpu.memref_slice %arg7[%sub3A_294, %dma_start3A_300] : memref<80x128xi32, #tpu.memory_space<vmem>> -> memref<1x128xi32, #tpu.memory_space<vmem>>
        %dma_start3A_302 = tpu.memref_squeeze %dma_start3A_301 : memref<1x128xi32, #tpu.memory_space<vmem>> -> memref<128xi32, #tpu.memory_space<vmem>>
        %dma_start3A_303 = arith.constant 0 : i32
        %dma_start3A_304 = arith.constant 0 : i32
        %dma_start3A_305 = tpu.memref_slice %arg2[%dma_start3A_303, %dma_start3A_304] : memref<10240x64xbf16, #tpu.memory_space<hbm>> -> memref<10240x64xbf16, #tpu.memory_space<hbm>>
        tpu.enqueue_indirect_dma source(%dma_start3A_305 : memref<10240x64xbf16, #tpu.memory_space<hbm>>) target(%dma_start3A_299 : memref<128x64xbf16, #tpu.memory_space<vmem>>) offsets(%dma_start3A_302 : memref<128xi32, #tpu.memory_space<vmem>>) semaphore(%arg16 : memref<!tpu.dma_semaphore, #tpu.memory_space<semaphore_mem>>)
      } else {
      }
      %dma_wait3A_254 = arith.constant 6 : i32
      %dma_wait3A_255 = arith.constant 0 : i32
      %dma_wait3A_256 = arith.constant 0 : i32
      %dma_wait3A_257 = tpu.memref_slice %arg9[%dma_wait3A_254, %dma_wait3A_255, %dma_wait3A_256] : memref<8x128x64xbf16, #tpu.memory_space<vmem>> -> memref<1x128x64xbf16, #tpu.memory_space<vmem>>
      %dma_wait3A_258 = tpu.memref_squeeze %dma_wait3A_257 : memref<1x128x64xbf16, #tpu.memory_space<vmem>> -> memref<128x64xbf16, #tpu.memory_space<vmem>>
      %dma_wait3A_259 = arith.constant 0 : i32
      %dma_wait3A_260 = tpu.memref_slice %arg7[%add3A_244, %dma_wait3A_259] : memref<80x128xi32, #tpu.memory_space<vmem>> -> memref<1x128xi32, #tpu.memory_space<vmem>>
      %dma_wait3A_261 = tpu.memref_squeeze %dma_wait3A_260 : memref<1x128xi32, #tpu.memory_space<vmem>> -> memref<128xi32, #tpu.memory_space<vmem>>
      %dma_wait3A_262 = arith.constant 0 : i32
      %dma_wait3A_263 = arith.constant 0 : i32
      %dma_wait3A_264 = tpu.memref_slice %arg2[%dma_wait3A_262, %dma_wait3A_263] : memref<10240x64xbf16, #tpu.memory_space<hbm>> -> memref<10240x64xbf16, #tpu.memory_space<hbm>>
      tpu.wait_indirect_dma semaphore(%arg17 : memref<!tpu.dma_semaphore, #tpu.memory_space<semaphore_mem>>) src(%dma_wait3A_264 : memref<10240x64xbf16, #tpu.memory_space<hbm>>) dst(%dma_wait3A_258 : memref<128x64xbf16, #tpu.memory_space<vmem>>)
      %run_scoped3A_265 = arith.constant 6 : i32
      "tpu.region"() ({
        %run_scoped3A_291 = tpu.sem_alloc : memref<!tpu.dma_semaphore, #tpu.memory_space<semaphore_mem>>
        %dma_start3A_292 = arith.constant 0 : i32
        %dma_start3A_293 = arith.constant 0 : i32
        %dma_start3A_294 = tpu.memref_slice %arg9[%run_scoped3A_265, %dma_start3A_292, %dma_start3A_293] : memref<8x128x64xbf16, #tpu.memory_space<vmem>> -> memref<1x128x64xbf16, #tpu.memory_space<vmem>>
        %dma_start3A_295 = tpu.memref_squeeze %dma_start3A_294 : memref<1x128x64xbf16, #tpu.memory_space<vmem>> -> memref<128x64xbf16, #tpu.memory_space<vmem>>
        %dma_start3A_296 = arith.constant 0 : i32
        %dma_start3A_297 = tpu.memref_slice %arg8[%add3A_244, %dma_start3A_296] : memref<80x128xi32, #tpu.memory_space<vmem>> -> memref<1x128xi32, #tpu.memory_space<vmem>>
        %dma_start3A_298 = tpu.memref_squeeze %dma_start3A_297 : memref<1x128xi32, #tpu.memory_space<vmem>> -> memref<128xi32, #tpu.memory_space<vmem>>
        %dma_start3A_299 = arith.constant 0 : i32
        %dma_start3A_300 = arith.constant 0 : i32
        %dma_start3A_301 = tpu.memref_slice %arg10[%dma_start3A_299, %dma_start3A_300] : memref<10240x64xbf16, #tpu.memory_space<vmem_shared>> -> memref<10240x64xbf16, #tpu.memory_space<vmem_shared>>
        tpu.enqueue_indirect_dma source(%dma_start3A_295 : memref<128x64xbf16, #tpu.memory_space<vmem>>) target(%dma_start3A_301 : memref<10240x64xbf16, #tpu.memory_space<vmem_shared>>) offsets(%dma_start3A_298 : memref<128xi32, #tpu.memory_space<vmem>>) semaphore(%run_scoped3A_291 : memref<!tpu.dma_semaphore, #tpu.memory_space<semaphore_mem>>) {add = true}
        %dma_wait3A_302 = arith.constant 0 : i32
        %dma_wait3A_303 = arith.constant 0 : i32
        %dma_wait3A_304 = tpu.memref_slice %arg9[%run_scoped3A_265, %dma_wait3A_302, %dma_wait3A_303] : memref<8x128x64xbf16, #tpu.memory_space<vmem>> -> memref<1x128x64xbf16, #tpu.memory_space<vmem>>
        %dma_wait3A_305 = tpu.memref_squeeze %dma_wait3A_304 : memref<1x128x64xbf16, #tpu.memory_space<vmem>> -> memref<128x64xbf16, #tpu.memory_space<vmem>>
        %dma_wait3A_306 = arith.constant 0 : i32
        %dma_wait3A_307 = tpu.memref_slice %arg8[%add3A_244, %dma_wait3A_306] : memref<80x128xi32, #tpu.memory_space<vmem>> -> memref<1x128xi32, #tpu.memory_space<vmem>>
        %dma_wait3A_308 = tpu.memref_squeeze %dma_wait3A_307 : memref<1x128xi32, #tpu.memory_space<vmem>> -> memref<128xi32, #tpu.memory_space<vmem>>
        %dma_wait3A_309 = arith.constant 0 : i32
        %dma_wait3A_310 = arith.constant 0 : i32
        %dma_wait3A_311 = tpu.memref_slice %arg10[%dma_wait3A_309, %dma_wait3A_310] : memref<10240x64xbf16, #tpu.memory_space<vmem_shared>> -> memref<10240x64xbf16, #tpu.memory_space<vmem_shared>>
        tpu.wait_indirect_dma semaphore(%run_scoped3A_291 : memref<!tpu.dma_semaphore, #tpu.memory_space<semaphore_mem>>) src(%dma_wait3A_305 : memref<128x64xbf16, #tpu.memory_space<vmem>>) dst(%dma_wait3A_311 : memref<10240x64xbf16, #tpu.memory_space<vmem_shared>>)
        tpu.yield
      }) : () -> ()
      %mul3A_266 = arith.constant 8 : i32
      %mul3A_267 = arith.muli %mul3A_266, %scan3A_96 : i32
      %add3A_268 = arith.constant 7 : i32
      %add3A_269 = arith.addi %mul3A_267, %add3A_268 : i32
      %add3A_270 = arith.constant 8 : i32
      %add3A_271 = arith.addi %add3A_269, %add3A_270 : i32
      %sub3A_272 = arith.constant 1 : i32
      %sub3A_273 = arith.subi %add3A_271, %sub3A_272 : i32
      %lt3A_274 = arith.constant 80 : i32
      %lt3A_275 = arith.cmpi slt, %sub3A_273, %lt3A_274 : i32
      %convert_element_type3A_276 = arith.extui %lt3A_275 : i1 to i32
      %cond3A_277 = arith.constant 0 : i32
      %cond3A_278 = arith.cmpi ne, %convert_element_type3A_276, %cond3A_277 : i32
      scf.if %cond3A_278 {
        %add3A_291 = arith.constant 8 : i32
        %add3A_292 = arith.addi %add3A_269, %add3A_291 : i32
        %sub3A_293 = arith.constant 1 : i32
        %sub3A_294 = arith.subi %add3A_292, %sub3A_293 : i32
        %dma_start3A_295 = arith.constant 6 : i32
        %dma_start3A_296 = arith.constant 0 : i32
        %dma_start3A_297 = arith.constant 0 : i32
        %dma_start3A_298 = tpu.memref_slice %arg9[%dma_start3A_295, %dma_start3A_296, %dma_start3A_297] : memref<8x128x64xbf16, #tpu.memory_space<vmem>> -> memref<1x128x64xbf16, #tpu.memory_space<vmem>>
        %dma_start3A_299 = tpu.memref_squeeze %dma_start3A_298 : memref<1x128x64xbf16, #tpu.memory_space<vmem>> -> memref<128x64xbf16, #tpu.memory_space<vmem>>
        %dma_start3A_300 = arith.constant 0 : i32
        %dma_start3A_301 = tpu.memref_slice %arg7[%sub3A_294, %dma_start3A_300] : memref<80x128xi32, #tpu.memory_space<vmem>> -> memref<1x128xi32, #tpu.memory_space<vmem>>
        %dma_start3A_302 = tpu.memref_squeeze %dma_start3A_301 : memref<1x128xi32, #tpu.memory_space<vmem>> -> memref<128xi32, #tpu.memory_space<vmem>>
        %dma_start3A_303 = arith.constant 0 : i32
        %dma_start3A_304 = arith.constant 0 : i32
        %dma_start3A_305 = tpu.memref_slice %arg2[%dma_start3A_303, %dma_start3A_304] : memref<10240x64xbf16, #tpu.memory_space<hbm>> -> memref<10240x64xbf16, #tpu.memory_space<hbm>>
        tpu.enqueue_indirect_dma source(%dma_start3A_305 : memref<10240x64xbf16, #tpu.memory_space<hbm>>) target(%dma_start3A_299 : memref<128x64xbf16, #tpu.memory_space<vmem>>) offsets(%dma_start3A_302 : memref<128xi32, #tpu.memory_space<vmem>>) semaphore(%arg17 : memref<!tpu.dma_semaphore, #tpu.memory_space<semaphore_mem>>)
      } else {
      }
      %dma_wait3A_279 = arith.constant 7 : i32
      %dma_wait3A_280 = arith.constant 0 : i32
      %dma_wait3A_281 = arith.constant 0 : i32
      %dma_wait3A_282 = tpu.memref_slice %arg9[%dma_wait3A_279, %dma_wait3A_280, %dma_wait3A_281] : memref<8x128x64xbf16, #tpu.memory_space<vmem>> -> memref<1x128x64xbf16, #tpu.memory_space<vmem>>
      %dma_wait3A_283 = tpu.memref_squeeze %dma_wait3A_282 : memref<1x128x64xbf16, #tpu.memory_space<vmem>> -> memref<128x64xbf16, #tpu.memory_space<vmem>>
      %dma_wait3A_284 = arith.constant 0 : i32
      %dma_wait3A_285 = tpu.memref_slice %arg7[%add3A_269, %dma_wait3A_284] : memref<80x128xi32, #tpu.memory_space<vmem>> -> memref<1x128xi32, #tpu.memory_space<vmem>>
      %dma_wait3A_286 = tpu.memref_squeeze %dma_wait3A_285 : memref<1x128xi32, #tpu.memory_space<vmem>> -> memref<128xi32, #tpu.memory_space<vmem>>
      %dma_wait3A_287 = arith.constant 0 : i32
      %dma_wait3A_288 = arith.constant 0 : i32
      %dma_wait3A_289 = tpu.memref_slice %arg2[%dma_wait3A_287, %dma_wait3A_288] : memref<10240x64xbf16, #tpu.memory_space<hbm>> -> memref<10240x64xbf16, #tpu.memory_space<hbm>>
      tpu.wait_indirect_dma semaphore(%arg18 : memref<!tpu.dma_semaphore, #tpu.memory_space<semaphore_mem>>) src(%dma_wait3A_289 : memref<10240x64xbf16, #tpu.memory_space<hbm>>) dst(%dma_wait3A_283 : memref<128x64xbf16, #tpu.memory_space<vmem>>)
      %run_scoped3A_290 = arith.constant 7 : i32
      "tpu.region"() ({
        %run_scoped3A_291 = tpu.sem_alloc : memref<!tpu.dma_semaphore, #tpu.memory_space<semaphore_mem>>
        %dma_start3A_292 = arith.constant 0 : i32
        %dma_start3A_293 = arith.constant 0 : i32
        %dma_start3A_294 = tpu.memref_slice %arg9[%run_scoped3A_290, %dma_start3A_292, %dma_start3A_293] : memref<8x128x64xbf16, #tpu.memory_space<vmem>> -> memref<1x128x64xbf16, #tpu.memory_space<vmem>>
        %dma_start3A_295 = tpu.memref_squeeze %dma_start3A_294 : memref<1x128x64xbf16, #tpu.memory_space<vmem>> -> memref<128x64xbf16, #tpu.memory_space<vmem>>
        %dma_start3A_296 = arith.constant 0 : i32
        %dma_start3A_297 = tpu.memref_slice %arg8[%add3A_269, %dma_start3A_296] : memref<80x128xi32, #tpu.memory_space<vmem>> -> memref<1x128xi32, #tpu.memory_space<vmem>>
        %dma_start3A_298 = tpu.memref_squeeze %dma_start3A_297 : memref<1x128xi32, #tpu.memory_space<vmem>> -> memref<128xi32, #tpu.memory_space<vmem>>
        %dma_start3A_299 = arith.constant 0 : i32
        %dma_start3A_300 = arith.constant 0 : i32
        %dma_start3A_301 = tpu.memref_slice %arg10[%dma_start3A_299, %dma_start3A_300] : memref<10240x64xbf16, #tpu.memory_space<vmem_shared>> -> memref<10240x64xbf16, #tpu.memory_space<vmem_shared>>
        tpu.enqueue_indirect_dma source(%dma_start3A_295 : memref<128x64xbf16, #tpu.memory_space<vmem>>) target(%dma_start3A_301 : memref<10240x64xbf16, #tpu.memory_space<vmem_shared>>) offsets(%dma_start3A_298 : memref<128xi32, #tpu.memory_space<vmem>>) semaphore(%run_scoped3A_291 : memref<!tpu.dma_semaphore, #tpu.memory_space<semaphore_mem>>) {add = true}
        %dma_wait3A_302 = arith.constant 0 : i32
        %dma_wait3A_303 = arith.constant 0 : i32
        %dma_wait3A_304 = tpu.memref_slice %arg9[%run_scoped3A_290, %dma_wait3A_302, %dma_wait3A_303] : memref<8x128x64xbf16, #tpu.memory_space<vmem>> -> memref<1x128x64xbf16, #tpu.memory_space<vmem>>
        %dma_wait3A_305 = tpu.memref_squeeze %dma_wait3A_304 : memref<1x128x64xbf16, #tpu.memory_space<vmem>> -> memref<128x64xbf16, #tpu.memory_space<vmem>>
        %dma_wait3A_306 = arith.constant 0 : i32
        %dma_wait3A_307 = tpu.memref_slice %arg8[%add3A_269, %dma_wait3A_306] : memref<80x128xi32, #tpu.memory_space<vmem>> -> memref<1x128xi32, #tpu.memory_space<vmem>>
        %dma_wait3A_308 = tpu.memref_squeeze %dma_wait3A_307 : memref<1x128xi32, #tpu.memory_space<vmem>> -> memref<128xi32, #tpu.memory_space<vmem>>
        %dma_wait3A_309 = arith.constant 0 : i32
        %dma_wait3A_310 = arith.constant 0 : i32
        %dma_wait3A_311 = tpu.memref_slice %arg10[%dma_wait3A_309, %dma_wait3A_310] : memref<10240x64xbf16, #tpu.memory_space<vmem_shared>> -> memref<10240x64xbf16, #tpu.memory_space<vmem_shared>>
        tpu.wait_indirect_dma semaphore(%run_scoped3A_291 : memref<!tpu.dma_semaphore, #tpu.memory_space<semaphore_mem>>) src(%dma_wait3A_305 : memref<128x64xbf16, #tpu.memory_space<vmem>>) dst(%dma_wait3A_311 : memref<10240x64xbf16, #tpu.memory_space<vmem_shared>>)
        tpu.yield
      }) : () -> ()
    }
    %scan3A_94 = arith.constant 10 : i32
    %barrier3A_95 = arith.constant 0 : index
    tpu.barrier barrier_id(%barrier3A_95)
    "tpu.region"() ({
      %run_scoped3A = tpu.sem_alloc : memref<!tpu.dma_semaphore, #tpu.memory_space<semaphore_mem>>
      %dma_start3A_96 = arith.constant 0 : i32
      %dma_start3A_97 = tpu.memref_slice %arg6[%arg0, %mul3A_0, %dma_start3A_96] : memref<2x10240x64xbf16, #tpu.memory_space<hbm>> -> memref<1x640x64xbf16, #tpu.memory_space<hbm>>
      %dma_start3A_98 = tpu.memref_squeeze %dma_start3A_97 : memref<1x640x64xbf16, #tpu.memory_space<hbm>> -> memref<640x64xbf16, #tpu.memory_space<hbm>>
      %dma_start3A_99 = arith.constant 0 : i32
      %dma_start3A_100 = tpu.memref_slice %arg10[%mul3A_0, %dma_start3A_99] : memref<10240x64xbf16, #tpu.memory_space<vmem_shared>> -> memref<640x64xbf16, #tpu.memory_space<vmem_shared>>
      tpu.enqueue_dma source(%dma_start3A_100 : memref<640x64xbf16, #tpu.memory_space<vmem_shared>>) target(%dma_start3A_98 : memref<640x64xbf16, #tpu.memory_space<hbm>>) target_semaphore(%run_scoped3A : memref<!tpu.dma_semaphore, #tpu.memory_space<semaphore_mem>>)
      %dma_wait3A = arith.constant 0 : i32
      %dma_wait3A_101 = tpu.memref_slice %arg6[%arg0, %mul3A_0, %dma_wait3A] : memref<2x10240x64xbf16, #tpu.memory_space<hbm>> -> memref<1x640x64xbf16, #tpu.memory_space<hbm>>
      %dma_wait3A_102 = tpu.memref_squeeze %dma_wait3A_101 : memref<1x640x64xbf16, #tpu.memory_space<hbm>> -> memref<640x64xbf16, #tpu.memory_space<hbm>>
      %dma_wait3A_103 = arith.constant 0 : i32
      %dma_wait3A_104 = tpu.memref_slice %arg10[%mul3A_0, %dma_wait3A_103] : memref<10240x64xbf16, #tpu.memory_space<vmem_shared>> -> memref<640x64xbf16, #tpu.memory_space<vmem_shared>>
      tpu.wait_dma2 semaphore(%run_scoped3A : memref<!tpu.dma_semaphore, #tpu.memory_space<semaphore_mem>>) src(%dma_wait3A_104 : memref<640x64xbf16, #tpu.memory_space<vmem_shared>>) dst(%dma_wait3A_102 : memref<640x64xbf16, #tpu.memory_space<hbm>>)
      tpu.yield
    }) : () -> ()
    return
  }
}

#map = affine_map<(d0, d1) -> (0, 0)>
#map1 = affine_map<(d0, d1) -> (0, 0, 0)>
module attributes {stable_mosaic.version = 14 : i64} {
  func.func @body(%arg0: i32, %arg1: i32, %arg2: memref<2560x128xi32, #tpu.memory_space<hbm>>, %arg3: memref<128x16xf32, #tpu.memory_space<hbm>>, %arg4: memref<10240x16xf32, #tpu.memory_space<hbm>>, %arg5: memref<2x10240x16xf32, #tpu.memory_space<hbm>>, %arg6: memref<80x128xi32, #tpu.memory_space<vmem>>, %arg7: memref<128x16xf32, #tpu.memory_space<vmem>>, %arg8: memref<10240x16xf32, #tpu.memory_space<vmem_shared>>, %arg9: memref<!tpu.dma_semaphore, #tpu.memory_space<semaphore_mem>>) attributes {dimension_semantics = [#tpu.dimension_semantics<core_parallel>, #tpu.dimension_semantics<subcore_parallel>], iteration_bounds = array<i64: 2, 16>, scalar_prefetch = 0 : i64, scratch_operands = 4 : i64, tpu.core_type = #tpu.core_type<sc_vector_subcore>, window_params = [{transform_indices = #map}, {transform_indices = #map}, {transform_indices = #map}, {transform_indices = #map1}]} {
    %mul3A = arith.constant 2 : i32
    %mul3A_0 = arith.muli %arg1, %mul3A : i32
    %add3A = arith.addi %mul3A_0, %arg0 : i32
    %mul3A_1 = arith.constant 640 : i32
    %mul3A_2 = arith.muli %arg1, %mul3A_1 : i32
    "tpu.region"() ({
      %run_scoped3A = tpu.sem_alloc : memref<!tpu.dma_semaphore, #tpu.memory_space<semaphore_mem>>
      %dma_start3A = arith.constant 0 : i32
      %dma_start3A_11 = tpu.memref_slice %arg8[%mul3A_2, %dma_start3A] : memref<10240x16xf32, #tpu.memory_space<vmem_shared>> -> memref<640x16xf32, #tpu.memory_space<vmem_shared>>
      %dma_start3A_12 = arith.constant 0 : i32
      %dma_start3A_13 = tpu.memref_slice %arg4[%mul3A_2, %dma_start3A_12] : memref<10240x16xf32, #tpu.memory_space<hbm>> -> memref<640x16xf32, #tpu.memory_space<hbm>>
      tpu.enqueue_dma source(%dma_start3A_13 : memref<640x16xf32, #tpu.memory_space<hbm>>) target(%dma_start3A_11 : memref<640x16xf32, #tpu.memory_space<vmem_shared>>) target_semaphore(%run_scoped3A : memref<!tpu.dma_semaphore, #tpu.memory_space<semaphore_mem>>)
      %dma_wait3A = arith.constant 0 : i32
      %dma_wait3A_14 = tpu.memref_slice %arg8[%mul3A_2, %dma_wait3A] : memref<10240x16xf32, #tpu.memory_space<vmem_shared>> -> memref<640x16xf32, #tpu.memory_space<vmem_shared>>
      %dma_wait3A_15 = arith.constant 0 : i32
      %dma_wait3A_16 = tpu.memref_slice %arg4[%mul3A_2, %dma_wait3A_15] : memref<10240x16xf32, #tpu.memory_space<hbm>> -> memref<640x16xf32, #tpu.memory_space<hbm>>
      tpu.wait_dma2 semaphore(%run_scoped3A : memref<!tpu.dma_semaphore, #tpu.memory_space<semaphore_mem>>) src(%dma_wait3A_16 : memref<640x16xf32, #tpu.memory_space<hbm>>) dst(%dma_wait3A_14 : memref<640x16xf32, #tpu.memory_space<vmem_shared>>)
      tpu.yield
    }) : () -> ()
    "tpu.region"() ({
      %run_scoped3A = tpu.sem_alloc : memref<!tpu.dma_semaphore, #tpu.memory_space<semaphore_mem>>
      tpu.enqueue_dma source(%arg3 : memref<128x16xf32, #tpu.memory_space<hbm>>) target(%arg7 : memref<128x16xf32, #tpu.memory_space<vmem>>) target_semaphore(%run_scoped3A : memref<!tpu.dma_semaphore, #tpu.memory_space<semaphore_mem>>)
      tpu.wait_dma2 semaphore(%run_scoped3A : memref<!tpu.dma_semaphore, #tpu.memory_space<semaphore_mem>>) src(%arg3 : memref<128x16xf32, #tpu.memory_space<hbm>>) dst(%arg7 : memref<128x16xf32, #tpu.memory_space<vmem>>)
      tpu.yield
    }) : () -> ()
    %mul3A_3 = arith.constant 80 : i32
    %mul3A_4 = arith.muli %add3A, %mul3A_3 : i32
    "tpu.region"() ({
      %run_scoped3A = tpu.sem_alloc : memref<!tpu.dma_semaphore, #tpu.memory_space<semaphore_mem>>
      %dma_start3A = arith.constant 0 : i32
      %dma_start3A_11 = tpu.memref_slice %arg2[%mul3A_4, %dma_start3A] : memref<2560x128xi32, #tpu.memory_space<hbm>> -> memref<80x128xi32, #tpu.memory_space<hbm>>
      %dma_start3A_12 = arith.constant 0 : i32
      %dma_start3A_13 = tpu.memref_slice %arg2[%mul3A_4, %dma_start3A_12] : memref<2560x128xi32, #tpu.memory_space<hbm>> -> memref<80x128xi32, #tpu.memory_space<hbm>>
      tpu.enqueue_dma source(%dma_start3A_13 : memref<80x128xi32, #tpu.memory_space<hbm>>) target(%arg6 : memref<80x128xi32, #tpu.memory_space<vmem>>) target_semaphore(%run_scoped3A : memref<!tpu.dma_semaphore, #tpu.memory_space<semaphore_mem>>)
      %dma_wait3A = arith.constant 0 : i32
      %dma_wait3A_14 = tpu.memref_slice %arg2[%mul3A_4, %dma_wait3A] : memref<2560x128xi32, #tpu.memory_space<hbm>> -> memref<80x128xi32, #tpu.memory_space<hbm>>
      %dma_wait3A_15 = arith.constant 0 : i32
      %dma_wait3A_16 = tpu.memref_slice %arg2[%mul3A_4, %dma_wait3A_15] : memref<2560x128xi32, #tpu.memory_space<hbm>> -> memref<80x128xi32, #tpu.memory_space<hbm>>
      tpu.wait_dma2 semaphore(%run_scoped3A : memref<!tpu.dma_semaphore, #tpu.memory_space<semaphore_mem>>) src(%dma_wait3A_16 : memref<80x128xi32, #tpu.memory_space<hbm>>) dst(%arg6 : memref<80x128xi32, #tpu.memory_space<vmem>>)
      tpu.yield
    }) : () -> ()
    %barrier3A = arith.constant 0 : index
    tpu.barrier barrier_id(%barrier3A)
    %scan3A = arith.constant 0 : i32
    %scan3A_5 = arith.constant 0 : i32
    %scan3A_6 = arith.constant 10 : i32
    %scan3A_7 = arith.addi %scan3A_5, %scan3A_6 : i32
    %scan3A_8 = arith.constant 1 : i32
    scf.for %scan3A_11 = %scan3A_5 to %scan3A_7 step %scan3A_8  : i32 {
      %mul3A_12 = arith.constant 8 : i32
      %mul3A_13 = arith.muli %mul3A_12, %scan3A_11 : i32
      %add3A_14 = arith.constant 0 : i32
      %add3A_15 = arith.addi %mul3A_13, %add3A_14 : i32
      %dma_start3A = arith.constant 0 : i32
      %dma_start3A_16 = tpu.memref_slice %arg6[%add3A_15, %dma_start3A] : memref<80x128xi32, #tpu.memory_space<vmem>> -> memref<1x128xi32, #tpu.memory_space<vmem>>
      %dma_start3A_17 = tpu.memref_squeeze %dma_start3A_16 : memref<1x128xi32, #tpu.memory_space<vmem>> -> memref<128xi32, #tpu.memory_space<vmem>>
      %dma_start3A_18 = arith.constant 0 : i32
      %dma_start3A_19 = arith.constant 0 : i32
      %dma_start3A_20 = tpu.memref_slice %arg8[%dma_start3A_18, %dma_start3A_19] : memref<10240x16xf32, #tpu.memory_space<vmem_shared>> -> memref<10240x16xf32, #tpu.memory_space<vmem_shared>>
      tpu.enqueue_indirect_dma source(%arg7 : memref<128x16xf32, #tpu.memory_space<vmem>>) target(%dma_start3A_20 : memref<10240x16xf32, #tpu.memory_space<vmem_shared>>) offsets(%dma_start3A_17 : memref<128xi32, #tpu.memory_space<vmem>>) semaphore(%arg9 : memref<!tpu.dma_semaphore, #tpu.memory_space<semaphore_mem>>) {add = true}
      %mul3A_21 = arith.constant 8 : i32
      %mul3A_22 = arith.muli %mul3A_21, %scan3A_11 : i32
      %add3A_23 = arith.constant 1 : i32
      %add3A_24 = arith.addi %mul3A_22, %add3A_23 : i32
      %dma_start3A_25 = arith.constant 0 : i32
      %dma_start3A_26 = tpu.memref_slice %arg6[%add3A_24, %dma_start3A_25] : memref<80x128xi32, #tpu.memory_space<vmem>> -> memref<1x128xi32, #tpu.memory_space<vmem>>
      %dma_start3A_27 = tpu.memref_squeeze %dma_start3A_26 : memref<1x128xi32, #tpu.memory_space<vmem>> -> memref<128xi32, #tpu.memory_space<vmem>>
      %dma_start3A_28 = arith.constant 0 : i32
      %dma_start3A_29 = arith.constant 0 : i32
      %dma_start3A_30 = tpu.memref_slice %arg8[%dma_start3A_28, %dma_start3A_29] : memref<10240x16xf32, #tpu.memory_space<vmem_shared>> -> memref<10240x16xf32, #tpu.memory_space<vmem_shared>>
      tpu.enqueue_indirect_dma source(%arg7 : memref<128x16xf32, #tpu.memory_space<vmem>>) target(%dma_start3A_30 : memref<10240x16xf32, #tpu.memory_space<vmem_shared>>) offsets(%dma_start3A_27 : memref<128xi32, #tpu.memory_space<vmem>>) semaphore(%arg9 : memref<!tpu.dma_semaphore, #tpu.memory_space<semaphore_mem>>) {add = true}
      %mul3A_31 = arith.constant 8 : i32
      %mul3A_32 = arith.muli %mul3A_31, %scan3A_11 : i32
      %add3A_33 = arith.constant 2 : i32
      %add3A_34 = arith.addi %mul3A_32, %add3A_33 : i32
      %dma_start3A_35 = arith.constant 0 : i32
      %dma_start3A_36 = tpu.memref_slice %arg6[%add3A_34, %dma_start3A_35] : memref<80x128xi32, #tpu.memory_space<vmem>> -> memref<1x128xi32, #tpu.memory_space<vmem>>
      %dma_start3A_37 = tpu.memref_squeeze %dma_start3A_36 : memref<1x128xi32, #tpu.memory_space<vmem>> -> memref<128xi32, #tpu.memory_space<vmem>>
      %dma_start3A_38 = arith.constant 0 : i32
      %dma_start3A_39 = arith.constant 0 : i32
      %dma_start3A_40 = tpu.memref_slice %arg8[%dma_start3A_38, %dma_start3A_39] : memref<10240x16xf32, #tpu.memory_space<vmem_shared>> -> memref<10240x16xf32, #tpu.memory_space<vmem_shared>>
      tpu.enqueue_indirect_dma source(%arg7 : memref<128x16xf32, #tpu.memory_space<vmem>>) target(%dma_start3A_40 : memref<10240x16xf32, #tpu.memory_space<vmem_shared>>) offsets(%dma_start3A_37 : memref<128xi32, #tpu.memory_space<vmem>>) semaphore(%arg9 : memref<!tpu.dma_semaphore, #tpu.memory_space<semaphore_mem>>) {add = true}
      %mul3A_41 = arith.constant 8 : i32
      %mul3A_42 = arith.muli %mul3A_41, %scan3A_11 : i32
      %add3A_43 = arith.constant 3 : i32
      %add3A_44 = arith.addi %mul3A_42, %add3A_43 : i32
      %dma_start3A_45 = arith.constant 0 : i32
      %dma_start3A_46 = tpu.memref_slice %arg6[%add3A_44, %dma_start3A_45] : memref<80x128xi32, #tpu.memory_space<vmem>> -> memref<1x128xi32, #tpu.memory_space<vmem>>
      %dma_start3A_47 = tpu.memref_squeeze %dma_start3A_46 : memref<1x128xi32, #tpu.memory_space<vmem>> -> memref<128xi32, #tpu.memory_space<vmem>>
      %dma_start3A_48 = arith.constant 0 : i32
      %dma_start3A_49 = arith.constant 0 : i32
      %dma_start3A_50 = tpu.memref_slice %arg8[%dma_start3A_48, %dma_start3A_49] : memref<10240x16xf32, #tpu.memory_space<vmem_shared>> -> memref<10240x16xf32, #tpu.memory_space<vmem_shared>>
      tpu.enqueue_indirect_dma source(%arg7 : memref<128x16xf32, #tpu.memory_space<vmem>>) target(%dma_start3A_50 : memref<10240x16xf32, #tpu.memory_space<vmem_shared>>) offsets(%dma_start3A_47 : memref<128xi32, #tpu.memory_space<vmem>>) semaphore(%arg9 : memref<!tpu.dma_semaphore, #tpu.memory_space<semaphore_mem>>) {add = true}
      %mul3A_51 = arith.constant 8 : i32
      %mul3A_52 = arith.muli %mul3A_51, %scan3A_11 : i32
      %add3A_53 = arith.constant 4 : i32
      %add3A_54 = arith.addi %mul3A_52, %add3A_53 : i32
      %dma_start3A_55 = arith.constant 0 : i32
      %dma_start3A_56 = tpu.memref_slice %arg6[%add3A_54, %dma_start3A_55] : memref<80x128xi32, #tpu.memory_space<vmem>> -> memref<1x128xi32, #tpu.memory_space<vmem>>
      %dma_start3A_57 = tpu.memref_squeeze %dma_start3A_56 : memref<1x128xi32, #tpu.memory_space<vmem>> -> memref<128xi32, #tpu.memory_space<vmem>>
      %dma_start3A_58 = arith.constant 0 : i32
      %dma_start3A_59 = arith.constant 0 : i32
      %dma_start3A_60 = tpu.memref_slice %arg8[%dma_start3A_58, %dma_start3A_59] : memref<10240x16xf32, #tpu.memory_space<vmem_shared>> -> memref<10240x16xf32, #tpu.memory_space<vmem_shared>>
      tpu.enqueue_indirect_dma source(%arg7 : memref<128x16xf32, #tpu.memory_space<vmem>>) target(%dma_start3A_60 : memref<10240x16xf32, #tpu.memory_space<vmem_shared>>) offsets(%dma_start3A_57 : memref<128xi32, #tpu.memory_space<vmem>>) semaphore(%arg9 : memref<!tpu.dma_semaphore, #tpu.memory_space<semaphore_mem>>) {add = true}
      %mul3A_61 = arith.constant 8 : i32
      %mul3A_62 = arith.muli %mul3A_61, %scan3A_11 : i32
      %add3A_63 = arith.constant 5 : i32
      %add3A_64 = arith.addi %mul3A_62, %add3A_63 : i32
      %dma_start3A_65 = arith.constant 0 : i32
      %dma_start3A_66 = tpu.memref_slice %arg6[%add3A_64, %dma_start3A_65] : memref<80x128xi32, #tpu.memory_space<vmem>> -> memref<1x128xi32, #tpu.memory_space<vmem>>
      %dma_start3A_67 = tpu.memref_squeeze %dma_start3A_66 : memref<1x128xi32, #tpu.memory_space<vmem>> -> memref<128xi32, #tpu.memory_space<vmem>>
      %dma_start3A_68 = arith.constant 0 : i32
      %dma_start3A_69 = arith.constant 0 : i32
      %dma_start3A_70 = tpu.memref_slice %arg8[%dma_start3A_68, %dma_start3A_69] : memref<10240x16xf32, #tpu.memory_space<vmem_shared>> -> memref<10240x16xf32, #tpu.memory_space<vmem_shared>>
      tpu.enqueue_indirect_dma source(%arg7 : memref<128x16xf32, #tpu.memory_space<vmem>>) target(%dma_start3A_70 : memref<10240x16xf32, #tpu.memory_space<vmem_shared>>) offsets(%dma_start3A_67 : memref<128xi32, #tpu.memory_space<vmem>>) semaphore(%arg9 : memref<!tpu.dma_semaphore, #tpu.memory_space<semaphore_mem>>) {add = true}
      %mul3A_71 = arith.constant 8 : i32
      %mul3A_72 = arith.muli %mul3A_71, %scan3A_11 : i32
      %add3A_73 = arith.constant 6 : i32
      %add3A_74 = arith.addi %mul3A_72, %add3A_73 : i32
      %dma_start3A_75 = arith.constant 0 : i32
      %dma_start3A_76 = tpu.memref_slice %arg6[%add3A_74, %dma_start3A_75] : memref<80x128xi32, #tpu.memory_space<vmem>> -> memref<1x128xi32, #tpu.memory_space<vmem>>
      %dma_start3A_77 = tpu.memref_squeeze %dma_start3A_76 : memref<1x128xi32, #tpu.memory_space<vmem>> -> memref<128xi32, #tpu.memory_space<vmem>>
      %dma_start3A_78 = arith.constant 0 : i32
      %dma_start3A_79 = arith.constant 0 : i32
      %dma_start3A_80 = tpu.memref_slice %arg8[%dma_start3A_78, %dma_start3A_79] : memref<10240x16xf32, #tpu.memory_space<vmem_shared>> -> memref<10240x16xf32, #tpu.memory_space<vmem_shared>>
      tpu.enqueue_indirect_dma source(%arg7 : memref<128x16xf32, #tpu.memory_space<vmem>>) target(%dma_start3A_80 : memref<10240x16xf32, #tpu.memory_space<vmem_shared>>) offsets(%dma_start3A_77 : memref<128xi32, #tpu.memory_space<vmem>>) semaphore(%arg9 : memref<!tpu.dma_semaphore, #tpu.memory_space<semaphore_mem>>) {add = true}
      %mul3A_81 = arith.constant 8 : i32
      %mul3A_82 = arith.muli %mul3A_81, %scan3A_11 : i32
      %add3A_83 = arith.constant 7 : i32
      %add3A_84 = arith.addi %mul3A_82, %add3A_83 : i32
      %dma_start3A_85 = arith.constant 0 : i32
      %dma_start3A_86 = tpu.memref_slice %arg6[%add3A_84, %dma_start3A_85] : memref<80x128xi32, #tpu.memory_space<vmem>> -> memref<1x128xi32, #tpu.memory_space<vmem>>
      %dma_start3A_87 = tpu.memref_squeeze %dma_start3A_86 : memref<1x128xi32, #tpu.memory_space<vmem>> -> memref<128xi32, #tpu.memory_space<vmem>>
      %dma_start3A_88 = arith.constant 0 : i32
      %dma_start3A_89 = arith.constant 0 : i32
      %dma_start3A_90 = tpu.memref_slice %arg8[%dma_start3A_88, %dma_start3A_89] : memref<10240x16xf32, #tpu.memory_space<vmem_shared>> -> memref<10240x16xf32, #tpu.memory_space<vmem_shared>>
      tpu.enqueue_indirect_dma source(%arg7 : memref<128x16xf32, #tpu.memory_space<vmem>>) target(%dma_start3A_90 : memref<10240x16xf32, #tpu.memory_space<vmem_shared>>) offsets(%dma_start3A_87 : memref<128xi32, #tpu.memory_space<vmem>>) semaphore(%arg9 : memref<!tpu.dma_semaphore, #tpu.memory_space<semaphore_mem>>) {add = true}
      %dma_wait3A = arith.constant 0 : i32
      %dma_wait3A_91 = tpu.memref_slice %arg6[%add3A_15, %dma_wait3A] : memref<80x128xi32, #tpu.memory_space<vmem>> -> memref<1x128xi32, #tpu.memory_space<vmem>>
      %dma_wait3A_92 = tpu.memref_squeeze %dma_wait3A_91 : memref<1x128xi32, #tpu.memory_space<vmem>> -> memref<128xi32, #tpu.memory_space<vmem>>
      %dma_wait3A_93 = arith.constant 0 : i32
      %dma_wait3A_94 = arith.constant 0 : i32
      %dma_wait3A_95 = tpu.memref_slice %arg8[%dma_wait3A_93, %dma_wait3A_94] : memref<10240x16xf32, #tpu.memory_space<vmem_shared>> -> memref<10240x16xf32, #tpu.memory_space<vmem_shared>>
      tpu.wait_indirect_dma semaphore(%arg9 : memref<!tpu.dma_semaphore, #tpu.memory_space<semaphore_mem>>) src(%arg7 : memref<128x16xf32, #tpu.memory_space<vmem>>) dst(%dma_wait3A_95 : memref<10240x16xf32, #tpu.memory_space<vmem_shared>>)
      %dma_wait3A_96 = arith.constant 0 : i32
      %dma_wait3A_97 = tpu.memref_slice %arg6[%add3A_24, %dma_wait3A_96] : memref<80x128xi32, #tpu.memory_space<vmem>> -> memref<1x128xi32, #tpu.memory_space<vmem>>
      %dma_wait3A_98 = tpu.memref_squeeze %dma_wait3A_97 : memref<1x128xi32, #tpu.memory_space<vmem>> -> memref<128xi32, #tpu.memory_space<vmem>>
      %dma_wait3A_99 = arith.constant 0 : i32
      %dma_wait3A_100 = arith.constant 0 : i32
      %dma_wait3A_101 = tpu.memref_slice %arg8[%dma_wait3A_99, %dma_wait3A_100] : memref<10240x16xf32, #tpu.memory_space<vmem_shared>> -> memref<10240x16xf32, #tpu.memory_space<vmem_shared>>
      tpu.wait_indirect_dma semaphore(%arg9 : memref<!tpu.dma_semaphore, #tpu.memory_space<semaphore_mem>>) src(%arg7 : memref<128x16xf32, #tpu.memory_space<vmem>>) dst(%dma_wait3A_101 : memref<10240x16xf32, #tpu.memory_space<vmem_shared>>)
      %dma_wait3A_102 = arith.constant 0 : i32
      %dma_wait3A_103 = tpu.memref_slice %arg6[%add3A_34, %dma_wait3A_102] : memref<80x128xi32, #tpu.memory_space<vmem>> -> memref<1x128xi32, #tpu.memory_space<vmem>>
      %dma_wait3A_104 = tpu.memref_squeeze %dma_wait3A_103 : memref<1x128xi32, #tpu.memory_space<vmem>> -> memref<128xi32, #tpu.memory_space<vmem>>
      %dma_wait3A_105 = arith.constant 0 : i32
      %dma_wait3A_106 = arith.constant 0 : i32
      %dma_wait3A_107 = tpu.memref_slice %arg8[%dma_wait3A_105, %dma_wait3A_106] : memref<10240x16xf32, #tpu.memory_space<vmem_shared>> -> memref<10240x16xf32, #tpu.memory_space<vmem_shared>>
      tpu.wait_indirect_dma semaphore(%arg9 : memref<!tpu.dma_semaphore, #tpu.memory_space<semaphore_mem>>) src(%arg7 : memref<128x16xf32, #tpu.memory_space<vmem>>) dst(%dma_wait3A_107 : memref<10240x16xf32, #tpu.memory_space<vmem_shared>>)
      %dma_wait3A_108 = arith.constant 0 : i32
      %dma_wait3A_109 = tpu.memref_slice %arg6[%add3A_44, %dma_wait3A_108] : memref<80x128xi32, #tpu.memory_space<vmem>> -> memref<1x128xi32, #tpu.memory_space<vmem>>
      %dma_wait3A_110 = tpu.memref_squeeze %dma_wait3A_109 : memref<1x128xi32, #tpu.memory_space<vmem>> -> memref<128xi32, #tpu.memory_space<vmem>>
      %dma_wait3A_111 = arith.constant 0 : i32
      %dma_wait3A_112 = arith.constant 0 : i32
      %dma_wait3A_113 = tpu.memref_slice %arg8[%dma_wait3A_111, %dma_wait3A_112] : memref<10240x16xf32, #tpu.memory_space<vmem_shared>> -> memref<10240x16xf32, #tpu.memory_space<vmem_shared>>
      tpu.wait_indirect_dma semaphore(%arg9 : memref<!tpu.dma_semaphore, #tpu.memory_space<semaphore_mem>>) src(%arg7 : memref<128x16xf32, #tpu.memory_space<vmem>>) dst(%dma_wait3A_113 : memref<10240x16xf32, #tpu.memory_space<vmem_shared>>)
      %dma_wait3A_114 = arith.constant 0 : i32
      %dma_wait3A_115 = tpu.memref_slice %arg6[%add3A_54, %dma_wait3A_114] : memref<80x128xi32, #tpu.memory_space<vmem>> -> memref<1x128xi32, #tpu.memory_space<vmem>>
      %dma_wait3A_116 = tpu.memref_squeeze %dma_wait3A_115 : memref<1x128xi32, #tpu.memory_space<vmem>> -> memref<128xi32, #tpu.memory_space<vmem>>
      %dma_wait3A_117 = arith.constant 0 : i32
      %dma_wait3A_118 = arith.constant 0 : i32
      %dma_wait3A_119 = tpu.memref_slice %arg8[%dma_wait3A_117, %dma_wait3A_118] : memref<10240x16xf32, #tpu.memory_space<vmem_shared>> -> memref<10240x16xf32, #tpu.memory_space<vmem_shared>>
      tpu.wait_indirect_dma semaphore(%arg9 : memref<!tpu.dma_semaphore, #tpu.memory_space<semaphore_mem>>) src(%arg7 : memref<128x16xf32, #tpu.memory_space<vmem>>) dst(%dma_wait3A_119 : memref<10240x16xf32, #tpu.memory_space<vmem_shared>>)
      %dma_wait3A_120 = arith.constant 0 : i32
      %dma_wait3A_121 = tpu.memref_slice %arg6[%add3A_64, %dma_wait3A_120] : memref<80x128xi32, #tpu.memory_space<vmem>> -> memref<1x128xi32, #tpu.memory_space<vmem>>
      %dma_wait3A_122 = tpu.memref_squeeze %dma_wait3A_121 : memref<1x128xi32, #tpu.memory_space<vmem>> -> memref<128xi32, #tpu.memory_space<vmem>>
      %dma_wait3A_123 = arith.constant 0 : i32
      %dma_wait3A_124 = arith.constant 0 : i32
      %dma_wait3A_125 = tpu.memref_slice %arg8[%dma_wait3A_123, %dma_wait3A_124] : memref<10240x16xf32, #tpu.memory_space<vmem_shared>> -> memref<10240x16xf32, #tpu.memory_space<vmem_shared>>
      tpu.wait_indirect_dma semaphore(%arg9 : memref<!tpu.dma_semaphore, #tpu.memory_space<semaphore_mem>>) src(%arg7 : memref<128x16xf32, #tpu.memory_space<vmem>>) dst(%dma_wait3A_125 : memref<10240x16xf32, #tpu.memory_space<vmem_shared>>)
      %dma_wait3A_126 = arith.constant 0 : i32
      %dma_wait3A_127 = tpu.memref_slice %arg6[%add3A_74, %dma_wait3A_126] : memref<80x128xi32, #tpu.memory_space<vmem>> -> memref<1x128xi32, #tpu.memory_space<vmem>>
      %dma_wait3A_128 = tpu.memref_squeeze %dma_wait3A_127 : memref<1x128xi32, #tpu.memory_space<vmem>> -> memref<128xi32, #tpu.memory_space<vmem>>
      %dma_wait3A_129 = arith.constant 0 : i32
      %dma_wait3A_130 = arith.constant 0 : i32
      %dma_wait3A_131 = tpu.memref_slice %arg8[%dma_wait3A_129, %dma_wait3A_130] : memref<10240x16xf32, #tpu.memory_space<vmem_shared>> -> memref<10240x16xf32, #tpu.memory_space<vmem_shared>>
      tpu.wait_indirect_dma semaphore(%arg9 : memref<!tpu.dma_semaphore, #tpu.memory_space<semaphore_mem>>) src(%arg7 : memref<128x16xf32, #tpu.memory_space<vmem>>) dst(%dma_wait3A_131 : memref<10240x16xf32, #tpu.memory_space<vmem_shared>>)
      %dma_wait3A_132 = arith.constant 0 : i32
      %dma_wait3A_133 = tpu.memref_slice %arg6[%add3A_84, %dma_wait3A_132] : memref<80x128xi32, #tpu.memory_space<vmem>> -> memref<1x128xi32, #tpu.memory_space<vmem>>
      %dma_wait3A_134 = tpu.memref_squeeze %dma_wait3A_133 : memref<1x128xi32, #tpu.memory_space<vmem>> -> memref<128xi32, #tpu.memory_space<vmem>>
      %dma_wait3A_135 = arith.constant 0 : i32
      %dma_wait3A_136 = arith.constant 0 : i32
      %dma_wait3A_137 = tpu.memref_slice %arg8[%dma_wait3A_135, %dma_wait3A_136] : memref<10240x16xf32, #tpu.memory_space<vmem_shared>> -> memref<10240x16xf32, #tpu.memory_space<vmem_shared>>
      tpu.wait_indirect_dma semaphore(%arg9 : memref<!tpu.dma_semaphore, #tpu.memory_space<semaphore_mem>>) src(%arg7 : memref<128x16xf32, #tpu.memory_space<vmem>>) dst(%dma_wait3A_137 : memref<10240x16xf32, #tpu.memory_space<vmem_shared>>)
    }
    %scan3A_9 = arith.constant 10 : i32
    %barrier3A_10 = arith.constant 0 : index
    tpu.barrier barrier_id(%barrier3A_10)
    "tpu.region"() ({
      %run_scoped3A = tpu.sem_alloc : memref<!tpu.dma_semaphore, #tpu.memory_space<semaphore_mem>>
      %dma_start3A = arith.constant 0 : i32
      %dma_start3A_11 = tpu.memref_slice %arg5[%arg0, %mul3A_2, %dma_start3A] : memref<2x10240x16xf32, #tpu.memory_space<hbm>> -> memref<1x640x16xf32, #tpu.memory_space<hbm>>
      %dma_start3A_12 = tpu.memref_squeeze %dma_start3A_11 : memref<1x640x16xf32, #tpu.memory_space<hbm>> -> memref<640x16xf32, #tpu.memory_space<hbm>>
      %dma_start3A_13 = arith.constant 0 : i32
      %dma_start3A_14 = tpu.memref_slice %arg8[%mul3A_2, %dma_start3A_13] : memref<10240x16xf32, #tpu.memory_space<vmem_shared>> -> memref<640x16xf32, #tpu.memory_space<vmem_shared>>
      tpu.enqueue_dma source(%dma_start3A_14 : memref<640x16xf32, #tpu.memory_space<vmem_shared>>) target(%dma_start3A_12 : memref<640x16xf32, #tpu.memory_space<hbm>>) target_semaphore(%run_scoped3A : memref<!tpu.dma_semaphore, #tpu.memory_space<semaphore_mem>>)
      %dma_wait3A = arith.constant 0 : i32
      %dma_wait3A_15 = tpu.memref_slice %arg5[%arg0, %mul3A_2, %dma_wait3A] : memref<2x10240x16xf32, #tpu.memory_space<hbm>> -> memref<1x640x16xf32, #tpu.memory_space<hbm>>
      %dma_wait3A_16 = tpu.memref_squeeze %dma_wait3A_15 : memref<1x640x16xf32, #tpu.memory_space<hbm>> -> memref<640x16xf32, #tpu.memory_space<hbm>>
      %dma_wait3A_17 = arith.constant 0 : i32
      %dma_wait3A_18 = tpu.memref_slice %arg8[%mul3A_2, %dma_wait3A_17] : memref<10240x16xf32, #tpu.memory_space<vmem_shared>> -> memref<640x16xf32, #tpu.memory_space<vmem_shared>>
      tpu.wait_dma2 semaphore(%run_scoped3A : memref<!tpu.dma_semaphore, #tpu.memory_space<semaphore_mem>>) src(%dma_wait3A_18 : memref<640x16xf32, #tpu.memory_space<vmem_shared>>) dst(%dma_wait3A_16 : memref<640x16xf32, #tpu.memory_space<hbm>>)
      tpu.yield
    }) : () -> ()
    return
  }
}

#map = affine_map<(d0, d1) -> (0, 0)>
#map1 = affine_map<(d0, d1) -> (0, 0, 0)>
module attributes {stable_mosaic.version = 14 : i64} {
  func.func @body(%arg0: i32, %arg1: i32, %arg2: memref<10240x128xbf16, #tpu.memory_space<hbm>>, %arg3: memref<2560x128xi32, #tpu.memory_space<hbm>>, %arg4: memref<2560x128xi32, #tpu.memory_space<hbm>>, %arg5: memref<10240x128xbf16, #tpu.memory_space<hbm>>, %arg6: memref<2x10240x128xbf16, #tpu.memory_space<hbm>>, %arg7: memref<80x128xi32, #tpu.memory_space<vmem>>, %arg8: memref<80x128xi32, #tpu.memory_space<vmem>>, %arg9: memref<8x128x128xbf16, #tpu.memory_space<vmem>>, %arg10: memref<10240x128xbf16, #tpu.memory_space<vmem_shared>>, %arg11: memref<!tpu.dma_semaphore, #tpu.memory_space<semaphore_mem>>, %arg12: memref<!tpu.dma_semaphore, #tpu.memory_space<semaphore_mem>>, %arg13: memref<!tpu.dma_semaphore, #tpu.memory_space<semaphore_mem>>, %arg14: memref<!tpu.dma_semaphore, #tpu.memory_space<semaphore_mem>>, %arg15: memref<!tpu.dma_semaphore, #tpu.memory_space<semaphore_mem>>, %arg16: memref<!tpu.dma_semaphore, #tpu.memory_space<semaphore_mem>>, %arg17: memref<!tpu.dma_semaphore, #tpu.memory_space<semaphore_mem>>, %arg18: memref<!tpu.dma_semaphore, #tpu.memory_space<semaphore_mem>>) attributes {dimension_semantics = [#tpu.dimension_semantics<core_parallel>, #tpu.dimension_semantics<subcore_parallel>], iteration_bounds = array<i64: 2, 16>, scalar_prefetch = 0 : i64, scratch_operands = 12 : i64, tpu.core_type = #tpu.core_type<sc_vector_subcore>, window_params = [{transform_indices = #map}, {transform_indices = #map}, {transform_indices = #map}, {transform_indices = #map}, {transform_indices = #map1}]} {
    %mul3A = arith.constant 640 : i32
    %mul3A_0 = arith.muli %arg1, %mul3A : i32
    %eq3A = arith.constant 0 : i32
    %eq3A_1 = arith.cmpi eq, %arg0, %eq3A : i32
    %mul3A_2 = arith.constant 80 : i32
    %mul3A_3 = arith.muli %arg1, %mul3A_2 : i32
    %mul3A_4 = arith.constant 80 : i32
    %mul3A_5 = arith.muli %arg1, %mul3A_4 : i32
    %add3A = arith.constant 1280 : i32
    %add3A_6 = arith.addi %add3A, %mul3A_5 : i32
    %select_n3A = arith.select %eq3A_1, %mul3A_3, %add3A_6 : i32
    "tpu.region"() ({
      %run_scoped3A = tpu.sem_alloc : memref<!tpu.dma_semaphore, #tpu.memory_space<semaphore_mem>>
      %dma_start3A_96 = arith.constant 0 : i32
      %dma_start3A_97 = tpu.memref_slice %arg10[%mul3A_0, %dma_start3A_96] : memref<10240x128xbf16, #tpu.memory_space<vmem_shared>> -> memref<640x128xbf16, #tpu.memory_space<vmem_shared>>
      %dma_start3A_98 = arith.constant 0 : i32
      %dma_start3A_99 = tpu.memref_slice %arg5[%mul3A_0, %dma_start3A_98] : memref<10240x128xbf16, #tpu.memory_space<hbm>> -> memref<640x128xbf16, #tpu.memory_space<hbm>>
      tpu.enqueue_dma source(%dma_start3A_99 : memref<640x128xbf16, #tpu.memory_space<hbm>>) target(%dma_start3A_97 : memref<640x128xbf16, #tpu.memory_space<vmem_shared>>) target_semaphore(%run_scoped3A : memref<!tpu.dma_semaphore, #tpu.memory_space<semaphore_mem>>)
      %dma_wait3A = arith.constant 0 : i32
      %dma_wait3A_100 = tpu.memref_slice %arg10[%mul3A_0, %dma_wait3A] : memref<10240x128xbf16, #tpu.memory_space<vmem_shared>> -> memref<640x128xbf16, #tpu.memory_space<vmem_shared>>
      %dma_wait3A_101 = arith.constant 0 : i32
      %dma_wait3A_102 = tpu.memref_slice %arg5[%mul3A_0, %dma_wait3A_101] : memref<10240x128xbf16, #tpu.memory_space<hbm>> -> memref<640x128xbf16, #tpu.memory_space<hbm>>
      tpu.wait_dma2 semaphore(%run_scoped3A : memref<!tpu.dma_semaphore, #tpu.memory_space<semaphore_mem>>) src(%dma_wait3A_102 : memref<640x128xbf16, #tpu.memory_space<hbm>>) dst(%dma_wait3A_100 : memref<640x128xbf16, #tpu.memory_space<vmem_shared>>)
      tpu.yield
    }) : () -> ()
    "tpu.region"() ({
      %run_scoped3A = tpu.sem_alloc : memref<!tpu.dma_semaphore, #tpu.memory_space<semaphore_mem>>
      %dma_start3A_96 = arith.constant 0 : i32
      %dma_start3A_97 = tpu.memref_slice %arg3[%select_n3A, %dma_start3A_96] : memref<2560x128xi32, #tpu.memory_space<hbm>> -> memref<80x128xi32, #tpu.memory_space<hbm>>
      %dma_start3A_98 = arith.constant 0 : i32
      %dma_start3A_99 = tpu.memref_slice %arg3[%select_n3A, %dma_start3A_98] : memref<2560x128xi32, #tpu.memory_space<hbm>> -> memref<80x128xi32, #tpu.memory_space<hbm>>
      tpu.enqueue_dma source(%dma_start3A_99 : memref<80x128xi32, #tpu.memory_space<hbm>>) target(%arg7 : memref<80x128xi32, #tpu.memory_space<vmem>>) target_semaphore(%run_scoped3A : memref<!tpu.dma_semaphore, #tpu.memory_space<semaphore_mem>>)
      %dma_wait3A = arith.constant 0 : i32
      %dma_wait3A_100 = tpu.memref_slice %arg3[%select_n3A, %dma_wait3A] : memref<2560x128xi32, #tpu.memory_space<hbm>> -> memref<80x128xi32, #tpu.memory_space<hbm>>
      %dma_wait3A_101 = arith.constant 0 : i32
      %dma_wait3A_102 = tpu.memref_slice %arg3[%select_n3A, %dma_wait3A_101] : memref<2560x128xi32, #tpu.memory_space<hbm>> -> memref<80x128xi32, #tpu.memory_space<hbm>>
      tpu.wait_dma2 semaphore(%run_scoped3A : memref<!tpu.dma_semaphore, #tpu.memory_space<semaphore_mem>>) src(%dma_wait3A_102 : memref<80x128xi32, #tpu.memory_space<hbm>>) dst(%arg7 : memref<80x128xi32, #tpu.memory_space<vmem>>)
      tpu.yield
    }) : () -> ()
    "tpu.region"() ({
      %run_scoped3A = tpu.sem_alloc : memref<!tpu.dma_semaphore, #tpu.memory_space<semaphore_mem>>
      %dma_start3A_96 = arith.constant 0 : i32
      %dma_start3A_97 = tpu.memref_slice %arg4[%select_n3A, %dma_start3A_96] : memref<2560x128xi32, #tpu.memory_space<hbm>> -> memref<80x128xi32, #tpu.memory_space<hbm>>
      %dma_start3A_98 = arith.constant 0 : i32
      %dma_start3A_99 = tpu.memref_slice %arg4[%select_n3A, %dma_start3A_98] : memref<2560x128xi32, #tpu.memory_space<hbm>> -> memref<80x128xi32, #tpu.memory_space<hbm>>
      tpu.enqueue_dma source(%dma_start3A_99 : memref<80x128xi32, #tpu.memory_space<hbm>>) target(%arg8 : memref<80x128xi32, #tpu.memory_space<vmem>>) target_semaphore(%run_scoped3A : memref<!tpu.dma_semaphore, #tpu.memory_space<semaphore_mem>>)
      %dma_wait3A = arith.constant 0 : i32
      %dma_wait3A_100 = tpu.memref_slice %arg4[%select_n3A, %dma_wait3A] : memref<2560x128xi32, #tpu.memory_space<hbm>> -> memref<80x128xi32, #tpu.memory_space<hbm>>
      %dma_wait3A_101 = arith.constant 0 : i32
      %dma_wait3A_102 = tpu.memref_slice %arg4[%select_n3A, %dma_wait3A_101] : memref<2560x128xi32, #tpu.memory_space<hbm>> -> memref<80x128xi32, #tpu.memory_space<hbm>>
      tpu.wait_dma2 semaphore(%run_scoped3A : memref<!tpu.dma_semaphore, #tpu.memory_space<semaphore_mem>>) src(%dma_wait3A_102 : memref<80x128xi32, #tpu.memory_space<hbm>>) dst(%arg8 : memref<80x128xi32, #tpu.memory_space<vmem>>)
      tpu.yield
    }) : () -> ()
    %barrier3A = arith.constant 0 : index
    tpu.barrier barrier_id(%barrier3A)
    %dma_start3A = arith.constant 0 : i32
    %dma_start3A_7 = arith.constant 0 : i32
    %dma_start3A_8 = arith.constant 0 : i32
    %dma_start3A_9 = arith.constant 0 : i32
    %dma_start3A_10 = tpu.memref_slice %arg9[%dma_start3A_7, %dma_start3A_8, %dma_start3A_9] : memref<8x128x128xbf16, #tpu.memory_space<vmem>> -> memref<1x128x128xbf16, #tpu.memory_space<vmem>>
    %dma_start3A_11 = tpu.memref_squeeze %dma_start3A_10 : memref<1x128x128xbf16, #tpu.memory_space<vmem>> -> memref<128x128xbf16, #tpu.memory_space<vmem>>
    %dma_start3A_12 = arith.constant 0 : i32
    %dma_start3A_13 = tpu.memref_slice %arg7[%dma_start3A, %dma_start3A_12] : memref<80x128xi32, #tpu.memory_space<vmem>> -> memref<1x128xi32, #tpu.memory_space<vmem>>
    %dma_start3A_14 = tpu.memref_squeeze %dma_start3A_13 : memref<1x128xi32, #tpu.memory_space<vmem>> -> memref<128xi32, #tpu.memory_space<vmem>>
    %dma_start3A_15 = arith.constant 0 : i32
    %dma_start3A_16 = arith.constant 0 : i32
    %dma_start3A_17 = tpu.memref_slice %arg2[%dma_start3A_15, %dma_start3A_16] : memref<10240x128xbf16, #tpu.memory_space<hbm>> -> memref<10240x128xbf16, #tpu.memory_space<hbm>>
    tpu.enqueue_indirect_dma source(%dma_start3A_17 : memref<10240x128xbf16, #tpu.memory_space<hbm>>) target(%dma_start3A_11 : memref<128x128xbf16, #tpu.memory_space<vmem>>) offsets(%dma_start3A_14 : memref<128xi32, #tpu.memory_space<vmem>>) semaphore(%arg11 : memref<!tpu.dma_semaphore, #tpu.memory_space<semaphore_mem>>)
    %dma_start3A_18 = arith.constant 1 : i32
    %dma_start3A_19 = arith.constant 1 : i32
    %dma_start3A_20 = arith.constant 0 : i32
    %dma_start3A_21 = arith.constant 0 : i32
    %dma_start3A_22 = tpu.memref_slice %arg9[%dma_start3A_19, %dma_start3A_20, %dma_start3A_21] : memref<8x128x128xbf16, #tpu.memory_space<vmem>> -> memref<1x128x128xbf16, #tpu.memory_space<vmem>>
    %dma_start3A_23 = tpu.memref_squeeze %dma_start3A_22 : memref<1x128x128xbf16, #tpu.memory_space<vmem>> -> memref<128x128xbf16, #tpu.memory_space<vmem>>
    %dma_start3A_24 = arith.constant 0 : i32
    %dma_start3A_25 = tpu.memref_slice %arg7[%dma_start3A_18, %dma_start3A_24] : memref<80x128xi32, #tpu.memory_space<vmem>> -> memref<1x128xi32, #tpu.memory_space<vmem>>
    %dma_start3A_26 = tpu.memref_squeeze %dma_start3A_25 : memref<1x128xi32, #tpu.memory_space<vmem>> -> memref<128xi32, #tpu.memory_space<vmem>>
    %dma_start3A_27 = arith.constant 0 : i32
    %dma_start3A_28 = arith.constant 0 : i32
    %dma_start3A_29 = tpu.memref_slice %arg2[%dma_start3A_27, %dma_start3A_28] : memref<10240x128xbf16, #tpu.memory_space<hbm>> -> memref<10240x128xbf16, #tpu.memory_space<hbm>>
    tpu.enqueue_indirect_dma source(%dma_start3A_29 : memref<10240x128xbf16, #tpu.memory_space<hbm>>) target(%dma_start3A_23 : memref<128x128xbf16, #tpu.memory_space<vmem>>) offsets(%dma_start3A_26 : memref<128xi32, #tpu.memory_space<vmem>>) semaphore(%arg12 : memref<!tpu.dma_semaphore, #tpu.memory_space<semaphore_mem>>)
    %dma_start3A_30 = arith.constant 2 : i32
    %dma_start3A_31 = arith.constant 2 : i32
    %dma_start3A_32 = arith.constant 0 : i32
    %dma_start3A_33 = arith.constant 0 : i32
    %dma_start3A_34 = tpu.memref_slice %arg9[%dma_start3A_31, %dma_start3A_32, %dma_start3A_33] : memref<8x128x128xbf16, #tpu.memory_space<vmem>> -> memref<1x128x128xbf16, #tpu.memory_space<vmem>>
    %dma_start3A_35 = tpu.memref_squeeze %dma_start3A_34 : memref<1x128x128xbf16, #tpu.memory_space<vmem>> -> memref<128x128xbf16, #tpu.memory_space<vmem>>
    %dma_start3A_36 = arith.constant 0 : i32
    %dma_start3A_37 = tpu.memref_slice %arg7[%dma_start3A_30, %dma_start3A_36] : memref<80x128xi32, #tpu.memory_space<vmem>> -> memref<1x128xi32, #tpu.memory_space<vmem>>
    %dma_start3A_38 = tpu.memref_squeeze %dma_start3A_37 : memref<1x128xi32, #tpu.memory_space<vmem>> -> memref<128xi32, #tpu.memory_space<vmem>>
    %dma_start3A_39 = arith.constant 0 : i32
    %dma_start3A_40 = arith.constant 0 : i32
    %dma_start3A_41 = tpu.memref_slice %arg2[%dma_start3A_39, %dma_start3A_40] : memref<10240x128xbf16, #tpu.memory_space<hbm>> -> memref<10240x128xbf16, #tpu.memory_space<hbm>>
    tpu.enqueue_indirect_dma source(%dma_start3A_41 : memref<10240x128xbf16, #tpu.memory_space<hbm>>) target(%dma_start3A_35 : memref<128x128xbf16, #tpu.memory_space<vmem>>) offsets(%dma_start3A_38 : memref<128xi32, #tpu.memory_space<vmem>>) semaphore(%arg13 : memref<!tpu.dma_semaphore, #tpu.memory_space<semaphore_mem>>)
    %dma_start3A_42 = arith.constant 3 : i32
    %dma_start3A_43 = arith.constant 3 : i32
    %dma_start3A_44 = arith.constant 0 : i32
    %dma_start3A_45 = arith.constant 0 : i32
    %dma_start3A_46 = tpu.memref_slice %arg9[%dma_start3A_43, %dma_start3A_44, %dma_start3A_45] : memref<8x128x128xbf16, #tpu.memory_space<vmem>> -> memref<1x128x128xbf16, #tpu.memory_space<vmem>>
    %dma_start3A_47 = tpu.memref_squeeze %dma_start3A_46 : memref<1x128x128xbf16, #tpu.memory_space<vmem>> -> memref<128x128xbf16, #tpu.memory_space<vmem>>
    %dma_start3A_48 = arith.constant 0 : i32
    %dma_start3A_49 = tpu.memref_slice %arg7[%dma_start3A_42, %dma_start3A_48] : memref<80x128xi32, #tpu.memory_space<vmem>> -> memref<1x128xi32, #tpu.memory_space<vmem>>
    %dma_start3A_50 = tpu.memref_squeeze %dma_start3A_49 : memref<1x128xi32, #tpu.memory_space<vmem>> -> memref<128xi32, #tpu.memory_space<vmem>>
    %dma_start3A_51 = arith.constant 0 : i32
    %dma_start3A_52 = arith.constant 0 : i32
    %dma_start3A_53 = tpu.memref_slice %arg2[%dma_start3A_51, %dma_start3A_52] : memref<10240x128xbf16, #tpu.memory_space<hbm>> -> memref<10240x128xbf16, #tpu.memory_space<hbm>>
    tpu.enqueue_indirect_dma source(%dma_start3A_53 : memref<10240x128xbf16, #tpu.memory_space<hbm>>) target(%dma_start3A_47 : memref<128x128xbf16, #tpu.memory_space<vmem>>) offsets(%dma_start3A_50 : memref<128xi32, #tpu.memory_space<vmem>>) semaphore(%arg14 : memref<!tpu.dma_semaphore, #tpu.memory_space<semaphore_mem>>)
    %dma_start3A_54 = arith.constant 4 : i32
    %dma_start3A_55 = arith.constant 4 : i32
    %dma_start3A_56 = arith.constant 0 : i32
    %dma_start3A_57 = arith.constant 0 : i32
    %dma_start3A_58 = tpu.memref_slice %arg9[%dma_start3A_55, %dma_start3A_56, %dma_start3A_57] : memref<8x128x128xbf16, #tpu.memory_space<vmem>> -> memref<1x128x128xbf16, #tpu.memory_space<vmem>>
    %dma_start3A_59 = tpu.memref_squeeze %dma_start3A_58 : memref<1x128x128xbf16, #tpu.memory_space<vmem>> -> memref<128x128xbf16, #tpu.memory_space<vmem>>
    %dma_start3A_60 = arith.constant 0 : i32
    %dma_start3A_61 = tpu.memref_slice %arg7[%dma_start3A_54, %dma_start3A_60] : memref<80x128xi32, #tpu.memory_space<vmem>> -> memref<1x128xi32, #tpu.memory_space<vmem>>
    %dma_start3A_62 = tpu.memref_squeeze %dma_start3A_61 : memref<1x128xi32, #tpu.memory_space<vmem>> -> memref<128xi32, #tpu.memory_space<vmem>>
    %dma_start3A_63 = arith.constant 0 : i32
    %dma_start3A_64 = arith.constant 0 : i32
    %dma_start3A_65 = tpu.memref_slice %arg2[%dma_start3A_63, %dma_start3A_64] : memref<10240x128xbf16, #tpu.memory_space<hbm>> -> memref<10240x128xbf16, #tpu.memory_space<hbm>>
    tpu.enqueue_indirect_dma source(%dma_start3A_65 : memref<10240x128xbf16, #tpu.memory_space<hbm>>) target(%dma_start3A_59 : memref<128x128xbf16, #tpu.memory_space<vmem>>) offsets(%dma_start3A_62 : memref<128xi32, #tpu.memory_space<vmem>>) semaphore(%arg15 : memref<!tpu.dma_semaphore, #tpu.memory_space<semaphore_mem>>)
    %dma_start3A_66 = arith.constant 5 : i32
    %dma_start3A_67 = arith.constant 5 : i32
    %dma_start3A_68 = arith.constant 0 : i32
    %dma_start3A_69 = arith.constant 0 : i32
    %dma_start3A_70 = tpu.memref_slice %arg9[%dma_start3A_67, %dma_start3A_68, %dma_start3A_69] : memref<8x128x128xbf16, #tpu.memory_space<vmem>> -> memref<1x128x128xbf16, #tpu.memory_space<vmem>>
    %dma_start3A_71 = tpu.memref_squeeze %dma_start3A_70 : memref<1x128x128xbf16, #tpu.memory_space<vmem>> -> memref<128x128xbf16, #tpu.memory_space<vmem>>
    %dma_start3A_72 = arith.constant 0 : i32
    %dma_start3A_73 = tpu.memref_slice %arg7[%dma_start3A_66, %dma_start3A_72] : memref<80x128xi32, #tpu.memory_space<vmem>> -> memref<1x128xi32, #tpu.memory_space<vmem>>
    %dma_start3A_74 = tpu.memref_squeeze %dma_start3A_73 : memref<1x128xi32, #tpu.memory_space<vmem>> -> memref<128xi32, #tpu.memory_space<vmem>>
    %dma_start3A_75 = arith.constant 0 : i32
    %dma_start3A_76 = arith.constant 0 : i32
    %dma_start3A_77 = tpu.memref_slice %arg2[%dma_start3A_75, %dma_start3A_76] : memref<10240x128xbf16, #tpu.memory_space<hbm>> -> memref<10240x128xbf16, #tpu.memory_space<hbm>>
    tpu.enqueue_indirect_dma source(%dma_start3A_77 : memref<10240x128xbf16, #tpu.memory_space<hbm>>) target(%dma_start3A_71 : memref<128x128xbf16, #tpu.memory_space<vmem>>) offsets(%dma_start3A_74 : memref<128xi32, #tpu.memory_space<vmem>>) semaphore(%arg16 : memref<!tpu.dma_semaphore, #tpu.memory_space<semaphore_mem>>)
    %dma_start3A_78 = arith.constant 6 : i32
    %dma_start3A_79 = arith.constant 6 : i32
    %dma_start3A_80 = arith.constant 0 : i32
    %dma_start3A_81 = arith.constant 0 : i32
    %dma_start3A_82 = tpu.memref_slice %arg9[%dma_start3A_79, %dma_start3A_80, %dma_start3A_81] : memref<8x128x128xbf16, #tpu.memory_space<vmem>> -> memref<1x128x128xbf16, #tpu.memory_space<vmem>>
    %dma_start3A_83 = tpu.memref_squeeze %dma_start3A_82 : memref<1x128x128xbf16, #tpu.memory_space<vmem>> -> memref<128x128xbf16, #tpu.memory_space<vmem>>
    %dma_start3A_84 = arith.constant 0 : i32
    %dma_start3A_85 = tpu.memref_slice %arg7[%dma_start3A_78, %dma_start3A_84] : memref<80x128xi32, #tpu.memory_space<vmem>> -> memref<1x128xi32, #tpu.memory_space<vmem>>
    %dma_start3A_86 = tpu.memref_squeeze %dma_start3A_85 : memref<1x128xi32, #tpu.memory_space<vmem>> -> memref<128xi32, #tpu.memory_space<vmem>>
    %dma_start3A_87 = arith.constant 0 : i32
    %dma_start3A_88 = arith.constant 0 : i32
    %dma_start3A_89 = tpu.memref_slice %arg2[%dma_start3A_87, %dma_start3A_88] : memref<10240x128xbf16, #tpu.memory_space<hbm>> -> memref<10240x128xbf16, #tpu.memory_space<hbm>>
    tpu.enqueue_indirect_dma source(%dma_start3A_89 : memref<10240x128xbf16, #tpu.memory_space<hbm>>) target(%dma_start3A_83 : memref<128x128xbf16, #tpu.memory_space<vmem>>) offsets(%dma_start3A_86 : memref<128xi32, #tpu.memory_space<vmem>>) semaphore(%arg17 : memref<!tpu.dma_semaphore, #tpu.memory_space<semaphore_mem>>)
    %scan3A = arith.constant 0 : i32
    %scan3A_90 = arith.constant 0 : i32
    %scan3A_91 = arith.constant 10 : i32
    %scan3A_92 = arith.addi %scan3A_90, %scan3A_91 : i32
    %scan3A_93 = arith.constant 1 : i32
    scf.for %scan3A_96 = %scan3A_90 to %scan3A_92 step %scan3A_93  : i32 {
      %mul3A_97 = arith.constant 8 : i32
      %mul3A_98 = arith.muli %mul3A_97, %scan3A_96 : i32
      %add3A_99 = arith.constant 0 : i32
      %add3A_100 = arith.addi %mul3A_98, %add3A_99 : i32
      %add3A_101 = arith.constant 8 : i32
      %add3A_102 = arith.addi %add3A_100, %add3A_101 : i32
      %sub3A = arith.constant 1 : i32
      %sub3A_103 = arith.subi %add3A_102, %sub3A : i32
      %lt3A = arith.constant 80 : i32
      %lt3A_104 = arith.cmpi slt, %sub3A_103, %lt3A : i32
      %convert_element_type3A = arith.extui %lt3A_104 : i1 to i32
      %cond3A = arith.constant 0 : i32
      %cond3A_105 = arith.cmpi ne, %convert_element_type3A, %cond3A : i32
      scf.if %cond3A_105 {
        %add3A_291 = arith.constant 8 : i32
        %add3A_292 = arith.addi %add3A_100, %add3A_291 : i32
        %sub3A_293 = arith.constant 1 : i32
        %sub3A_294 = arith.subi %add3A_292, %sub3A_293 : i32
        %dma_start3A_295 = arith.constant 7 : i32
        %dma_start3A_296 = arith.constant 0 : i32
        %dma_start3A_297 = arith.constant 0 : i32
        %dma_start3A_298 = tpu.memref_slice %arg9[%dma_start3A_295, %dma_start3A_296, %dma_start3A_297] : memref<8x128x128xbf16, #tpu.memory_space<vmem>> -> memref<1x128x128xbf16, #tpu.memory_space<vmem>>
        %dma_start3A_299 = tpu.memref_squeeze %dma_start3A_298 : memref<1x128x128xbf16, #tpu.memory_space<vmem>> -> memref<128x128xbf16, #tpu.memory_space<vmem>>
        %dma_start3A_300 = arith.constant 0 : i32
        %dma_start3A_301 = tpu.memref_slice %arg7[%sub3A_294, %dma_start3A_300] : memref<80x128xi32, #tpu.memory_space<vmem>> -> memref<1x128xi32, #tpu.memory_space<vmem>>
        %dma_start3A_302 = tpu.memref_squeeze %dma_start3A_301 : memref<1x128xi32, #tpu.memory_space<vmem>> -> memref<128xi32, #tpu.memory_space<vmem>>
        %dma_start3A_303 = arith.constant 0 : i32
        %dma_start3A_304 = arith.constant 0 : i32
        %dma_start3A_305 = tpu.memref_slice %arg2[%dma_start3A_303, %dma_start3A_304] : memref<10240x128xbf16, #tpu.memory_space<hbm>> -> memref<10240x128xbf16, #tpu.memory_space<hbm>>
        tpu.enqueue_indirect_dma source(%dma_start3A_305 : memref<10240x128xbf16, #tpu.memory_space<hbm>>) target(%dma_start3A_299 : memref<128x128xbf16, #tpu.memory_space<vmem>>) offsets(%dma_start3A_302 : memref<128xi32, #tpu.memory_space<vmem>>) semaphore(%arg18 : memref<!tpu.dma_semaphore, #tpu.memory_space<semaphore_mem>>)
      } else {
      }
      %dma_wait3A = arith.constant 0 : i32
      %dma_wait3A_106 = arith.constant 0 : i32
      %dma_wait3A_107 = arith.constant 0 : i32
      %dma_wait3A_108 = tpu.memref_slice %arg9[%dma_wait3A, %dma_wait3A_106, %dma_wait3A_107] : memref<8x128x128xbf16, #tpu.memory_space<vmem>> -> memref<1x128x128xbf16, #tpu.memory_space<vmem>>
      %dma_wait3A_109 = tpu.memref_squeeze %dma_wait3A_108 : memref<1x128x128xbf16, #tpu.memory_space<vmem>> -> memref<128x128xbf16, #tpu.memory_space<vmem>>
      %dma_wait3A_110 = arith.constant 0 : i32
      %dma_wait3A_111 = tpu.memref_slice %arg7[%add3A_100, %dma_wait3A_110] : memref<80x128xi32, #tpu.memory_space<vmem>> -> memref<1x128xi32, #tpu.memory_space<vmem>>
      %dma_wait3A_112 = tpu.memref_squeeze %dma_wait3A_111 : memref<1x128xi32, #tpu.memory_space<vmem>> -> memref<128xi32, #tpu.memory_space<vmem>>
      %dma_wait3A_113 = arith.constant 0 : i32
      %dma_wait3A_114 = arith.constant 0 : i32
      %dma_wait3A_115 = tpu.memref_slice %arg2[%dma_wait3A_113, %dma_wait3A_114] : memref<10240x128xbf16, #tpu.memory_space<hbm>> -> memref<10240x128xbf16, #tpu.memory_space<hbm>>
      tpu.wait_indirect_dma semaphore(%arg11 : memref<!tpu.dma_semaphore, #tpu.memory_space<semaphore_mem>>) src(%dma_wait3A_115 : memref<10240x128xbf16, #tpu.memory_space<hbm>>) dst(%dma_wait3A_109 : memref<128x128xbf16, #tpu.memory_space<vmem>>)
      %run_scoped3A = arith.constant 0 : i32
      "tpu.region"() ({
        %run_scoped3A_291 = tpu.sem_alloc : memref<!tpu.dma_semaphore, #tpu.memory_space<semaphore_mem>>
        %dma_start3A_292 = arith.constant 0 : i32
        %dma_start3A_293 = arith.constant 0 : i32
        %dma_start3A_294 = tpu.memref_slice %arg9[%run_scoped3A, %dma_start3A_292, %dma_start3A_293] : memref<8x128x128xbf16, #tpu.memory_space<vmem>> -> memref<1x128x128xbf16, #tpu.memory_space<vmem>>
        %dma_start3A_295 = tpu.memref_squeeze %dma_start3A_294 : memref<1x128x128xbf16, #tpu.memory_space<vmem>> -> memref<128x128xbf16, #tpu.memory_space<vmem>>
        %dma_start3A_296 = arith.constant 0 : i32
        %dma_start3A_297 = tpu.memref_slice %arg8[%add3A_100, %dma_start3A_296] : memref<80x128xi32, #tpu.memory_space<vmem>> -> memref<1x128xi32, #tpu.memory_space<vmem>>
        %dma_start3A_298 = tpu.memref_squeeze %dma_start3A_297 : memref<1x128xi32, #tpu.memory_space<vmem>> -> memref<128xi32, #tpu.memory_space<vmem>>
        %dma_start3A_299 = arith.constant 0 : i32
        %dma_start3A_300 = arith.constant 0 : i32
        %dma_start3A_301 = tpu.memref_slice %arg10[%dma_start3A_299, %dma_start3A_300] : memref<10240x128xbf16, #tpu.memory_space<vmem_shared>> -> memref<10240x128xbf16, #tpu.memory_space<vmem_shared>>
        tpu.enqueue_indirect_dma source(%dma_start3A_295 : memref<128x128xbf16, #tpu.memory_space<vmem>>) target(%dma_start3A_301 : memref<10240x128xbf16, #tpu.memory_space<vmem_shared>>) offsets(%dma_start3A_298 : memref<128xi32, #tpu.memory_space<vmem>>) semaphore(%run_scoped3A_291 : memref<!tpu.dma_semaphore, #tpu.memory_space<semaphore_mem>>) {add = true}
        %dma_wait3A_302 = arith.constant 0 : i32
        %dma_wait3A_303 = arith.constant 0 : i32
        %dma_wait3A_304 = tpu.memref_slice %arg9[%run_scoped3A, %dma_wait3A_302, %dma_wait3A_303] : memref<8x128x128xbf16, #tpu.memory_space<vmem>> -> memref<1x128x128xbf16, #tpu.memory_space<vmem>>
        %dma_wait3A_305 = tpu.memref_squeeze %dma_wait3A_304 : memref<1x128x128xbf16, #tpu.memory_space<vmem>> -> memref<128x128xbf16, #tpu.memory_space<vmem>>
        %dma_wait3A_306 = arith.constant 0 : i32
        %dma_wait3A_307 = tpu.memref_slice %arg8[%add3A_100, %dma_wait3A_306] : memref<80x128xi32, #tpu.memory_space<vmem>> -> memref<1x128xi32, #tpu.memory_space<vmem>>
        %dma_wait3A_308 = tpu.memref_squeeze %dma_wait3A_307 : memref<1x128xi32, #tpu.memory_space<vmem>> -> memref<128xi32, #tpu.memory_space<vmem>>
        %dma_wait3A_309 = arith.constant 0 : i32
        %dma_wait3A_310 = arith.constant 0 : i32
        %dma_wait3A_311 = tpu.memref_slice %arg10[%dma_wait3A_309, %dma_wait3A_310] : memref<10240x128xbf16, #tpu.memory_space<vmem_shared>> -> memref<10240x128xbf16, #tpu.memory_space<vmem_shared>>
        tpu.wait_indirect_dma semaphore(%run_scoped3A_291 : memref<!tpu.dma_semaphore, #tpu.memory_space<semaphore_mem>>) src(%dma_wait3A_305 : memref<128x128xbf16, #tpu.memory_space<vmem>>) dst(%dma_wait3A_311 : memref<10240x128xbf16, #tpu.memory_space<vmem_shared>>)
        tpu.yield
      }) : () -> ()
      %mul3A_116 = arith.constant 8 : i32
      %mul3A_117 = arith.muli %mul3A_116, %scan3A_96 : i32
      %add3A_118 = arith.constant 1 : i32
      %add3A_119 = arith.addi %mul3A_117, %add3A_118 : i32
      %add3A_120 = arith.constant 8 : i32
      %add3A_121 = arith.addi %add3A_119, %add3A_120 : i32
      %sub3A_122 = arith.constant 1 : i32
      %sub3A_123 = arith.subi %add3A_121, %sub3A_122 : i32
      %lt3A_124 = arith.constant 80 : i32
      %lt3A_125 = arith.cmpi slt, %sub3A_123, %lt3A_124 : i32
      %convert_element_type3A_126 = arith.extui %lt3A_125 : i1 to i32
      %cond3A_127 = arith.constant 0 : i32
      %cond3A_128 = arith.cmpi ne, %convert_element_type3A_126, %cond3A_127 : i32
      scf.if %cond3A_128 {
        %add3A_291 = arith.constant 8 : i32
        %add3A_292 = arith.addi %add3A_119, %add3A_291 : i32
        %sub3A_293 = arith.constant 1 : i32
        %sub3A_294 = arith.subi %add3A_292, %sub3A_293 : i32
        %dma_start3A_295 = arith.constant 0 : i32
        %dma_start3A_296 = arith.constant 0 : i32
        %dma_start3A_297 = arith.constant 0 : i32
        %dma_start3A_298 = tpu.memref_slice %arg9[%dma_start3A_295, %dma_start3A_296, %dma_start3A_297] : memref<8x128x128xbf16, #tpu.memory_space<vmem>> -> memref<1x128x128xbf16, #tpu.memory_space<vmem>>
        %dma_start3A_299 = tpu.memref_squeeze %dma_start3A_298 : memref<1x128x128xbf16, #tpu.memory_space<vmem>> -> memref<128x128xbf16, #tpu.memory_space<vmem>>
        %dma_start3A_300 = arith.constant 0 : i32
        %dma_start3A_301 = tpu.memref_slice %arg7[%sub3A_294, %dma_start3A_300] : memref<80x128xi32, #tpu.memory_space<vmem>> -> memref<1x128xi32, #tpu.memory_space<vmem>>
        %dma_start3A_302 = tpu.memref_squeeze %dma_start3A_301 : memref<1x128xi32, #tpu.memory_space<vmem>> -> memref<128xi32, #tpu.memory_space<vmem>>
        %dma_start3A_303 = arith.constant 0 : i32
        %dma_start3A_304 = arith.constant 0 : i32
        %dma_start3A_305 = tpu.memref_slice %arg2[%dma_start3A_303, %dma_start3A_304] : memref<10240x128xbf16, #tpu.memory_space<hbm>> -> memref<10240x128xbf16, #tpu.memory_space<hbm>>
        tpu.enqueue_indirect_dma source(%dma_start3A_305 : memref<10240x128xbf16, #tpu.memory_space<hbm>>) target(%dma_start3A_299 : memref<128x128xbf16, #tpu.memory_space<vmem>>) offsets(%dma_start3A_302 : memref<128xi32, #tpu.memory_space<vmem>>) semaphore(%arg11 : memref<!tpu.dma_semaphore, #tpu.memory_space<semaphore_mem>>)
      } else {
      }
      %dma_wait3A_129 = arith.constant 1 : i32
      %dma_wait3A_130 = arith.constant 0 : i32
      %dma_wait3A_131 = arith.constant 0 : i32
      %dma_wait3A_132 = tpu.memref_slice %arg9[%dma_wait3A_129, %dma_wait3A_130, %dma_wait3A_131] : memref<8x128x128xbf16, #tpu.memory_space<vmem>> -> memref<1x128x128xbf16, #tpu.memory_space<vmem>>
      %dma_wait3A_133 = tpu.memref_squeeze %dma_wait3A_132 : memref<1x128x128xbf16, #tpu.memory_space<vmem>> -> memref<128x128xbf16, #tpu.memory_space<vmem>>
      %dma_wait3A_134 = arith.constant 0 : i32
      %dma_wait3A_135 = tpu.memref_slice %arg7[%add3A_119, %dma_wait3A_134] : memref<80x128xi32, #tpu.memory_space<vmem>> -> memref<1x128xi32, #tpu.memory_space<vmem>>
      %dma_wait3A_136 = tpu.memref_squeeze %dma_wait3A_135 : memref<1x128xi32, #tpu.memory_space<vmem>> -> memref<128xi32, #tpu.memory_space<vmem>>
      %dma_wait3A_137 = arith.constant 0 : i32
      %dma_wait3A_138 = arith.constant 0 : i32
      %dma_wait3A_139 = tpu.memref_slice %arg2[%dma_wait3A_137, %dma_wait3A_138] : memref<10240x128xbf16, #tpu.memory_space<hbm>> -> memref<10240x128xbf16, #tpu.memory_space<hbm>>
      tpu.wait_indirect_dma semaphore(%arg12 : memref<!tpu.dma_semaphore, #tpu.memory_space<semaphore_mem>>) src(%dma_wait3A_139 : memref<10240x128xbf16, #tpu.memory_space<hbm>>) dst(%dma_wait3A_133 : memref<128x128xbf16, #tpu.memory_space<vmem>>)
      %run_scoped3A_140 = arith.constant 1 : i32
      "tpu.region"() ({
        %run_scoped3A_291 = tpu.sem_alloc : memref<!tpu.dma_semaphore, #tpu.memory_space<semaphore_mem>>
        %dma_start3A_292 = arith.constant 0 : i32
        %dma_start3A_293 = arith.constant 0 : i32
        %dma_start3A_294 = tpu.memref_slice %arg9[%run_scoped3A_140, %dma_start3A_292, %dma_start3A_293] : memref<8x128x128xbf16, #tpu.memory_space<vmem>> -> memref<1x128x128xbf16, #tpu.memory_space<vmem>>
        %dma_start3A_295 = tpu.memref_squeeze %dma_start3A_294 : memref<1x128x128xbf16, #tpu.memory_space<vmem>> -> memref<128x128xbf16, #tpu.memory_space<vmem>>
        %dma_start3A_296 = arith.constant 0 : i32
        %dma_start3A_297 = tpu.memref_slice %arg8[%add3A_119, %dma_start3A_296] : memref<80x128xi32, #tpu.memory_space<vmem>> -> memref<1x128xi32, #tpu.memory_space<vmem>>
        %dma_start3A_298 = tpu.memref_squeeze %dma_start3A_297 : memref<1x128xi32, #tpu.memory_space<vmem>> -> memref<128xi32, #tpu.memory_space<vmem>>
        %dma_start3A_299 = arith.constant 0 : i32
        %dma_start3A_300 = arith.constant 0 : i32
        %dma_start3A_301 = tpu.memref_slice %arg10[%dma_start3A_299, %dma_start3A_300] : memref<10240x128xbf16, #tpu.memory_space<vmem_shared>> -> memref<10240x128xbf16, #tpu.memory_space<vmem_shared>>
        tpu.enqueue_indirect_dma source(%dma_start3A_295 : memref<128x128xbf16, #tpu.memory_space<vmem>>) target(%dma_start3A_301 : memref<10240x128xbf16, #tpu.memory_space<vmem_shared>>) offsets(%dma_start3A_298 : memref<128xi32, #tpu.memory_space<vmem>>) semaphore(%run_scoped3A_291 : memref<!tpu.dma_semaphore, #tpu.memory_space<semaphore_mem>>) {add = true}
        %dma_wait3A_302 = arith.constant 0 : i32
        %dma_wait3A_303 = arith.constant 0 : i32
        %dma_wait3A_304 = tpu.memref_slice %arg9[%run_scoped3A_140, %dma_wait3A_302, %dma_wait3A_303] : memref<8x128x128xbf16, #tpu.memory_space<vmem>> -> memref<1x128x128xbf16, #tpu.memory_space<vmem>>
        %dma_wait3A_305 = tpu.memref_squeeze %dma_wait3A_304 : memref<1x128x128xbf16, #tpu.memory_space<vmem>> -> memref<128x128xbf16, #tpu.memory_space<vmem>>
        %dma_wait3A_306 = arith.constant 0 : i32
        %dma_wait3A_307 = tpu.memref_slice %arg8[%add3A_119, %dma_wait3A_306] : memref<80x128xi32, #tpu.memory_space<vmem>> -> memref<1x128xi32, #tpu.memory_space<vmem>>
        %dma_wait3A_308 = tpu.memref_squeeze %dma_wait3A_307 : memref<1x128xi32, #tpu.memory_space<vmem>> -> memref<128xi32, #tpu.memory_space<vmem>>
        %dma_wait3A_309 = arith.constant 0 : i32
        %dma_wait3A_310 = arith.constant 0 : i32
        %dma_wait3A_311 = tpu.memref_slice %arg10[%dma_wait3A_309, %dma_wait3A_310] : memref<10240x128xbf16, #tpu.memory_space<vmem_shared>> -> memref<10240x128xbf16, #tpu.memory_space<vmem_shared>>
        tpu.wait_indirect_dma semaphore(%run_scoped3A_291 : memref<!tpu.dma_semaphore, #tpu.memory_space<semaphore_mem>>) src(%dma_wait3A_305 : memref<128x128xbf16, #tpu.memory_space<vmem>>) dst(%dma_wait3A_311 : memref<10240x128xbf16, #tpu.memory_space<vmem_shared>>)
        tpu.yield
      }) : () -> ()
      %mul3A_141 = arith.constant 8 : i32
      %mul3A_142 = arith.muli %mul3A_141, %scan3A_96 : i32
      %add3A_143 = arith.constant 2 : i32
      %add3A_144 = arith.addi %mul3A_142, %add3A_143 : i32
      %add3A_145 = arith.constant 8 : i32
      %add3A_146 = arith.addi %add3A_144, %add3A_145 : i32
      %sub3A_147 = arith.constant 1 : i32
      %sub3A_148 = arith.subi %add3A_146, %sub3A_147 : i32
      %lt3A_149 = arith.constant 80 : i32
      %lt3A_150 = arith.cmpi slt, %sub3A_148, %lt3A_149 : i32
      %convert_element_type3A_151 = arith.extui %lt3A_150 : i1 to i32
      %cond3A_152 = arith.constant 0 : i32
      %cond3A_153 = arith.cmpi ne, %convert_element_type3A_151, %cond3A_152 : i32
      scf.if %cond3A_153 {
        %add3A_291 = arith.constant 8 : i32
        %add3A_292 = arith.addi %add3A_144, %add3A_291 : i32
        %sub3A_293 = arith.constant 1 : i32
        %sub3A_294 = arith.subi %add3A_292, %sub3A_293 : i32
        %dma_start3A_295 = arith.constant 1 : i32
        %dma_start3A_296 = arith.constant 0 : i32
        %dma_start3A_297 = arith.constant 0 : i32
        %dma_start3A_298 = tpu.memref_slice %arg9[%dma_start3A_295, %dma_start3A_296, %dma_start3A_297] : memref<8x128x128xbf16, #tpu.memory_space<vmem>> -> memref<1x128x128xbf16, #tpu.memory_space<vmem>>
        %dma_start3A_299 = tpu.memref_squeeze %dma_start3A_298 : memref<1x128x128xbf16, #tpu.memory_space<vmem>> -> memref<128x128xbf16, #tpu.memory_space<vmem>>
        %dma_start3A_300 = arith.constant 0 : i32
        %dma_start3A_301 = tpu.memref_slice %arg7[%sub3A_294, %dma_start3A_300] : memref<80x128xi32, #tpu.memory_space<vmem>> -> memref<1x128xi32, #tpu.memory_space<vmem>>
        %dma_start3A_302 = tpu.memref_squeeze %dma_start3A_301 : memref<1x128xi32, #tpu.memory_space<vmem>> -> memref<128xi32, #tpu.memory_space<vmem>>
        %dma_start3A_303 = arith.constant 0 : i32
        %dma_start3A_304 = arith.constant 0 : i32
        %dma_start3A_305 = tpu.memref_slice %arg2[%dma_start3A_303, %dma_start3A_304] : memref<10240x128xbf16, #tpu.memory_space<hbm>> -> memref<10240x128xbf16, #tpu.memory_space<hbm>>
        tpu.enqueue_indirect_dma source(%dma_start3A_305 : memref<10240x128xbf16, #tpu.memory_space<hbm>>) target(%dma_start3A_299 : memref<128x128xbf16, #tpu.memory_space<vmem>>) offsets(%dma_start3A_302 : memref<128xi32, #tpu.memory_space<vmem>>) semaphore(%arg12 : memref<!tpu.dma_semaphore, #tpu.memory_space<semaphore_mem>>)
      } else {
      }
      %dma_wait3A_154 = arith.constant 2 : i32
      %dma_wait3A_155 = arith.constant 0 : i32
      %dma_wait3A_156 = arith.constant 0 : i32
      %dma_wait3A_157 = tpu.memref_slice %arg9[%dma_wait3A_154, %dma_wait3A_155, %dma_wait3A_156] : memref<8x128x128xbf16, #tpu.memory_space<vmem>> -> memref<1x128x128xbf16, #tpu.memory_space<vmem>>
      %dma_wait3A_158 = tpu.memref_squeeze %dma_wait3A_157 : memref<1x128x128xbf16, #tpu.memory_space<vmem>> -> memref<128x128xbf16, #tpu.memory_space<vmem>>
      %dma_wait3A_159 = arith.constant 0 : i32
      %dma_wait3A_160 = tpu.memref_slice %arg7[%add3A_144, %dma_wait3A_159] : memref<80x128xi32, #tpu.memory_space<vmem>> -> memref<1x128xi32, #tpu.memory_space<vmem>>
      %dma_wait3A_161 = tpu.memref_squeeze %dma_wait3A_160 : memref<1x128xi32, #tpu.memory_space<vmem>> -> memref<128xi32, #tpu.memory_space<vmem>>
      %dma_wait3A_162 = arith.constant 0 : i32
      %dma_wait3A_163 = arith.constant 0 : i32
      %dma_wait3A_164 = tpu.memref_slice %arg2[%dma_wait3A_162, %dma_wait3A_163] : memref<10240x128xbf16, #tpu.memory_space<hbm>> -> memref<10240x128xbf16, #tpu.memory_space<hbm>>
      tpu.wait_indirect_dma semaphore(%arg13 : memref<!tpu.dma_semaphore, #tpu.memory_space<semaphore_mem>>) src(%dma_wait3A_164 : memref<10240x128xbf16, #tpu.memory_space<hbm>>) dst(%dma_wait3A_158 : memref<128x128xbf16, #tpu.memory_space<vmem>>)
      %run_scoped3A_165 = arith.constant 2 : i32
      "tpu.region"() ({
        %run_scoped3A_291 = tpu.sem_alloc : memref<!tpu.dma_semaphore, #tpu.memory_space<semaphore_mem>>
        %dma_start3A_292 = arith.constant 0 : i32
        %dma_start3A_293 = arith.constant 0 : i32
        %dma_start3A_294 = tpu.memref_slice %arg9[%run_scoped3A_165, %dma_start3A_292, %dma_start3A_293] : memref<8x128x128xbf16, #tpu.memory_space<vmem>> -> memref<1x128x128xbf16, #tpu.memory_space<vmem>>
        %dma_start3A_295 = tpu.memref_squeeze %dma_start3A_294 : memref<1x128x128xbf16, #tpu.memory_space<vmem>> -> memref<128x128xbf16, #tpu.memory_space<vmem>>
        %dma_start3A_296 = arith.constant 0 : i32
        %dma_start3A_297 = tpu.memref_slice %arg8[%add3A_144, %dma_start3A_296] : memref<80x128xi32, #tpu.memory_space<vmem>> -> memref<1x128xi32, #tpu.memory_space<vmem>>
        %dma_start3A_298 = tpu.memref_squeeze %dma_start3A_297 : memref<1x128xi32, #tpu.memory_space<vmem>> -> memref<128xi32, #tpu.memory_space<vmem>>
        %dma_start3A_299 = arith.constant 0 : i32
        %dma_start3A_300 = arith.constant 0 : i32
        %dma_start3A_301 = tpu.memref_slice %arg10[%dma_start3A_299, %dma_start3A_300] : memref<10240x128xbf16, #tpu.memory_space<vmem_shared>> -> memref<10240x128xbf16, #tpu.memory_space<vmem_shared>>
        tpu.enqueue_indirect_dma source(%dma_start3A_295 : memref<128x128xbf16, #tpu.memory_space<vmem>>) target(%dma_start3A_301 : memref<10240x128xbf16, #tpu.memory_space<vmem_shared>>) offsets(%dma_start3A_298 : memref<128xi32, #tpu.memory_space<vmem>>) semaphore(%run_scoped3A_291 : memref<!tpu.dma_semaphore, #tpu.memory_space<semaphore_mem>>) {add = true}
        %dma_wait3A_302 = arith.constant 0 : i32
        %dma_wait3A_303 = arith.constant 0 : i32
        %dma_wait3A_304 = tpu.memref_slice %arg9[%run_scoped3A_165, %dma_wait3A_302, %dma_wait3A_303] : memref<8x128x128xbf16, #tpu.memory_space<vmem>> -> memref<1x128x128xbf16, #tpu.memory_space<vmem>>
        %dma_wait3A_305 = tpu.memref_squeeze %dma_wait3A_304 : memref<1x128x128xbf16, #tpu.memory_space<vmem>> -> memref<128x128xbf16, #tpu.memory_space<vmem>>
        %dma_wait3A_306 = arith.constant 0 : i32
        %dma_wait3A_307 = tpu.memref_slice %arg8[%add3A_144, %dma_wait3A_306] : memref<80x128xi32, #tpu.memory_space<vmem>> -> memref<1x128xi32, #tpu.memory_space<vmem>>
        %dma_wait3A_308 = tpu.memref_squeeze %dma_wait3A_307 : memref<1x128xi32, #tpu.memory_space<vmem>> -> memref<128xi32, #tpu.memory_space<vmem>>
        %dma_wait3A_309 = arith.constant 0 : i32
        %dma_wait3A_310 = arith.constant 0 : i32
        %dma_wait3A_311 = tpu.memref_slice %arg10[%dma_wait3A_309, %dma_wait3A_310] : memref<10240x128xbf16, #tpu.memory_space<vmem_shared>> -> memref<10240x128xbf16, #tpu.memory_space<vmem_shared>>
        tpu.wait_indirect_dma semaphore(%run_scoped3A_291 : memref<!tpu.dma_semaphore, #tpu.memory_space<semaphore_mem>>) src(%dma_wait3A_305 : memref<128x128xbf16, #tpu.memory_space<vmem>>) dst(%dma_wait3A_311 : memref<10240x128xbf16, #tpu.memory_space<vmem_shared>>)
        tpu.yield
      }) : () -> ()
      %mul3A_166 = arith.constant 8 : i32
      %mul3A_167 = arith.muli %mul3A_166, %scan3A_96 : i32
      %add3A_168 = arith.constant 3 : i32
      %add3A_169 = arith.addi %mul3A_167, %add3A_168 : i32
      %add3A_170 = arith.constant 8 : i32
      %add3A_171 = arith.addi %add3A_169, %add3A_170 : i32
      %sub3A_172 = arith.constant 1 : i32
      %sub3A_173 = arith.subi %add3A_171, %sub3A_172 : i32
      %lt3A_174 = arith.constant 80 : i32
      %lt3A_175 = arith.cmpi slt, %sub3A_173, %lt3A_174 : i32
      %convert_element_type3A_176 = arith.extui %lt3A_175 : i1 to i32
      %cond3A_177 = arith.constant 0 : i32
      %cond3A_178 = arith.cmpi ne, %convert_element_type3A_176, %cond3A_177 : i32
      scf.if %cond3A_178 {
        %add3A_291 = arith.constant 8 : i32
        %add3A_292 = arith.addi %add3A_169, %add3A_291 : i32
        %sub3A_293 = arith.constant 1 : i32
        %sub3A_294 = arith.subi %add3A_292, %sub3A_293 : i32
        %dma_start3A_295 = arith.constant 2 : i32
        %dma_start3A_296 = arith.constant 0 : i32
        %dma_start3A_297 = arith.constant 0 : i32
        %dma_start3A_298 = tpu.memref_slice %arg9[%dma_start3A_295, %dma_start3A_296, %dma_start3A_297] : memref<8x128x128xbf16, #tpu.memory_space<vmem>> -> memref<1x128x128xbf16, #tpu.memory_space<vmem>>
        %dma_start3A_299 = tpu.memref_squeeze %dma_start3A_298 : memref<1x128x128xbf16, #tpu.memory_space<vmem>> -> memref<128x128xbf16, #tpu.memory_space<vmem>>
        %dma_start3A_300 = arith.constant 0 : i32
        %dma_start3A_301 = tpu.memref_slice %arg7[%sub3A_294, %dma_start3A_300] : memref<80x128xi32, #tpu.memory_space<vmem>> -> memref<1x128xi32, #tpu.memory_space<vmem>>
        %dma_start3A_302 = tpu.memref_squeeze %dma_start3A_301 : memref<1x128xi32, #tpu.memory_space<vmem>> -> memref<128xi32, #tpu.memory_space<vmem>>
        %dma_start3A_303 = arith.constant 0 : i32
        %dma_start3A_304 = arith.constant 0 : i32
        %dma_start3A_305 = tpu.memref_slice %arg2[%dma_start3A_303, %dma_start3A_304] : memref<10240x128xbf16, #tpu.memory_space<hbm>> -> memref<10240x128xbf16, #tpu.memory_space<hbm>>
        tpu.enqueue_indirect_dma source(%dma_start3A_305 : memref<10240x128xbf16, #tpu.memory_space<hbm>>) target(%dma_start3A_299 : memref<128x128xbf16, #tpu.memory_space<vmem>>) offsets(%dma_start3A_302 : memref<128xi32, #tpu.memory_space<vmem>>) semaphore(%arg13 : memref<!tpu.dma_semaphore, #tpu.memory_space<semaphore_mem>>)
      } else {
      }
      %dma_wait3A_179 = arith.constant 3 : i32
      %dma_wait3A_180 = arith.constant 0 : i32
      %dma_wait3A_181 = arith.constant 0 : i32
      %dma_wait3A_182 = tpu.memref_slice %arg9[%dma_wait3A_179, %dma_wait3A_180, %dma_wait3A_181] : memref<8x128x128xbf16, #tpu.memory_space<vmem>> -> memref<1x128x128xbf16, #tpu.memory_space<vmem>>
      %dma_wait3A_183 = tpu.memref_squeeze %dma_wait3A_182 : memref<1x128x128xbf16, #tpu.memory_space<vmem>> -> memref<128x128xbf16, #tpu.memory_space<vmem>>
      %dma_wait3A_184 = arith.constant 0 : i32
      %dma_wait3A_185 = tpu.memref_slice %arg7[%add3A_169, %dma_wait3A_184] : memref<80x128xi32, #tpu.memory_space<vmem>> -> memref<1x128xi32, #tpu.memory_space<vmem>>
      %dma_wait3A_186 = tpu.memref_squeeze %dma_wait3A_185 : memref<1x128xi32, #tpu.memory_space<vmem>> -> memref<128xi32, #tpu.memory_space<vmem>>
      %dma_wait3A_187 = arith.constant 0 : i32
      %dma_wait3A_188 = arith.constant 0 : i32
      %dma_wait3A_189 = tpu.memref_slice %arg2[%dma_wait3A_187, %dma_wait3A_188] : memref<10240x128xbf16, #tpu.memory_space<hbm>> -> memref<10240x128xbf16, #tpu.memory_space<hbm>>
      tpu.wait_indirect_dma semaphore(%arg14 : memref<!tpu.dma_semaphore, #tpu.memory_space<semaphore_mem>>) src(%dma_wait3A_189 : memref<10240x128xbf16, #tpu.memory_space<hbm>>) dst(%dma_wait3A_183 : memref<128x128xbf16, #tpu.memory_space<vmem>>)
      %run_scoped3A_190 = arith.constant 3 : i32
      "tpu.region"() ({
        %run_scoped3A_291 = tpu.sem_alloc : memref<!tpu.dma_semaphore, #tpu.memory_space<semaphore_mem>>
        %dma_start3A_292 = arith.constant 0 : i32
        %dma_start3A_293 = arith.constant 0 : i32
        %dma_start3A_294 = tpu.memref_slice %arg9[%run_scoped3A_190, %dma_start3A_292, %dma_start3A_293] : memref<8x128x128xbf16, #tpu.memory_space<vmem>> -> memref<1x128x128xbf16, #tpu.memory_space<vmem>>
        %dma_start3A_295 = tpu.memref_squeeze %dma_start3A_294 : memref<1x128x128xbf16, #tpu.memory_space<vmem>> -> memref<128x128xbf16, #tpu.memory_space<vmem>>
        %dma_start3A_296 = arith.constant 0 : i32
        %dma_start3A_297 = tpu.memref_slice %arg8[%add3A_169, %dma_start3A_296] : memref<80x128xi32, #tpu.memory_space<vmem>> -> memref<1x128xi32, #tpu.memory_space<vmem>>
        %dma_start3A_298 = tpu.memref_squeeze %dma_start3A_297 : memref<1x128xi32, #tpu.memory_space<vmem>> -> memref<128xi32, #tpu.memory_space<vmem>>
        %dma_start3A_299 = arith.constant 0 : i32
        %dma_start3A_300 = arith.constant 0 : i32
        %dma_start3A_301 = tpu.memref_slice %arg10[%dma_start3A_299, %dma_start3A_300] : memref<10240x128xbf16, #tpu.memory_space<vmem_shared>> -> memref<10240x128xbf16, #tpu.memory_space<vmem_shared>>
        tpu.enqueue_indirect_dma source(%dma_start3A_295 : memref<128x128xbf16, #tpu.memory_space<vmem>>) target(%dma_start3A_301 : memref<10240x128xbf16, #tpu.memory_space<vmem_shared>>) offsets(%dma_start3A_298 : memref<128xi32, #tpu.memory_space<vmem>>) semaphore(%run_scoped3A_291 : memref<!tpu.dma_semaphore, #tpu.memory_space<semaphore_mem>>) {add = true}
        %dma_wait3A_302 = arith.constant 0 : i32
        %dma_wait3A_303 = arith.constant 0 : i32
        %dma_wait3A_304 = tpu.memref_slice %arg9[%run_scoped3A_190, %dma_wait3A_302, %dma_wait3A_303] : memref<8x128x128xbf16, #tpu.memory_space<vmem>> -> memref<1x128x128xbf16, #tpu.memory_space<vmem>>
        %dma_wait3A_305 = tpu.memref_squeeze %dma_wait3A_304 : memref<1x128x128xbf16, #tpu.memory_space<vmem>> -> memref<128x128xbf16, #tpu.memory_space<vmem>>
        %dma_wait3A_306 = arith.constant 0 : i32
        %dma_wait3A_307 = tpu.memref_slice %arg8[%add3A_169, %dma_wait3A_306] : memref<80x128xi32, #tpu.memory_space<vmem>> -> memref<1x128xi32, #tpu.memory_space<vmem>>
        %dma_wait3A_308 = tpu.memref_squeeze %dma_wait3A_307 : memref<1x128xi32, #tpu.memory_space<vmem>> -> memref<128xi32, #tpu.memory_space<vmem>>
        %dma_wait3A_309 = arith.constant 0 : i32
        %dma_wait3A_310 = arith.constant 0 : i32
        %dma_wait3A_311 = tpu.memref_slice %arg10[%dma_wait3A_309, %dma_wait3A_310] : memref<10240x128xbf16, #tpu.memory_space<vmem_shared>> -> memref<10240x128xbf16, #tpu.memory_space<vmem_shared>>
        tpu.wait_indirect_dma semaphore(%run_scoped3A_291 : memref<!tpu.dma_semaphore, #tpu.memory_space<semaphore_mem>>) src(%dma_wait3A_305 : memref<128x128xbf16, #tpu.memory_space<vmem>>) dst(%dma_wait3A_311 : memref<10240x128xbf16, #tpu.memory_space<vmem_shared>>)
        tpu.yield
      }) : () -> ()
      %mul3A_191 = arith.constant 8 : i32
      %mul3A_192 = arith.muli %mul3A_191, %scan3A_96 : i32
      %add3A_193 = arith.constant 4 : i32
      %add3A_194 = arith.addi %mul3A_192, %add3A_193 : i32
      %add3A_195 = arith.constant 8 : i32
      %add3A_196 = arith.addi %add3A_194, %add3A_195 : i32
      %sub3A_197 = arith.constant 1 : i32
      %sub3A_198 = arith.subi %add3A_196, %sub3A_197 : i32
      %lt3A_199 = arith.constant 80 : i32
      %lt3A_200 = arith.cmpi slt, %sub3A_198, %lt3A_199 : i32
      %convert_element_type3A_201 = arith.extui %lt3A_200 : i1 to i32
      %cond3A_202 = arith.constant 0 : i32
      %cond3A_203 = arith.cmpi ne, %convert_element_type3A_201, %cond3A_202 : i32
      scf.if %cond3A_203 {
        %add3A_291 = arith.constant 8 : i32
        %add3A_292 = arith.addi %add3A_194, %add3A_291 : i32
        %sub3A_293 = arith.constant 1 : i32
        %sub3A_294 = arith.subi %add3A_292, %sub3A_293 : i32
        %dma_start3A_295 = arith.constant 3 : i32
        %dma_start3A_296 = arith.constant 0 : i32
        %dma_start3A_297 = arith.constant 0 : i32
        %dma_start3A_298 = tpu.memref_slice %arg9[%dma_start3A_295, %dma_start3A_296, %dma_start3A_297] : memref<8x128x128xbf16, #tpu.memory_space<vmem>> -> memref<1x128x128xbf16, #tpu.memory_space<vmem>>
        %dma_start3A_299 = tpu.memref_squeeze %dma_start3A_298 : memref<1x128x128xbf16, #tpu.memory_space<vmem>> -> memref<128x128xbf16, #tpu.memory_space<vmem>>
        %dma_start3A_300 = arith.constant 0 : i32
        %dma_start3A_301 = tpu.memref_slice %arg7[%sub3A_294, %dma_start3A_300] : memref<80x128xi32, #tpu.memory_space<vmem>> -> memref<1x128xi32, #tpu.memory_space<vmem>>
        %dma_start3A_302 = tpu.memref_squeeze %dma_start3A_301 : memref<1x128xi32, #tpu.memory_space<vmem>> -> memref<128xi32, #tpu.memory_space<vmem>>
        %dma_start3A_303 = arith.constant 0 : i32
        %dma_start3A_304 = arith.constant 0 : i32
        %dma_start3A_305 = tpu.memref_slice %arg2[%dma_start3A_303, %dma_start3A_304] : memref<10240x128xbf16, #tpu.memory_space<hbm>> -> memref<10240x128xbf16, #tpu.memory_space<hbm>>
        tpu.enqueue_indirect_dma source(%dma_start3A_305 : memref<10240x128xbf16, #tpu.memory_space<hbm>>) target(%dma_start3A_299 : memref<128x128xbf16, #tpu.memory_space<vmem>>) offsets(%dma_start3A_302 : memref<128xi32, #tpu.memory_space<vmem>>) semaphore(%arg14 : memref<!tpu.dma_semaphore, #tpu.memory_space<semaphore_mem>>)
      } else {
      }
      %dma_wait3A_204 = arith.constant 4 : i32
      %dma_wait3A_205 = arith.constant 0 : i32
      %dma_wait3A_206 = arith.constant 0 : i32
      %dma_wait3A_207 = tpu.memref_slice %arg9[%dma_wait3A_204, %dma_wait3A_205, %dma_wait3A_206] : memref<8x128x128xbf16, #tpu.memory_space<vmem>> -> memref<1x128x128xbf16, #tpu.memory_space<vmem>>
      %dma_wait3A_208 = tpu.memref_squeeze %dma_wait3A_207 : memref<1x128x128xbf16, #tpu.memory_space<vmem>> -> memref<128x128xbf16, #tpu.memory_space<vmem>>
      %dma_wait3A_209 = arith.constant 0 : i32
      %dma_wait3A_210 = tpu.memref_slice %arg7[%add3A_194, %dma_wait3A_209] : memref<80x128xi32, #tpu.memory_space<vmem>> -> memref<1x128xi32, #tpu.memory_space<vmem>>
      %dma_wait3A_211 = tpu.memref_squeeze %dma_wait3A_210 : memref<1x128xi32, #tpu.memory_space<vmem>> -> memref<128xi32, #tpu.memory_space<vmem>>
      %dma_wait3A_212 = arith.constant 0 : i32
      %dma_wait3A_213 = arith.constant 0 : i32
      %dma_wait3A_214 = tpu.memref_slice %arg2[%dma_wait3A_212, %dma_wait3A_213] : memref<10240x128xbf16, #tpu.memory_space<hbm>> -> memref<10240x128xbf16, #tpu.memory_space<hbm>>
      tpu.wait_indirect_dma semaphore(%arg15 : memref<!tpu.dma_semaphore, #tpu.memory_space<semaphore_mem>>) src(%dma_wait3A_214 : memref<10240x128xbf16, #tpu.memory_space<hbm>>) dst(%dma_wait3A_208 : memref<128x128xbf16, #tpu.memory_space<vmem>>)
      %run_scoped3A_215 = arith.constant 4 : i32
      "tpu.region"() ({
        %run_scoped3A_291 = tpu.sem_alloc : memref<!tpu.dma_semaphore, #tpu.memory_space<semaphore_mem>>
        %dma_start3A_292 = arith.constant 0 : i32
        %dma_start3A_293 = arith.constant 0 : i32
        %dma_start3A_294 = tpu.memref_slice %arg9[%run_scoped3A_215, %dma_start3A_292, %dma_start3A_293] : memref<8x128x128xbf16, #tpu.memory_space<vmem>> -> memref<1x128x128xbf16, #tpu.memory_space<vmem>>
        %dma_start3A_295 = tpu.memref_squeeze %dma_start3A_294 : memref<1x128x128xbf16, #tpu.memory_space<vmem>> -> memref<128x128xbf16, #tpu.memory_space<vmem>>
        %dma_start3A_296 = arith.constant 0 : i32
        %dma_start3A_297 = tpu.memref_slice %arg8[%add3A_194, %dma_start3A_296] : memref<80x128xi32, #tpu.memory_space<vmem>> -> memref<1x128xi32, #tpu.memory_space<vmem>>
        %dma_start3A_298 = tpu.memref_squeeze %dma_start3A_297 : memref<1x128xi32, #tpu.memory_space<vmem>> -> memref<128xi32, #tpu.memory_space<vmem>>
        %dma_start3A_299 = arith.constant 0 : i32
        %dma_start3A_300 = arith.constant 0 : i32
        %dma_start3A_301 = tpu.memref_slice %arg10[%dma_start3A_299, %dma_start3A_300] : memref<10240x128xbf16, #tpu.memory_space<vmem_shared>> -> memref<10240x128xbf16, #tpu.memory_space<vmem_shared>>
        tpu.enqueue_indirect_dma source(%dma_start3A_295 : memref<128x128xbf16, #tpu.memory_space<vmem>>) target(%dma_start3A_301 : memref<10240x128xbf16, #tpu.memory_space<vmem_shared>>) offsets(%dma_start3A_298 : memref<128xi32, #tpu.memory_space<vmem>>) semaphore(%run_scoped3A_291 : memref<!tpu.dma_semaphore, #tpu.memory_space<semaphore_mem>>) {add = true}
        %dma_wait3A_302 = arith.constant 0 : i32
        %dma_wait3A_303 = arith.constant 0 : i32
        %dma_wait3A_304 = tpu.memref_slice %arg9[%run_scoped3A_215, %dma_wait3A_302, %dma_wait3A_303] : memref<8x128x128xbf16, #tpu.memory_space<vmem>> -> memref<1x128x128xbf16, #tpu.memory_space<vmem>>
        %dma_wait3A_305 = tpu.memref_squeeze %dma_wait3A_304 : memref<1x128x128xbf16, #tpu.memory_space<vmem>> -> memref<128x128xbf16, #tpu.memory_space<vmem>>
        %dma_wait3A_306 = arith.constant 0 : i32
        %dma_wait3A_307 = tpu.memref_slice %arg8[%add3A_194, %dma_wait3A_306] : memref<80x128xi32, #tpu.memory_space<vmem>> -> memref<1x128xi32, #tpu.memory_space<vmem>>
        %dma_wait3A_308 = tpu.memref_squeeze %dma_wait3A_307 : memref<1x128xi32, #tpu.memory_space<vmem>> -> memref<128xi32, #tpu.memory_space<vmem>>
        %dma_wait3A_309 = arith.constant 0 : i32
        %dma_wait3A_310 = arith.constant 0 : i32
        %dma_wait3A_311 = tpu.memref_slice %arg10[%dma_wait3A_309, %dma_wait3A_310] : memref<10240x128xbf16, #tpu.memory_space<vmem_shared>> -> memref<10240x128xbf16, #tpu.memory_space<vmem_shared>>
        tpu.wait_indirect_dma semaphore(%run_scoped3A_291 : memref<!tpu.dma_semaphore, #tpu.memory_space<semaphore_mem>>) src(%dma_wait3A_305 : memref<128x128xbf16, #tpu.memory_space<vmem>>) dst(%dma_wait3A_311 : memref<10240x128xbf16, #tpu.memory_space<vmem_shared>>)
        tpu.yield
      }) : () -> ()
      %mul3A_216 = arith.constant 8 : i32
      %mul3A_217 = arith.muli %mul3A_216, %scan3A_96 : i32
      %add3A_218 = arith.constant 5 : i32
      %add3A_219 = arith.addi %mul3A_217, %add3A_218 : i32
      %add3A_220 = arith.constant 8 : i32
      %add3A_221 = arith.addi %add3A_219, %add3A_220 : i32
      %sub3A_222 = arith.constant 1 : i32
      %sub3A_223 = arith.subi %add3A_221, %sub3A_222 : i32
      %lt3A_224 = arith.constant 80 : i32
      %lt3A_225 = arith.cmpi slt, %sub3A_223, %lt3A_224 : i32
      %convert_element_type3A_226 = arith.extui %lt3A_225 : i1 to i32
      %cond3A_227 = arith.constant 0 : i32
      %cond3A_228 = arith.cmpi ne, %convert_element_type3A_226, %cond3A_227 : i32
      scf.if %cond3A_228 {
        %add3A_291 = arith.constant 8 : i32
        %add3A_292 = arith.addi %add3A_219, %add3A_291 : i32
        %sub3A_293 = arith.constant 1 : i32
        %sub3A_294 = arith.subi %add3A_292, %sub3A_293 : i32
        %dma_start3A_295 = arith.constant 4 : i32
        %dma_start3A_296 = arith.constant 0 : i32
        %dma_start3A_297 = arith.constant 0 : i32
        %dma_start3A_298 = tpu.memref_slice %arg9[%dma_start3A_295, %dma_start3A_296, %dma_start3A_297] : memref<8x128x128xbf16, #tpu.memory_space<vmem>> -> memref<1x128x128xbf16, #tpu.memory_space<vmem>>
        %dma_start3A_299 = tpu.memref_squeeze %dma_start3A_298 : memref<1x128x128xbf16, #tpu.memory_space<vmem>> -> memref<128x128xbf16, #tpu.memory_space<vmem>>
        %dma_start3A_300 = arith.constant 0 : i32
        %dma_start3A_301 = tpu.memref_slice %arg7[%sub3A_294, %dma_start3A_300] : memref<80x128xi32, #tpu.memory_space<vmem>> -> memref<1x128xi32, #tpu.memory_space<vmem>>
        %dma_start3A_302 = tpu.memref_squeeze %dma_start3A_301 : memref<1x128xi32, #tpu.memory_space<vmem>> -> memref<128xi32, #tpu.memory_space<vmem>>
        %dma_start3A_303 = arith.constant 0 : i32
        %dma_start3A_304 = arith.constant 0 : i32
        %dma_start3A_305 = tpu.memref_slice %arg2[%dma_start3A_303, %dma_start3A_304] : memref<10240x128xbf16, #tpu.memory_space<hbm>> -> memref<10240x128xbf16, #tpu.memory_space<hbm>>
        tpu.enqueue_indirect_dma source(%dma_start3A_305 : memref<10240x128xbf16, #tpu.memory_space<hbm>>) target(%dma_start3A_299 : memref<128x128xbf16, #tpu.memory_space<vmem>>) offsets(%dma_start3A_302 : memref<128xi32, #tpu.memory_space<vmem>>) semaphore(%arg15 : memref<!tpu.dma_semaphore, #tpu.memory_space<semaphore_mem>>)
      } else {
      }
      %dma_wait3A_229 = arith.constant 5 : i32
      %dma_wait3A_230 = arith.constant 0 : i32
      %dma_wait3A_231 = arith.constant 0 : i32
      %dma_wait3A_232 = tpu.memref_slice %arg9[%dma_wait3A_229, %dma_wait3A_230, %dma_wait3A_231] : memref<8x128x128xbf16, #tpu.memory_space<vmem>> -> memref<1x128x128xbf16, #tpu.memory_space<vmem>>
      %dma_wait3A_233 = tpu.memref_squeeze %dma_wait3A_232 : memref<1x128x128xbf16, #tpu.memory_space<vmem>> -> memref<128x128xbf16, #tpu.memory_space<vmem>>
      %dma_wait3A_234 = arith.constant 0 : i32
      %dma_wait3A_235 = tpu.memref_slice %arg7[%add3A_219, %dma_wait3A_234] : memref<80x128xi32, #tpu.memory_space<vmem>> -> memref<1x128xi32, #tpu.memory_space<vmem>>
      %dma_wait3A_236 = tpu.memref_squeeze %dma_wait3A_235 : memref<1x128xi32, #tpu.memory_space<vmem>> -> memref<128xi32, #tpu.memory_space<vmem>>
      %dma_wait3A_237 = arith.constant 0 : i32
      %dma_wait3A_238 = arith.constant 0 : i32
      %dma_wait3A_239 = tpu.memref_slice %arg2[%dma_wait3A_237, %dma_wait3A_238] : memref<10240x128xbf16, #tpu.memory_space<hbm>> -> memref<10240x128xbf16, #tpu.memory_space<hbm>>
      tpu.wait_indirect_dma semaphore(%arg16 : memref<!tpu.dma_semaphore, #tpu.memory_space<semaphore_mem>>) src(%dma_wait3A_239 : memref<10240x128xbf16, #tpu.memory_space<hbm>>) dst(%dma_wait3A_233 : memref<128x128xbf16, #tpu.memory_space<vmem>>)
      %run_scoped3A_240 = arith.constant 5 : i32
      "tpu.region"() ({
        %run_scoped3A_291 = tpu.sem_alloc : memref<!tpu.dma_semaphore, #tpu.memory_space<semaphore_mem>>
        %dma_start3A_292 = arith.constant 0 : i32
        %dma_start3A_293 = arith.constant 0 : i32
        %dma_start3A_294 = tpu.memref_slice %arg9[%run_scoped3A_240, %dma_start3A_292, %dma_start3A_293] : memref<8x128x128xbf16, #tpu.memory_space<vmem>> -> memref<1x128x128xbf16, #tpu.memory_space<vmem>>
        %dma_start3A_295 = tpu.memref_squeeze %dma_start3A_294 : memref<1x128x128xbf16, #tpu.memory_space<vmem>> -> memref<128x128xbf16, #tpu.memory_space<vmem>>
        %dma_start3A_296 = arith.constant 0 : i32
        %dma_start3A_297 = tpu.memref_slice %arg8[%add3A_219, %dma_start3A_296] : memref<80x128xi32, #tpu.memory_space<vmem>> -> memref<1x128xi32, #tpu.memory_space<vmem>>
        %dma_start3A_298 = tpu.memref_squeeze %dma_start3A_297 : memref<1x128xi32, #tpu.memory_space<vmem>> -> memref<128xi32, #tpu.memory_space<vmem>>
        %dma_start3A_299 = arith.constant 0 : i32
        %dma_start3A_300 = arith.constant 0 : i32
        %dma_start3A_301 = tpu.memref_slice %arg10[%dma_start3A_299, %dma_start3A_300] : memref<10240x128xbf16, #tpu.memory_space<vmem_shared>> -> memref<10240x128xbf16, #tpu.memory_space<vmem_shared>>
        tpu.enqueue_indirect_dma source(%dma_start3A_295 : memref<128x128xbf16, #tpu.memory_space<vmem>>) target(%dma_start3A_301 : memref<10240x128xbf16, #tpu.memory_space<vmem_shared>>) offsets(%dma_start3A_298 : memref<128xi32, #tpu.memory_space<vmem>>) semaphore(%run_scoped3A_291 : memref<!tpu.dma_semaphore, #tpu.memory_space<semaphore_mem>>) {add = true}
        %dma_wait3A_302 = arith.constant 0 : i32
        %dma_wait3A_303 = arith.constant 0 : i32
        %dma_wait3A_304 = tpu.memref_slice %arg9[%run_scoped3A_240, %dma_wait3A_302, %dma_wait3A_303] : memref<8x128x128xbf16, #tpu.memory_space<vmem>> -> memref<1x128x128xbf16, #tpu.memory_space<vmem>>
        %dma_wait3A_305 = tpu.memref_squeeze %dma_wait3A_304 : memref<1x128x128xbf16, #tpu.memory_space<vmem>> -> memref<128x128xbf16, #tpu.memory_space<vmem>>
        %dma_wait3A_306 = arith.constant 0 : i32
        %dma_wait3A_307 = tpu.memref_slice %arg8[%add3A_219, %dma_wait3A_306] : memref<80x128xi32, #tpu.memory_space<vmem>> -> memref<1x128xi32, #tpu.memory_space<vmem>>
        %dma_wait3A_308 = tpu.memref_squeeze %dma_wait3A_307 : memref<1x128xi32, #tpu.memory_space<vmem>> -> memref<128xi32, #tpu.memory_space<vmem>>
        %dma_wait3A_309 = arith.constant 0 : i32
        %dma_wait3A_310 = arith.constant 0 : i32
        %dma_wait3A_311 = tpu.memref_slice %arg10[%dma_wait3A_309, %dma_wait3A_310] : memref<10240x128xbf16, #tpu.memory_space<vmem_shared>> -> memref<10240x128xbf16, #tpu.memory_space<vmem_shared>>
        tpu.wait_indirect_dma semaphore(%run_scoped3A_291 : memref<!tpu.dma_semaphore, #tpu.memory_space<semaphore_mem>>) src(%dma_wait3A_305 : memref<128x128xbf16, #tpu.memory_space<vmem>>) dst(%dma_wait3A_311 : memref<10240x128xbf16, #tpu.memory_space<vmem_shared>>)
        tpu.yield
      }) : () -> ()
      %mul3A_241 = arith.constant 8 : i32
      %mul3A_242 = arith.muli %mul3A_241, %scan3A_96 : i32
      %add3A_243 = arith.constant 6 : i32
      %add3A_244 = arith.addi %mul3A_242, %add3A_243 : i32
      %add3A_245 = arith.constant 8 : i32
      %add3A_246 = arith.addi %add3A_244, %add3A_245 : i32
      %sub3A_247 = arith.constant 1 : i32
      %sub3A_248 = arith.subi %add3A_246, %sub3A_247 : i32
      %lt3A_249 = arith.constant 80 : i32
      %lt3A_250 = arith.cmpi slt, %sub3A_248, %lt3A_249 : i32
      %convert_element_type3A_251 = arith.extui %lt3A_250 : i1 to i32
      %cond3A_252 = arith.constant 0 : i32
      %cond3A_253 = arith.cmpi ne, %convert_element_type3A_251, %cond3A_252 : i32
      scf.if %cond3A_253 {
        %add3A_291 = arith.constant 8 : i32
        %add3A_292 = arith.addi %add3A_244, %add3A_291 : i32
        %sub3A_293 = arith.constant 1 : i32
        %sub3A_294 = arith.subi %add3A_292, %sub3A_293 : i32
        %dma_start3A_295 = arith.constant 5 : i32
        %dma_start3A_296 = arith.constant 0 : i32
        %dma_start3A_297 = arith.constant 0 : i32
        %dma_start3A_298 = tpu.memref_slice %arg9[%dma_start3A_295, %dma_start3A_296, %dma_start3A_297] : memref<8x128x128xbf16, #tpu.memory_space<vmem>> -> memref<1x128x128xbf16, #tpu.memory_space<vmem>>
        %dma_start3A_299 = tpu.memref_squeeze %dma_start3A_298 : memref<1x128x128xbf16, #tpu.memory_space<vmem>> -> memref<128x128xbf16, #tpu.memory_space<vmem>>
        %dma_start3A_300 = arith.constant 0 : i32
        %dma_start3A_301 = tpu.memref_slice %arg7[%sub3A_294, %dma_start3A_300] : memref<80x128xi32, #tpu.memory_space<vmem>> -> memref<1x128xi32, #tpu.memory_space<vmem>>
        %dma_start3A_302 = tpu.memref_squeeze %dma_start3A_301 : memref<1x128xi32, #tpu.memory_space<vmem>> -> memref<128xi32, #tpu.memory_space<vmem>>
        %dma_start3A_303 = arith.constant 0 : i32
        %dma_start3A_304 = arith.constant 0 : i32
        %dma_start3A_305 = tpu.memref_slice %arg2[%dma_start3A_303, %dma_start3A_304] : memref<10240x128xbf16, #tpu.memory_space<hbm>> -> memref<10240x128xbf16, #tpu.memory_space<hbm>>
        tpu.enqueue_indirect_dma source(%dma_start3A_305 : memref<10240x128xbf16, #tpu.memory_space<hbm>>) target(%dma_start3A_299 : memref<128x128xbf16, #tpu.memory_space<vmem>>) offsets(%dma_start3A_302 : memref<128xi32, #tpu.memory_space<vmem>>) semaphore(%arg16 : memref<!tpu.dma_semaphore, #tpu.memory_space<semaphore_mem>>)
      } else {
      }
      %dma_wait3A_254 = arith.constant 6 : i32
      %dma_wait3A_255 = arith.constant 0 : i32
      %dma_wait3A_256 = arith.constant 0 : i32
      %dma_wait3A_257 = tpu.memref_slice %arg9[%dma_wait3A_254, %dma_wait3A_255, %dma_wait3A_256] : memref<8x128x128xbf16, #tpu.memory_space<vmem>> -> memref<1x128x128xbf16, #tpu.memory_space<vmem>>
      %dma_wait3A_258 = tpu.memref_squeeze %dma_wait3A_257 : memref<1x128x128xbf16, #tpu.memory_space<vmem>> -> memref<128x128xbf16, #tpu.memory_space<vmem>>
      %dma_wait3A_259 = arith.constant 0 : i32
      %dma_wait3A_260 = tpu.memref_slice %arg7[%add3A_244, %dma_wait3A_259] : memref<80x128xi32, #tpu.memory_space<vmem>> -> memref<1x128xi32, #tpu.memory_space<vmem>>
      %dma_wait3A_261 = tpu.memref_squeeze %dma_wait3A_260 : memref<1x128xi32, #tpu.memory_space<vmem>> -> memref<128xi32, #tpu.memory_space<vmem>>
      %dma_wait3A_262 = arith.constant 0 : i32
      %dma_wait3A_263 = arith.constant 0 : i32
      %dma_wait3A_264 = tpu.memref_slice %arg2[%dma_wait3A_262, %dma_wait3A_263] : memref<10240x128xbf16, #tpu.memory_space<hbm>> -> memref<10240x128xbf16, #tpu.memory_space<hbm>>
      tpu.wait_indirect_dma semaphore(%arg17 : memref<!tpu.dma_semaphore, #tpu.memory_space<semaphore_mem>>) src(%dma_wait3A_264 : memref<10240x128xbf16, #tpu.memory_space<hbm>>) dst(%dma_wait3A_258 : memref<128x128xbf16, #tpu.memory_space<vmem>>)
      %run_scoped3A_265 = arith.constant 6 : i32
      "tpu.region"() ({
        %run_scoped3A_291 = tpu.sem_alloc : memref<!tpu.dma_semaphore, #tpu.memory_space<semaphore_mem>>
        %dma_start3A_292 = arith.constant 0 : i32
        %dma_start3A_293 = arith.constant 0 : i32
        %dma_start3A_294 = tpu.memref_slice %arg9[%run_scoped3A_265, %dma_start3A_292, %dma_start3A_293] : memref<8x128x128xbf16, #tpu.memory_space<vmem>> -> memref<1x128x128xbf16, #tpu.memory_space<vmem>>
        %dma_start3A_295 = tpu.memref_squeeze %dma_start3A_294 : memref<1x128x128xbf16, #tpu.memory_space<vmem>> -> memref<128x128xbf16, #tpu.memory_space<vmem>>
        %dma_start3A_296 = arith.constant 0 : i32
        %dma_start3A_297 = tpu.memref_slice %arg8[%add3A_244, %dma_start3A_296] : memref<80x128xi32, #tpu.memory_space<vmem>> -> memref<1x128xi32, #tpu.memory_space<vmem>>
        %dma_start3A_298 = tpu.memref_squeeze %dma_start3A_297 : memref<1x128xi32, #tpu.memory_space<vmem>> -> memref<128xi32, #tpu.memory_space<vmem>>
        %dma_start3A_299 = arith.constant 0 : i32
        %dma_start3A_300 = arith.constant 0 : i32
        %dma_start3A_301 = tpu.memref_slice %arg10[%dma_start3A_299, %dma_start3A_300] : memref<10240x128xbf16, #tpu.memory_space<vmem_shared>> -> memref<10240x128xbf16, #tpu.memory_space<vmem_shared>>
        tpu.enqueue_indirect_dma source(%dma_start3A_295 : memref<128x128xbf16, #tpu.memory_space<vmem>>) target(%dma_start3A_301 : memref<10240x128xbf16, #tpu.memory_space<vmem_shared>>) offsets(%dma_start3A_298 : memref<128xi32, #tpu.memory_space<vmem>>) semaphore(%run_scoped3A_291 : memref<!tpu.dma_semaphore, #tpu.memory_space<semaphore_mem>>) {add = true}
        %dma_wait3A_302 = arith.constant 0 : i32
        %dma_wait3A_303 = arith.constant 0 : i32
        %dma_wait3A_304 = tpu.memref_slice %arg9[%run_scoped3A_265, %dma_wait3A_302, %dma_wait3A_303] : memref<8x128x128xbf16, #tpu.memory_space<vmem>> -> memref<1x128x128xbf16, #tpu.memory_space<vmem>>
        %dma_wait3A_305 = tpu.memref_squeeze %dma_wait3A_304 : memref<1x128x128xbf16, #tpu.memory_space<vmem>> -> memref<128x128xbf16, #tpu.memory_space<vmem>>
        %dma_wait3A_306 = arith.constant 0 : i32
        %dma_wait3A_307 = tpu.memref_slice %arg8[%add3A_244, %dma_wait3A_306] : memref<80x128xi32, #tpu.memory_space<vmem>> -> memref<1x128xi32, #tpu.memory_space<vmem>>
        %dma_wait3A_308 = tpu.memref_squeeze %dma_wait3A_307 : memref<1x128xi32, #tpu.memory_space<vmem>> -> memref<128xi32, #tpu.memory_space<vmem>>
        %dma_wait3A_309 = arith.constant 0 : i32
        %dma_wait3A_310 = arith.constant 0 : i32
        %dma_wait3A_311 = tpu.memref_slice %arg10[%dma_wait3A_309, %dma_wait3A_310] : memref<10240x128xbf16, #tpu.memory_space<vmem_shared>> -> memref<10240x128xbf16, #tpu.memory_space<vmem_shared>>
        tpu.wait_indirect_dma semaphore(%run_scoped3A_291 : memref<!tpu.dma_semaphore, #tpu.memory_space<semaphore_mem>>) src(%dma_wait3A_305 : memref<128x128xbf16, #tpu.memory_space<vmem>>) dst(%dma_wait3A_311 : memref<10240x128xbf16, #tpu.memory_space<vmem_shared>>)
        tpu.yield
      }) : () -> ()
      %mul3A_266 = arith.constant 8 : i32
      %mul3A_267 = arith.muli %mul3A_266, %scan3A_96 : i32
      %add3A_268 = arith.constant 7 : i32
      %add3A_269 = arith.addi %mul3A_267, %add3A_268 : i32
      %add3A_270 = arith.constant 8 : i32
      %add3A_271 = arith.addi %add3A_269, %add3A_270 : i32
      %sub3A_272 = arith.constant 1 : i32
      %sub3A_273 = arith.subi %add3A_271, %sub3A_272 : i32
      %lt3A_274 = arith.constant 80 : i32
      %lt3A_275 = arith.cmpi slt, %sub3A_273, %lt3A_274 : i32
      %convert_element_type3A_276 = arith.extui %lt3A_275 : i1 to i32
      %cond3A_277 = arith.constant 0 : i32
      %cond3A_278 = arith.cmpi ne, %convert_element_type3A_276, %cond3A_277 : i32
      scf.if %cond3A_278 {
        %add3A_291 = arith.constant 8 : i32
        %add3A_292 = arith.addi %add3A_269, %add3A_291 : i32
        %sub3A_293 = arith.constant 1 : i32
        %sub3A_294 = arith.subi %add3A_292, %sub3A_293 : i32
        %dma_start3A_295 = arith.constant 6 : i32
        %dma_start3A_296 = arith.constant 0 : i32
        %dma_start3A_297 = arith.constant 0 : i32
        %dma_start3A_298 = tpu.memref_slice %arg9[%dma_start3A_295, %dma_start3A_296, %dma_start3A_297] : memref<8x128x128xbf16, #tpu.memory_space<vmem>> -> memref<1x128x128xbf16, #tpu.memory_space<vmem>>
        %dma_start3A_299 = tpu.memref_squeeze %dma_start3A_298 : memref<1x128x128xbf16, #tpu.memory_space<vmem>> -> memref<128x128xbf16, #tpu.memory_space<vmem>>
        %dma_start3A_300 = arith.constant 0 : i32
        %dma_start3A_301 = tpu.memref_slice %arg7[%sub3A_294, %dma_start3A_300] : memref<80x128xi32, #tpu.memory_space<vmem>> -> memref<1x128xi32, #tpu.memory_space<vmem>>
        %dma_start3A_302 = tpu.memref_squeeze %dma_start3A_301 : memref<1x128xi32, #tpu.memory_space<vmem>> -> memref<128xi32, #tpu.memory_space<vmem>>
        %dma_start3A_303 = arith.constant 0 : i32
        %dma_start3A_304 = arith.constant 0 : i32
        %dma_start3A_305 = tpu.memref_slice %arg2[%dma_start3A_303, %dma_start3A_304] : memref<10240x128xbf16, #tpu.memory_space<hbm>> -> memref<10240x128xbf16, #tpu.memory_space<hbm>>
        tpu.enqueue_indirect_dma source(%dma_start3A_305 : memref<10240x128xbf16, #tpu.memory_space<hbm>>) target(%dma_start3A_299 : memref<128x128xbf16, #tpu.memory_space<vmem>>) offsets(%dma_start3A_302 : memref<128xi32, #tpu.memory_space<vmem>>) semaphore(%arg17 : memref<!tpu.dma_semaphore, #tpu.memory_space<semaphore_mem>>)
      } else {
      }
      %dma_wait3A_279 = arith.constant 7 : i32
      %dma_wait3A_280 = arith.constant 0 : i32
      %dma_wait3A_281 = arith.constant 0 : i32
      %dma_wait3A_282 = tpu.memref_slice %arg9[%dma_wait3A_279, %dma_wait3A_280, %dma_wait3A_281] : memref<8x128x128xbf16, #tpu.memory_space<vmem>> -> memref<1x128x128xbf16, #tpu.memory_space<vmem>>
      %dma_wait3A_283 = tpu.memref_squeeze %dma_wait3A_282 : memref<1x128x128xbf16, #tpu.memory_space<vmem>> -> memref<128x128xbf16, #tpu.memory_space<vmem>>
      %dma_wait3A_284 = arith.constant 0 : i32
      %dma_wait3A_285 = tpu.memref_slice %arg7[%add3A_269, %dma_wait3A_284] : memref<80x128xi32, #tpu.memory_space<vmem>> -> memref<1x128xi32, #tpu.memory_space<vmem>>
      %dma_wait3A_286 = tpu.memref_squeeze %dma_wait3A_285 : memref<1x128xi32, #tpu.memory_space<vmem>> -> memref<128xi32, #tpu.memory_space<vmem>>
      %dma_wait3A_287 = arith.constant 0 : i32
      %dma_wait3A_288 = arith.constant 0 : i32
      %dma_wait3A_289 = tpu.memref_slice %arg2[%dma_wait3A_287, %dma_wait3A_288] : memref<10240x128xbf16, #tpu.memory_space<hbm>> -> memref<10240x128xbf16, #tpu.memory_space<hbm>>
      tpu.wait_indirect_dma semaphore(%arg18 : memref<!tpu.dma_semaphore, #tpu.memory_space<semaphore_mem>>) src(%dma_wait3A_289 : memref<10240x128xbf16, #tpu.memory_space<hbm>>) dst(%dma_wait3A_283 : memref<128x128xbf16, #tpu.memory_space<vmem>>)
      %run_scoped3A_290 = arith.constant 7 : i32
      "tpu.region"() ({
        %run_scoped3A_291 = tpu.sem_alloc : memref<!tpu.dma_semaphore, #tpu.memory_space<semaphore_mem>>
        %dma_start3A_292 = arith.constant 0 : i32
        %dma_start3A_293 = arith.constant 0 : i32
        %dma_start3A_294 = tpu.memref_slice %arg9[%run_scoped3A_290, %dma_start3A_292, %dma_start3A_293] : memref<8x128x128xbf16, #tpu.memory_space<vmem>> -> memref<1x128x128xbf16, #tpu.memory_space<vmem>>
        %dma_start3A_295 = tpu.memref_squeeze %dma_start3A_294 : memref<1x128x128xbf16, #tpu.memory_space<vmem>> -> memref<128x128xbf16, #tpu.memory_space<vmem>>
        %dma_start3A_296 = arith.constant 0 : i32
        %dma_start3A_297 = tpu.memref_slice %arg8[%add3A_269, %dma_start3A_296] : memref<80x128xi32, #tpu.memory_space<vmem>> -> memref<1x128xi32, #tpu.memory_space<vmem>>
        %dma_start3A_298 = tpu.memref_squeeze %dma_start3A_297 : memref<1x128xi32, #tpu.memory_space<vmem>> -> memref<128xi32, #tpu.memory_space<vmem>>
        %dma_start3A_299 = arith.constant 0 : i32
        %dma_start3A_300 = arith.constant 0 : i32
        %dma_start3A_301 = tpu.memref_slice %arg10[%dma_start3A_299, %dma_start3A_300] : memref<10240x128xbf16, #tpu.memory_space<vmem_shared>> -> memref<10240x128xbf16, #tpu.memory_space<vmem_shared>>
        tpu.enqueue_indirect_dma source(%dma_start3A_295 : memref<128x128xbf16, #tpu.memory_space<vmem>>) target(%dma_start3A_301 : memref<10240x128xbf16, #tpu.memory_space<vmem_shared>>) offsets(%dma_start3A_298 : memref<128xi32, #tpu.memory_space<vmem>>) semaphore(%run_scoped3A_291 : memref<!tpu.dma_semaphore, #tpu.memory_space<semaphore_mem>>) {add = true}
        %dma_wait3A_302 = arith.constant 0 : i32
        %dma_wait3A_303 = arith.constant 0 : i32
        %dma_wait3A_304 = tpu.memref_slice %arg9[%run_scoped3A_290, %dma_wait3A_302, %dma_wait3A_303] : memref<8x128x128xbf16, #tpu.memory_space<vmem>> -> memref<1x128x128xbf16, #tpu.memory_space<vmem>>
        %dma_wait3A_305 = tpu.memref_squeeze %dma_wait3A_304 : memref<1x128x128xbf16, #tpu.memory_space<vmem>> -> memref<128x128xbf16, #tpu.memory_space<vmem>>
        %dma_wait3A_306 = arith.constant 0 : i32
        %dma_wait3A_307 = tpu.memref_slice %arg8[%add3A_269, %dma_wait3A_306] : memref<80x128xi32, #tpu.memory_space<vmem>> -> memref<1x128xi32, #tpu.memory_space<vmem>>
        %dma_wait3A_308 = tpu.memref_squeeze %dma_wait3A_307 : memref<1x128xi32, #tpu.memory_space<vmem>> -> memref<128xi32, #tpu.memory_space<vmem>>
        %dma_wait3A_309 = arith.constant 0 : i32
        %dma_wait3A_310 = arith.constant 0 : i32
        %dma_wait3A_311 = tpu.memref_slice %arg10[%dma_wait3A_309, %dma_wait3A_310] : memref<10240x128xbf16, #tpu.memory_space<vmem_shared>> -> memref<10240x128xbf16, #tpu.memory_space<vmem_shared>>
        tpu.wait_indirect_dma semaphore(%run_scoped3A_291 : memref<!tpu.dma_semaphore, #tpu.memory_space<semaphore_mem>>) src(%dma_wait3A_305 : memref<128x128xbf16, #tpu.memory_space<vmem>>) dst(%dma_wait3A_311 : memref<10240x128xbf16, #tpu.memory_space<vmem_shared>>)
        tpu.yield
      }) : () -> ()
    }
    %scan3A_94 = arith.constant 10 : i32
    %barrier3A_95 = arith.constant 0 : index
    tpu.barrier barrier_id(%barrier3A_95)
    "tpu.region"() ({
      %run_scoped3A = tpu.sem_alloc : memref<!tpu.dma_semaphore, #tpu.memory_space<semaphore_mem>>
      %dma_start3A_96 = arith.constant 0 : i32
      %dma_start3A_97 = tpu.memref_slice %arg6[%arg0, %mul3A_0, %dma_start3A_96] : memref<2x10240x128xbf16, #tpu.memory_space<hbm>> -> memref<1x640x128xbf16, #tpu.memory_space<hbm>>
      %dma_start3A_98 = tpu.memref_squeeze %dma_start3A_97 : memref<1x640x128xbf16, #tpu.memory_space<hbm>> -> memref<640x128xbf16, #tpu.memory_space<hbm>>
      %dma_start3A_99 = arith.constant 0 : i32
      %dma_start3A_100 = tpu.memref_slice %arg10[%mul3A_0, %dma_start3A_99] : memref<10240x128xbf16, #tpu.memory_space<vmem_shared>> -> memref<640x128xbf16, #tpu.memory_space<vmem_shared>>
      tpu.enqueue_dma source(%dma_start3A_100 : memref<640x128xbf16, #tpu.memory_space<vmem_shared>>) target(%dma_start3A_98 : memref<640x128xbf16, #tpu.memory_space<hbm>>) target_semaphore(%run_scoped3A : memref<!tpu.dma_semaphore, #tpu.memory_space<semaphore_mem>>)
      %dma_wait3A = arith.constant 0 : i32
      %dma_wait3A_101 = tpu.memref_slice %arg6[%arg0, %mul3A_0, %dma_wait3A] : memref<2x10240x128xbf16, #tpu.memory_space<hbm>> -> memref<1x640x128xbf16, #tpu.memory_space<hbm>>
      %dma_wait3A_102 = tpu.memref_squeeze %dma_wait3A_101 : memref<1x640x128xbf16, #tpu.memory_space<hbm>> -> memref<640x128xbf16, #tpu.memory_space<hbm>>
      %dma_wait3A_103 = arith.constant 0 : i32
      %dma_wait3A_104 = tpu.memref_slice %arg10[%mul3A_0, %dma_wait3A_103] : memref<10240x128xbf16, #tpu.memory_space<vmem_shared>> -> memref<640x128xbf16, #tpu.memory_space<vmem_shared>>
      tpu.wait_dma2 semaphore(%run_scoped3A : memref<!tpu.dma_semaphore, #tpu.memory_space<semaphore_mem>>) src(%dma_wait3A_104 : memref<640x128xbf16, #tpu.memory_space<vmem_shared>>) dst(%dma_wait3A_102 : memref<640x128xbf16, #tpu.memory_space<hbm>>)
      tpu.yield
    }) : () -> ()
    return
  }
}

module attributes {stable_mosaic.version = 14 : i64} {
  func.func @_tc1_body(%arg0: i32, %arg1: memref<2x400x16xf32, #tpu.memory_space<vmem>>, %arg2: memref<400x128xf32, #tpu.memory_space<vmem>>, %arg3: memref<128x128xf32, #tpu.memory_space<vmem>>, %arg4: memref<400x128xbf16, #tpu.memory_space<vmem>>, %arg5: memref<400x1xf32, #tpu.memory_space<vmem>>, %arg6: memref<400x1xf32, #tpu.memory_space<vmem>>) attributes {dimension_semantics = [#tpu.dimension_semantics<arbitrary>], iteration_bounds = array<i64: 25>, scalar_prefetch = 0 : i64, scratch_operands = 0 : i64, tpu.core_type = #tpu.core_type<tc>, window_params = [{transform_indices = @transform_0, window_bounds = array<i64: 2, 400, 16>}, {transform_indices = @transform_1, window_bounds = array<i64: 400, 128>}, {pipeline_mode = #tpu.pipeline_mode<synchronous>, transform_indices = @transform_2, window_bounds = array<i64: 128, 128>}, {transform_indices = @transform_3, window_bounds = array<i64: 400, 128>}, {transform_indices = @transform_4, window_bounds = array<i64: 400, 1>}, {transform_indices = @transform_5, window_bounds = array<i64: 400, 1>}]} {
    %get3A = arith.constant 0 : index
    %get3A_0 = arith.constant 0 : index
    %get3A_1 = arith.constant 0 : index
    %get3A_2 = vector.load %arg1[%get3A, %get3A_0, %get3A_1] : memref<2x400x16xf32, #tpu.memory_space<vmem>>, vector<2x400x16xf32>
    %slice3A = vector.extract_strided_slice %get3A_2 {offsets = [0, 0, 0], sizes = [1, 400, 16], strides = [1, 1, 1]} : vector<2x400x16xf32> to vector<1x400x16xf32>
    %squeeze3A = vector.shape_cast %slice3A : vector<1x400x16xf32> to vector<400x16xf32>
    %reduce_sum3A = arith.constant dense<0.000000e+00> : vector<400xf32>
    %reduce_sum3A_3 = vector.multi_reduction <add>, %squeeze3A, %reduce_sum3A [1] : vector<400x16xf32> to vector<400xf32>
    %add3A = arith.constant 1.000000e+00 : f32
    %add3A_4 = vector.broadcast %add3A : f32 to vector<400xf32>
    %add3A_5 = arith.addf %add3A_4, %reduce_sum3A_3 : vector<400xf32>
    %slice3A_6 = vector.extract_strided_slice %get3A_2 {offsets = [1, 0, 0], sizes = [1, 400, 16], strides = [1, 1, 1]} : vector<2x400x16xf32> to vector<1x400x16xf32>
    %squeeze3A_7 = vector.shape_cast %slice3A_6 : vector<1x400x16xf32> to vector<400x16xf32>
    %reduce_sum3A_8 = arith.constant dense<0.000000e+00> : vector<400xf32>
    %reduce_sum3A_9 = vector.multi_reduction <add>, %squeeze3A_7, %reduce_sum3A_8 [1] : vector<400x16xf32> to vector<400xf32>
    %add3A_10 = arith.addf %add3A_5, %reduce_sum3A_9 : vector<400xf32>
    %rsqrt3A = math.rsqrt %add3A_10 : vector<400xf32>
    %broadcast_in_dim3A = vector.shape_cast %rsqrt3A : vector<400xf32> to vector<400x1xf32>
    %get3A_11 = arith.constant 0 : index
    %get3A_12 = arith.constant 0 : index
    %get3A_13 = vector.load %arg2[%get3A_11, %get3A_12] : memref<400x128xf32, #tpu.memory_space<vmem>>, vector<400x128xf32>
    %mul3A = vector.broadcast %broadcast_in_dim3A : vector<400x1xf32> to vector<400x128xf32>
    %mul3A_14 = arith.mulf %mul3A, %get3A_13 : vector<400x128xf32>
    %get3A_15 = arith.constant 0 : index
    %get3A_16 = arith.constant 0 : index
    %get3A_17 = vector.load %arg3[%get3A_15, %get3A_16] : memref<128x128xf32, #tpu.memory_space<vmem>>, vector<128x128xf32>
    %dot_general3A = arith.constant dense<0.000000e+00> : vector<400x128xf32>
    %dot_general3A_18 = tpu.matmul %mul3A_14, %get3A_17, %dot_general3A {dimension_numbers = #tpu.dot_dimension_numbers<[1], [0], [0], [1], [0, 0, 1, 1], [], []>, transpose_lhs_hint = false} : vector<400x128xf32>, vector<128x128xf32>, vector<400x128xf32> -> vector<400x128xf32>
    %convert_element_type3A = arith.truncf %dot_general3A_18 : vector<400x128xf32> to vector<400x128xbf16>
    %swap3A = arith.constant 0 : index
    %swap3A_19 = arith.constant 0 : index
    %swap3A_20 = vector.load %arg4[%swap3A, %swap3A_19] : memref<400x128xbf16, #tpu.memory_space<vmem>>, vector<400x128xbf16>
    tpu.vector_store %arg4[%swap3A, %swap3A_19], %convert_element_type3A {strides = array<i32>} : memref<400x128xbf16, #tpu.memory_space<vmem>>, vector<400x128xbf16>,
    %broadcast_in_dim3A_21 = vector.shape_cast %rsqrt3A : vector<400xf32> to vector<400x1xf32>
    %swap3A_22 = arith.constant 0 : index
    %swap3A_23 = arith.constant 0 : index
    %swap3A_24 = vector.load %arg5[%swap3A_22, %swap3A_23] : memref<400x1xf32, #tpu.memory_space<vmem>>, vector<400x1xf32>
    tpu.vector_store %arg5[%swap3A_22, %swap3A_23], %broadcast_in_dim3A_21 {strides = array<i32>} : memref<400x1xf32, #tpu.memory_space<vmem>>, vector<400x1xf32>,
    %div3A = arith.divf %rsqrt3A, %add3A_10 : vector<400xf32>
    %broadcast_in_dim3A_25 = vector.shape_cast %div3A : vector<400xf32> to vector<400x1xf32>
    %swap3A_26 = arith.constant 0 : index
    %swap3A_27 = arith.constant 0 : index
    %swap3A_28 = vector.load %arg6[%swap3A_26, %swap3A_27] : memref<400x1xf32, #tpu.memory_space<vmem>>, vector<400x1xf32>
    tpu.vector_store %arg6[%swap3A_26, %swap3A_27], %broadcast_in_dim3A_25 {strides = array<i32>} : memref<400x1xf32, #tpu.memory_space<vmem>>, vector<400x1xf32>,
    return
  }
  func.func @transform_0(%arg0: i32) -> (i32, i32, i32) {
    %c0_i32 = arith.constant 0 : i32
    %c0_i32_0 = arith.constant 0 : i32
    %c0_i32_1 = arith.constant 0 : i32
    return %c0_i32, %arg0, %c0_i32_0 : i32, i32, i32
  }
  func.func @transform_1(%arg0: i32) -> (i32, i32) {
    %c0_i32 = arith.constant 0 : i32
    %c0_i32_0 = arith.constant 0 : i32
    return %arg0, %c0_i32 : i32, i32
  }
  func.func @transform_2(%arg0: i32) -> (i32, i32) {
    %c0_i32 = arith.constant 0 : i32
    %c0_i32_0 = arith.constant 0 : i32
    %c0_i32_1 = arith.constant 0 : i32
    return %c0_i32, %c0_i32_0 : i32, i32
  }
  func.func @transform_3(%arg0: i32) -> (i32, i32) {
    %c0_i32 = arith.constant 0 : i32
    %c0_i32_0 = arith.constant 0 : i32
    return %arg0, %c0_i32 : i32, i32
  }
  func.func @transform_4(%arg0: i32) -> (i32, i32) {
    %c0_i32 = arith.constant 0 : i32
    %c0_i32_0 = arith.constant 0 : i32
    return %arg0, %c0_i32 : i32, i32
  }
  func.func @transform_5(%arg0: i32) -> (i32, i32) {
    %c0_i32 = arith.constant 0 : i32
    %c0_i32_0 = arith.constant 0 : i32
    return %arg0, %c0_i32 : i32, i32
  }
}

module attributes {stable_mosaic.version = 14 : i64} {
  func.func @_tc2_body(%arg0: i32, %arg1: memref<400x1xf32, #tpu.memory_space<vmem>>, %arg2: memref<400x1xf32, #tpu.memory_space<vmem>>, %arg3: memref<2x400x128xbf16, #tpu.memory_space<vmem>>, %arg4: memref<400x128xbf16, #tpu.memory_space<vmem>>, %arg5: memref<128x64xf32, #tpu.memory_space<vmem>>, %arg6: memref<1x128xf32, #tpu.memory_space<vmem>>, %arg7: memref<400x64xbf16, #tpu.memory_space<vmem>>) attributes {dimension_semantics = [#tpu.dimension_semantics<arbitrary>], iteration_bounds = array<i64: 25>, scalar_prefetch = 0 : i64, scratch_operands = 0 : i64, tpu.core_type = #tpu.core_type<tc>, window_params = [{transform_indices = @transform_0, window_bounds = array<i64: 400, 1>}, {transform_indices = @transform_1, window_bounds = array<i64: 400, 1>}, {transform_indices = @transform_2, window_bounds = array<i64: 2, 400, 128>}, {transform_indices = @transform_3, window_bounds = array<i64: 400, 128>}, {pipeline_mode = #tpu.pipeline_mode<synchronous>, transform_indices = @transform_4, window_bounds = array<i64: 128, 64>}, {pipeline_mode = #tpu.pipeline_mode<synchronous>, transform_indices = @transform_5, window_bounds = array<i64: 1, 128>}, {transform_indices = @transform_6, window_bounds = array<i64: 400, 64>}]} {
    %get3A = arith.constant 0 : index
    %get3A_0 = arith.constant 0 : index
    %get3A_1 = arith.constant 0 : index
    %get3A_2 = vector.load %arg3[%get3A, %get3A_0, %get3A_1] : memref<2x400x128xbf16, #tpu.memory_space<vmem>>, vector<2x400x128xbf16>
    %convert_element_type3A = arith.extf %get3A_2 : vector<2x400x128xbf16> to vector<2x400x128xf32>
    %slice3A = vector.extract_strided_slice %convert_element_type3A {offsets = [0, 0, 0], sizes = [1, 400, 128], strides = [1, 1, 1]} : vector<2x400x128xf32> to vector<1x400x128xf32>
    %squeeze3A = vector.shape_cast %slice3A : vector<1x400x128xf32> to vector<400x128xf32>
    %slice3A_3 = vector.extract_strided_slice %convert_element_type3A {offsets = [1, 0, 0], sizes = [1, 400, 128], strides = [1, 1, 1]} : vector<2x400x128xf32> to vector<1x400x128xf32>
    %squeeze3A_4 = vector.shape_cast %slice3A_3 : vector<1x400x128xf32> to vector<400x128xf32>
    %add3A = arith.addf %squeeze3A, %squeeze3A_4 : vector<400x128xf32>
    %get3A_5 = arith.constant 0 : index
    %get3A_6 = arith.constant 0 : index
    %get3A_7 = vector.load %arg4[%get3A_5, %get3A_6] : memref<400x128xbf16, #tpu.memory_space<vmem>>, vector<400x128xbf16>
    %convert_element_type3A_8 = arith.extf %get3A_7 : vector<400x128xbf16> to vector<400x128xf32>
    %add3A_9 = arith.addf %add3A, %convert_element_type3A_8 : vector<400x128xf32>
    %get3A_10 = arith.constant 0 : index
    %get3A_11 = arith.constant 0 : index
    %get3A_12 = vector.load %arg2[%get3A_10, %get3A_11] : memref<400x1xf32, #tpu.memory_space<vmem>>, vector<400x1xf32>
    %mul3A = vector.broadcast %get3A_12 : vector<400x1xf32> to vector<400x128xf32>
    %mul3A_13 = arith.mulf %mul3A, %add3A_9 : vector<400x128xf32>
    %get3A_14 = arith.constant 0 : index
    %get3A_15 = arith.constant 0 : index
    %get3A_16 = vector.load %arg6[%get3A_14, %get3A_15] : memref<1x128xf32, #tpu.memory_space<vmem>>, vector<1x128xf32>
    %add3A_17 = vector.broadcast %get3A_16 : vector<1x128xf32> to vector<400x128xf32>
    %add3A_18 = arith.addf %mul3A_13, %add3A_17 : vector<400x128xf32>
    %max3A = arith.constant 0.000000e+00 : f32
    %max3A_19 = vector.broadcast %max3A : f32 to vector<400x128xf32>
    %max3A_20 = arith.maximumf %add3A_18, %max3A_19 : vector<400x128xf32>
    %get3A_21 = arith.constant 0 : index
    %get3A_22 = arith.constant 0 : index
    %get3A_23 = vector.load %arg1[%get3A_21, %get3A_22] : memref<400x1xf32, #tpu.memory_space<vmem>>, vector<400x1xf32>
    %get3A_24 = arith.constant 0 : index
    %get3A_25 = arith.constant 0 : index
    %get3A_26 = vector.load %arg5[%get3A_24, %get3A_25] : memref<128x64xf32, #tpu.memory_space<vmem>>, vector<128x64xf32>
    %dot_general3A = arith.constant dense<0.000000e+00> : vector<400x64xf32>
    %dot_general3A_27 = tpu.matmul %max3A_20, %get3A_26, %dot_general3A {dimension_numbers = #tpu.dot_dimension_numbers<[1], [0], [0], [1], [0, 0, 1, 1], [], []>, transpose_lhs_hint = false} : vector<400x128xf32>, vector<128x64xf32>, vector<400x64xf32> -> vector<400x64xf32>
    %mul3A_28 = vector.broadcast %get3A_23 : vector<400x1xf32> to vector<400x64xf32>
    %mul3A_29 = arith.mulf %mul3A_28, %dot_general3A_27 : vector<400x64xf32>
    %convert_element_type3A_30 = arith.truncf %mul3A_29 : vector<400x64xf32> to vector<400x64xbf16>
    %swap3A = arith.constant 0 : index
    %swap3A_31 = arith.constant 0 : index
    %swap3A_32 = vector.load %arg7[%swap3A, %swap3A_31] : memref<400x64xbf16, #tpu.memory_space<vmem>>, vector<400x64xbf16>
    tpu.vector_store %arg7[%swap3A, %swap3A_31], %convert_element_type3A_30 {strides = array<i32>} : memref<400x64xbf16, #tpu.memory_space<vmem>>, vector<400x64xbf16>,
    return
  }
  func.func @transform_0(%arg0: i32) -> (i32, i32) {
    %c0_i32 = arith.constant 0 : i32
    %c0_i32_0 = arith.constant 0 : i32
    return %arg0, %c0_i32 : i32, i32
  }
  func.func @transform_1(%arg0: i32) -> (i32, i32) {
    %c0_i32 = arith.constant 0 : i32
    %c0_i32_0 = arith.constant 0 : i32
    return %arg0, %c0_i32 : i32, i32
  }
  func.func @transform_2(%arg0: i32) -> (i32, i32, i32) {
    %c0_i32 = arith.constant 0 : i32
    %c0_i32_0 = arith.constant 0 : i32
    %c0_i32_1 = arith.constant 0 : i32
    return %c0_i32, %arg0, %c0_i32_0 : i32, i32, i32
  }
  func.func @transform_3(%arg0: i32) -> (i32, i32) {
    %c0_i32 = arith.constant 0 : i32
    %c0_i32_0 = arith.constant 0 : i32
    return %arg0, %c0_i32 : i32, i32
  }
  func.func @transform_4(%arg0: i32) -> (i32, i32) {
    %c0_i32 = arith.constant 0 : i32
    %c0_i32_0 = arith.constant 0 : i32
    %c0_i32_1 = arith.constant 0 : i32
    return %c0_i32, %c0_i32_0 : i32, i32
  }
  func.func @transform_5(%arg0: i32) -> (i32, i32) {
    %c0_i32 = arith.constant 0 : i32
    %c0_i32_0 = arith.constant 0 : i32
    %c0_i32_1 = arith.constant 0 : i32
    return %c0_i32, %c0_i32_0 : i32, i32
  }
  func.func @transform_6(%arg0: i32) -> (i32, i32) {
    %c0_i32 = arith.constant 0 : i32
    %c0_i32_0 = arith.constant 0 : i32
    return %arg0, %c0_i32 : i32, i32
  }
}

module attributes {stable_mosaic.version = 14 : i64} {
  func.func @_tc3_body(%arg0: i32, %arg1: memref<400x1xf32, #tpu.memory_space<vmem>>, %arg2: memref<2x400x64xbf16, #tpu.memory_space<vmem>>, %arg3: memref<400x64xbf16, #tpu.memory_space<vmem>>, %arg4: memref<1x64xf32, #tpu.memory_space<vmem>>, %arg5: memref<400x64xf32, #tpu.memory_space<vmem>>) attributes {dimension_semantics = [#tpu.dimension_semantics<arbitrary>], iteration_bounds = array<i64: 25>, scalar_prefetch = 0 : i64, scratch_operands = 0 : i64, tpu.core_type = #tpu.core_type<tc>, window_params = [{transform_indices = @transform_0, window_bounds = array<i64: 400, 1>}, {transform_indices = @transform_1, window_bounds = array<i64: 2, 400, 64>}, {transform_indices = @transform_2, window_bounds = array<i64: 400, 64>}, {pipeline_mode = #tpu.pipeline_mode<synchronous>, transform_indices = @transform_3, window_bounds = array<i64: 1, 64>}, {transform_indices = @transform_4, window_bounds = array<i64: 400, 64>}]} {
    %get3A = arith.constant 0 : index
    %get3A_0 = arith.constant 0 : index
    %get3A_1 = arith.constant 0 : index
    %get3A_2 = vector.load %arg2[%get3A, %get3A_0, %get3A_1] : memref<2x400x64xbf16, #tpu.memory_space<vmem>>, vector<2x400x64xbf16>
    %convert_element_type3A = arith.extf %get3A_2 : vector<2x400x64xbf16> to vector<2x400x64xf32>
    %get3A_3 = arith.constant 0 : index
    %get3A_4 = arith.constant 0 : index
    %get3A_5 = vector.load %arg1[%get3A_3, %get3A_4] : memref<400x1xf32, #tpu.memory_space<vmem>>, vector<400x1xf32>
    %slice3A = vector.extract_strided_slice %convert_element_type3A {offsets = [0, 0, 0], sizes = [1, 400, 64], strides = [1, 1, 1]} : vector<2x400x64xf32> to vector<1x400x64xf32>
    %squeeze3A = vector.shape_cast %slice3A : vector<1x400x64xf32> to vector<400x64xf32>
    %slice3A_6 = vector.extract_strided_slice %convert_element_type3A {offsets = [1, 0, 0], sizes = [1, 400, 64], strides = [1, 1, 1]} : vector<2x400x64xf32> to vector<1x400x64xf32>
    %squeeze3A_7 = vector.shape_cast %slice3A_6 : vector<1x400x64xf32> to vector<400x64xf32>
    %add3A = arith.addf %squeeze3A, %squeeze3A_7 : vector<400x64xf32>
    %get3A_8 = arith.constant 0 : index
    %get3A_9 = arith.constant 0 : index
    %get3A_10 = vector.load %arg3[%get3A_8, %get3A_9] : memref<400x64xbf16, #tpu.memory_space<vmem>>, vector<400x64xbf16>
    %convert_element_type3A_11 = arith.extf %get3A_10 : vector<400x64xbf16> to vector<400x64xf32>
    %add3A_12 = arith.addf %add3A, %convert_element_type3A_11 : vector<400x64xf32>
    %mul3A = vector.broadcast %get3A_5 : vector<400x1xf32> to vector<400x64xf32>
    %mul3A_13 = arith.mulf %mul3A, %add3A_12 : vector<400x64xf32>
    %get3A_14 = arith.constant 0 : index
    %get3A_15 = arith.constant 0 : index
    %get3A_16 = vector.load %arg4[%get3A_14, %get3A_15] : memref<1x64xf32, #tpu.memory_space<vmem>>, vector<1x64xf32>
    %add3A_17 = vector.broadcast %get3A_16 : vector<1x64xf32> to vector<400x64xf32>
    %add3A_18 = arith.addf %mul3A_13, %add3A_17 : vector<400x64xf32>
    %reduce_max3A = arith.constant dense<0xFF800000> : vector<400xf32>
    %reduce_max3A_19 = vector.multi_reduction <maximumf>, %add3A_18, %reduce_max3A [1] : vector<400x64xf32> to vector<400xf32>
    %broadcast_in_dim3A = vector.shape_cast %reduce_max3A_19 : vector<400xf32> to vector<400x1xf32>
    %sub3A = vector.broadcast %broadcast_in_dim3A : vector<400x1xf32> to vector<400x64xf32>
    %sub3A_20 = arith.subf %add3A_18, %sub3A : vector<400x64xf32>
    %exp3A = math.exp %sub3A_20 : vector<400x64xf32>
    %sub3A_21 = vector.broadcast %broadcast_in_dim3A : vector<400x1xf32> to vector<400x64xf32>
    %sub3A_22 = arith.subf %add3A_18, %sub3A_21 : vector<400x64xf32>
    %reduce_sum3A = arith.constant dense<0.000000e+00> : vector<400xf32>
    %reduce_sum3A_23 = vector.multi_reduction <add>, %exp3A, %reduce_sum3A [1] : vector<400x64xf32> to vector<400xf32>
    %broadcast_in_dim3A_24 = vector.shape_cast %reduce_sum3A_23 : vector<400xf32> to vector<400x1xf32>
    %log3A = math.log %broadcast_in_dim3A_24 : vector<400x1xf32>
    %sub3A_25 = vector.broadcast %log3A : vector<400x1xf32> to vector<400x64xf32>
    %sub3A_26 = arith.subf %sub3A_22, %sub3A_25 : vector<400x64xf32>
    %swap3A = arith.constant 0 : index
    %swap3A_27 = arith.constant 0 : index
    %swap3A_28 = vector.load %arg5[%swap3A, %swap3A_27] : memref<400x64xf32, #tpu.memory_space<vmem>>, vector<400x64xf32>
    tpu.vector_store %arg5[%swap3A, %swap3A_27], %sub3A_26 {strides = array<i32>} : memref<400x64xf32, #tpu.memory_space<vmem>>, vector<400x64xf32>,
    return
  }
  func.func @transform_0(%arg0: i32) -> (i32, i32) {
    %c0_i32 = arith.constant 0 : i32
    %c0_i32_0 = arith.constant 0 : i32
    return %arg0, %c0_i32 : i32, i32
  }
  func.func @transform_1(%arg0: i32) -> (i32, i32, i32) {
    %c0_i32 = arith.constant 0 : i32
    %c0_i32_0 = arith.constant 0 : i32
    %c0_i32_1 = arith.constant 0 : i32
    return %c0_i32, %arg0, %c0_i32_0 : i32, i32, i32
  }
  func.func @transform_2(%arg0: i32) -> (i32, i32) {
    %c0_i32 = arith.constant 0 : i32
    %c0_i32_0 = arith.constant 0 : i32
    return %arg0, %c0_i32 : i32, i32
  }
  func.func @transform_3(%arg0: i32) -> (i32, i32) {
    %c0_i32 = arith.constant 0 : i32
    %c0_i32_0 = arith.constant 0 : i32
    %c0_i32_1 = arith.constant 0 : i32
    return %c0_i32, %c0_i32_0 : i32, i32
  }
  func.func @transform_4(%arg0: i32) -> (i32, i32) {
    %c0_i32 = arith.constant 0 : i32
    %c0_i32_0 = arith.constant 0 : i32
    return %arg0, %c0_i32 : i32, i32
  }
}

</mosaic_0001>

<sc_bundles>
// kernel: kernel.11.cloned.1.call-start
scs
__scs_entry_jumppad:
0x0: {  	(pc) =	sbr.rel $0x88, $3  }
0x1: {  	(tag) =	ssettag $0x0;
	lr =	simm.s32 $0x1  }
0x2: {  	[smem:$0x3F9B] =	sst lr;
	_ =	strace $0xD0000000  }
0x3: {  	_ = 	snop  }
0x4: {  	_ = 	snop  }
0x5: {  	_ = 	snop  }
0x6: {  	_ = 	snop  }
0x7: {  	_ = 	snop  }
__scs_overlays_trampoline_lowered:
0x8: {  	[smem:$0x3FAA] =	sst s0  }
0x9: {  	[smem:$0x3FAB] =	sst s1  }
0xa: {  	[smem:$0x3FAC] =	sst s2  }
0xb: {  	[smem:$0x3FAD] =	sst s3  }
0xc: {  	[smem:$0x3FAE] =	sst s4  }
0xd: {  	[smem:$0x3FAF] =	sst s5  }
0xe: {  	[smem:$0x3FB0] =	sst s6  }
0xf: {  	[smem:$0x3FB1] =	sst s7  }
0x10: {  	[smem:$0x3FB2] =	sst s8  }
0x11: {  	[smem:$0x3FB3] =	sst s9;
	s0 =	simm.s32 @!p0 $0x0  }
0x12: {  	s1 =	sld [smem:$0x3F99];
	s0 =	simm.s32 @p0 $0x1  }
0x13: {  	[smem:$0x3FB4] =	sst s0;
	s0 =	simm.s32 @!p1 $0x0  }
0x14: {  	s2 =	sld [smem:$0x3F98];
	s0 =	simm.s32 @p1 $0x1  }
0x15: {  	[smem:$0x3FB5] =	sst s0;
	s0 =	simm.s32 @!p2 $0x0  }
0x16: {  	s3 =	sld [smem:$0x3FDB];
	s0 =	simm.s32 @p2 $0x1  }
0x17: {  	s4 =	simm.s32 $0x1BF5;
	[smem:$0x3FB7] =	sst s0  }
0x18: {  	s0 =	sld [smem:$0x3F9A];
	_ =	swait.ge [sflag:s4], $0x0  }
0x19: {  	s7 =	sld [smem:$0x3F9B]  }
0x1a: {  	s8 =	sadd.s32 $0xFFFFE003, lr  }
0x1b: {  	s9 =	sadd.s32 $0xFFFFFEF7, lr;
	s5 =	simm.s32 $0xFFFFFFFF;
	p2 =	slt.u32 s8, $0xFFFFF086  }
0x1c: {  	p1 =	slt.u32 s9, $0xF7A;
	s5 =	simm.s32 @!p2 $0x0  }
0x1d: {  	s5 =	simm.s32 @p1 $0x1;
	p0 =	seq.s32 s7, s2  }
0x1e: {  	s7 =	smul.u32 @!p0 $0xF7A, s2;
	p2 =	seq.s32 @!p0 s5, $0x0  }
0x1f: {  	s9 =	smul.u32 $0xF7A, s1;
	s8 =	simm.s32 @!p0 $0x1BF5;
	p2 =	por !p2, p0  }
0x20: {  	[sflag:s8] =	ssyncset.s32 @!p0 $0xFFFFF086;
	s6 =	sadd.s32 @!p0 s3, s7;
	s7 =	simm.s32 @!p0 $0x108  }
0x21: {  	s3 =	sadd.s32 s3, s9;
	s6 =	sadd.s32 @!p0 $0x88, s6;
	s7 =	simm.s32 @p2 $0x1082  }
0x22: {  	[simem:s7], [sflag:s8] =	dma.local @!p0 [hbm:s6], $0xF7A  }
0x23: {  	s9 =	sor.u32 $0xD0000000, s2;
	s6 =	simm.s32 $0x108;
	_ =	swait.ge @!p0 [sflag:s8], $0x0  }
0x24: {  	s3 =	sadd.s32 $0x88, s3;
	s6 =	simm.s32 @!p1 $0x1082;
	[sflag:s4] =	ssyncset.s32 $0xFFFFF086  }
0x25: {  	[simem:s6], [sflag:s4] =	dma.local [hbm:s3], $0xF7A  }
0x26: {  	[smem:$0x3F9B] =	sst s1;
	(tag) =	ssettag s2;
	_ =	strace s9  }
0x27: {  	s1 =	sld [smem:$0x3FAB]  }
0x28: {  	s2 =	sld [smem:$0x3FAC]  }
0x29: {  	s4 =	sld [smem:$0x3FAE]  }
0x2a: {  	p0 =	seq.s32 s5, $0x0;
	s5 =	sld [smem:$0x3FAF]  }
0x2b: {  	s6 =	sld [smem:$0x3FB0]  }
0x2c: {  	s7 =	sld [smem:$0x3FB1]  }
0x2d: {  	s3 =	simm.s32 $0x108;
	s8 =	sld [smem:$0x3FB2]  }
0x2e: {  	s3 =	simm.s32 @!p0 $0x1082;
	s9 =	sld [smem:$0x3FB3]  }
0x2f: {  	lr =	sadd.s32 s0, s3;
	s0 =	sld [smem:$0x3FAA]  }
0x30: {  	s3 =	sld [smem:$0x3FAD]  }
0x31: {  	[smem:$0x3FB6] =	sst s10  }
0x32: {  	s10 =	sld [smem:$0x3FB4];
	_ =	sdelay $0x3  }
0x33: {  	p0 =	seq.s32 s10, $0x1;
	s10 =	sld [smem:$0x3FB6];
	_ =	sdelay $0x3  }
0x34: {  	[smem:$0x3FB6] =	sst s10  }
0x35: {  	s10 =	sld [smem:$0x3FB5];
	_ =	sdelay $0x3  }
0x36: {  	p1 =	seq.s32 s10, $0x1;
	s10 =	sld [smem:$0x3FB6];
	_ =	sdelay $0x3  }
0x37: {  	[smem:$0x3FB6] =	sst s10  }
0x38: {  	s10 =	sld [smem:$0x3FB7]  }
0x39: {  	_ = 	snop;
	(pc) =	sbr.ind lr, $3  }
0x3a: {  	_ = 	snop  }
0x3b: {  	_ = 	snop  }
0x3c: {  	p2 =	seq.s32 s10, $0x1;
	s10 =	sld [smem:$0x3FB6]  }
0x3d: {  	_ =	shalt  }
0x3e: {  	_ =	shalt  }
0x3f: {  	_ =	shalt  }
0x40: {  	_ =	shalt  }
0x41: {  	_ =	shalt  }
0x42: {  	_ =	shalt  }
0x43: {  	_ =	shalt  }
0x44: {  	_ =	shalt  }
0x45: {  	_ =	shalt  }
0x46: {  	_ =	shalt  }
0x47: {  	_ =	shalt  }
0x48: {  	_ =	shalt  }
0x49: {  	_ =	shalt  }
0x4a: {  	_ =	shalt  }
0x4b: {  	_ =	shalt  }
0x4c: {  	_ =	shalt  }
0x4d: {  	_ =	shalt  }
0x4e: {  	_ =	shalt  }
0x4f: {  	_ =	shalt  }
0x50: {  	_ =	shalt  }
0x51: {  	_ =	shalt  }
0x52: {  	_ =	shalt  }
0x53: {  	_ =	shalt  }
0x54: {  	_ =	shalt  }
0x55: {  	_ =	shalt  }
0x56: {  	_ =	shalt  }
0x57: {  	_ =	shalt  }
0x58: {  	_ =	shalt  }
0x59: {  	_ =	shalt  }
0x5a: {  	_ =	shalt  }
0x5b: {  	_ =	shalt  }
0x5c: {  	_ =	shalt  }
0x5d: {  	_ =	shalt  }
0x5e: {  	_ =	shalt  }
0x5f: {  	_ =	shalt  }
0x60: {  	_ =	shalt  }
0x61: {  	_ =	shalt  }
0x62: {  	_ =	shalt  }
0x63: {  	_ =	shalt  }
0x64: {  	_ =	shalt  }
0x65: {  	_ =	shalt  }
0x66: {  	_ =	shalt  }
0x67: {  	_ =	shalt  }
0x68: {  	_ =	shalt  }
0x69: {  	_ =	shalt  }
0x6a: {  	_ =	shalt  }
0x6b: {  	_ =	shalt  }
0x6c: {  	_ =	shalt  }
0x6d: {  	_ =	shalt  }
0x6e: {  	_ =	shalt  }
0x6f: {  	_ =	shalt  }
0x70: {  	_ =	shalt  }
0x71: {  	_ =	shalt  }
0x72: {  	_ =	shalt  }
0x73: {  	_ =	shalt  }
0x74: {  	_ =	shalt  }
0x75: {  	_ =	shalt  }
0x76: {  	_ =	shalt  }
0x77: {  	_ =	shalt  }
0x78: {  	_ =	shalt  }
0x79: {  	_ =	shalt  }
0x7a: {  	_ =	shalt  }
0x7b: {  	_ =	shalt  }
0x7c: {  	_ =	shalt  }
0x7d: {  	_ =	shalt  }
0x7e: {  	_ =	shalt  }
0x7f: {  	_ =	shalt  }
0x80: {  	_ =	shalt  }
0x81: {  	_ =	shalt  }
0x82: {  	_ =	shalt  }
0x83: {  	_ =	shalt  }
0x84: {  	_ =	shalt  }
0x85: {  	_ =	shalt  }
0x86: {  	_ =	shalt  }
0x87: {  	_ =	shalt  }
.Lfunc_end0:
.L_simem_size_0:
called_computation.1_lowered:
.L_overlay_start_0:
0x88: {  	s2 =	sld [smem:$0x3FD9]  }
0x89: {  	s3 =	sld [smem:$0x3FFE];
	_ =	sdelay $0x1  }
0x8a: {  	s1 =	srdreg.scid  }
0x8b: {  	s0 =	sand.u32 $0x1, s1  }
0x8c: {  	s17 =	sshll.u32 s0, $0xA;
	s2 =	sadd.s32 s3, s2  }
0x8d: {  	s2 =	sadd.s32 s2, s17  }
0x8e: {  	[smem:$0x3FC2] =	sst s2  }
0x8f: {  	_ = 	snop  }
0x90: {  	s2 =	sld [smem:$0x3FD0];
	(tm) =	ssettm $0x1  }
0x91: {  	s18 =	sld [smem:$0x3FFB];
	_ =	sdelay $0x3  }
0x92: {  	_ =	strace s18  }
0x93: {  	s3 =	sld [smem:$0x3FFC];
	_ =	sdelay $0x3  }
0x94: {  	_ =	strace s3  }
0x95: {  	s3 =	sld [smem:$0x3FFD];
	_ =	sdelay $0x3  }
0x96: {  	_ =	strace s3  }
0x97: {  	_ =	strace $0x8FFFFFFF  }
0x98: {  	s19 =	sld [smem:$0x3FDB];
	_ =	sdelay $0x1  }
0x99: {  	s4 =	simm.s32 $_scs_section_size  }
0x9a: {  	s5 =	simm.s32 $_size__tile_overlayer_lowered;
	s6 =	simm.s32 $_tile_overlayer_lowered  }
0x9b: {  	s22 =	simm.s32 $0x1BFF;
	s21 =	sshll.u32 s6, $0x1;
	s3 =	sadd.s32 s4, s19  }
0x9c: {  	s7 =	simm.s32 $0x0;
	s20 =	sshll.u32 s5, $0x1;
	s5 =	sadd.s32 s21, s3  }
0x9d: {  	[timem:s7], [sflag:s22] =	dma.local [hbm:s5], s20  }
0x9e: {  	_ =	swait.ge [sflag:s22], s20  }
0x9f: {  	s4 =	ssub.s32 $0x0, s20;
	[sflag:s22] =	ssyncset.done $0x0  }
0xa0: {  	[sflag:s22] =	ssyncadd.s32 s4;
	_ =	sdelay $0x1  }
0xa1: {  	s23 =	simm.s32 $0x1B8B  }
0xa2: {  	_ =	swait.ge [sflag:s23], $0x1  }
0xa3: {  	[sflag:s23] =	ssyncset.done $0x0  }
0xa4: {  	s25 =	simm.s32 $0x1B8E;
	s24 =	sld [smem:$0x3FFE];
	[sflag:s23] =	ssyncadd.s32 $0xFFFFFFFF  }
0xa5: {  	s26 =	simm.s32 $execute0_lowered;
	[smem:$0x3FD2] =	sst s25  }
0xa6: {  	s5 =	sshll.u32 s26, $0x1;
	_ =	strace $0x80000049;
	[dreg:$0x1] =	wrdreg $0xFFFFFFFF  }
0xa7: {  	s28 =	simm.s32 $_size_execute0_lowered;
	s3 =	sadd.s32 s3, s5;
	[dreg:$0x0] =	wrdreg $0x0  }
0xa8: {  	s5 =	sshll.u32 s28, $0x1;
	[dreg:$0x2] =	wrdreg s3  }
0xa9: {  	[dreg:$0x3] =	wrdreg s5  }
0xaa: {  	[dreg:$0x4] =	wrdreg $0xC0  }
0xab: {  	_ =	task [dreg:s7], $0x5FFFF  }
0xac: {  	[dreg:$0x1] =	wrdreg $0xFFFFFFFF  }
0xad: {  	[dreg:$0x0] =	wrdreg $0x60  }
0xae: {  	[dreg:$0x2] =	wrdreg s24  }
0xaf: {  	[dreg:$0x3] =	wrdreg s2  }
0xb0: {  	[dreg:$0x4] =	wrdreg $0x150000  }
0xb1: {  	[dreg:$0x5] =	wrdreg $0x9  }
0xb2: {  	_ =	task.clear_ibuf [dreg:s7], $0x6FFFF;
	_ =	strace $0x90000049  }
0xb3: {  	s29 =	simm.s32 $0x9;
	_ =	strace $0x8000004B  }
0xb4: {  	_ =	swait.ge [sflag:s29], $0x1  }
0xb5: {  	[sflag:s29] =	ssyncadd.s32 $0xFFFFFFFF  }
0xb6: {  	_ =	strace $0x9000004B  }
0xb7: {  	_ =	sfence  }
0xb8: {  	s30 =	sld [smem:$0x0];
	_ =	sdelay $0x2  }
0xb9: {  	s31 =	sshll.u32 s1, $0xD;
	s1 =	sshrl.u32 s1, $0x2  }
0xba: {  	s3 =	sand.u32 $0x4000, s31;
	s1 =	sadd.s32 s1, s30  }
0xbb: {  	s0 =	sor.u32 s3, s0;
	s1 =	sshll.u32 s1, $0x11  }
0xbc: {  	s0 =	sor.u32 s1, s0  }
0xbd: {  	s0 =	sadd.s32 $0x8F2B, s0  }
0xbe: {  	[sflag:s0] =	ssyncadd.remote.s32 $0x1  }
0xbf: {  	_ =	sfence.sel $0xFFFF  }
0xc0: {  	[dreg:$0x0] =	wrdreg $0xFFFFFFFF;
	(pc) =	sbr.abs _section_cstart, $3  }
0xc1: {  	[dreg:$0x1] =	wrdreg $0xFFFFFFFF  }
0xc2: {  	_ =	task.clear_ibuf [dreg:s7], $0x2FFFF;
	_ =	strace $0x9FFFFFFF  }
0xc3: {  	(tm) =	ssettm $0x7FFFFFFF  }
tec
execute0_lowered:
.L_overlay_start_1:
0x0: {  	(tag) =	ssettag $0x1  }
0x1: {  	s0 =	rddreg [dreg:$0x0]  }
0x2: {  	s1 =	rddreg [dreg:$0x1]  }
0x3: {  	s2 =	rddreg [dreg:$0x2]  }
0x4: {  	s10 =	stileid.u32;
	s5 =	simm.s32 $0x0;
	s3 =	srdreg.scid  }
0x5: {  	s12 =	simm.s32 $0x9;
	s14 =	simm.s32 $0x80;
	s28 =	simm.s32 $0x13000  }
0x6: {  	s29 =	simm.s32 $0x1;
	s30 =	simm.s32 $0x3;
	s31 =	simm.s32 $0x5  }
0x7: {  	s4 =	smul.u32 $0x2800, s10;
	[smem:$0x7FF] =	sst s5;
	s3 =	sand.u32 $0x1, s3  }
0x8: {  	s6 =	smul.u32 $0x14000, s10;
	s24 =	sshll.u32 s10, $0x6;
	p0 =	seq.s32 s3, $0x0  }
0x9: {  	s7 =	smul.u32 $0x140000, s3;
	_ =	strace $0x8000004A;
	s3 =	ssub.s32 $0x2, s3  }
0xa: {  	s5 =	sadd.s32 $0x28000, s4;
	s9 =	sshrl.u32 s6, $0x4;
	s23 =	sshrl.u32 s3, $0x1  }
0xb: {  	s5 =	smov.u32 @p0 s4;
	s4 =	sadd.s32 $0x2EA00, s0;
	s7 =	sadd.s32 s6, s7  }
0xc: {  	s9 =	sadd.s32 s9, s0;
	s3 =	ssub.s32 s3, s23;
	s6 =	sshrl.u32 s6, $0x1  }
0xd: {  	s5 =	sshrl.u32 s5, $0x3;
	s7 =	sshrl.u32 s7, $0x4;
	s9 =	sadd.s32 $0x1AA00, s9  }
0xe: {  	s6 =	sadd.s32 s6, s2;
	s26 =	smax.u32 s3, $0x1;
	[dreg:$0x4] =	wrdreg s9  }
0xf: {  	s8 =	sadd.s32 s5, s0;
	s1 =	sadd.s32 s1, s5;
	[dreg:$0x9] =	wrdreg s26  }
0x10: {  	s0 =	sadd.s32 s7, s0;
	s7 =	sor.u32 $0x1C09, s24;
	[dreg:$0x6] =	wrdreg s1  }
0x11: {  	s22 =	simm.s32 $0x5000;
	s5 =	sshrl.u32 s6, $0x3;
	[dreg:$0x5] =	wrdreg s7  }
0x12: {  	s6 =	simm.s32 $0x0;
	s25 =	sadd.s32 $0x1800, s8;
	[dreg:$0xa] =	wrdreg s5  }
0x13: {  	s26 =	simm.s32 $0x9000;
	s0 =	sadd.s32 $0x42A00, s0;
	[dreg:$0x7] =	wrdreg s25  }
0x14: {  	s1 =	simm.s32 $0x8;
	[dreg:$0x8] =	wrdreg s0;
	s0 =	simm.s32 $0x7  }
.LBB2_1:
0x15: {  	[dreg:$0xb] =	wrdreg s6  }
0x16: {  	s3 =	rddreg [dreg:$0x4]  }
0x17: {  	[spmem:s5], [sflag:s7] =	dma.local [hbm:s3], $0x1400  }
0x18: {  	_ =	swait.ge [sflag:s12], $0x1400  }
0x19: {  	[sflag:s12] =	ssyncset.done $0x0  }
0x1a: {  	s21 =	simm.s32 $0x0;
	s23 =	rddreg [dreg:$0x6];
	[sflag:s12] =	ssyncadd.s32 $0xFFFFEC00  }
0x1b: {  	[tilespmem:s21], [sflag:$0x9] =	stream.linear.gather [hbm4b:s23+s21], $0x2800, $0x38;
	[tilespmem:$0x1F000] =	vst v63  }
0x1c: {  	_ =	swait.ge [sflag:s12], $0x2800  }
0x1d: {  	[sflag:s12] =	ssyncset.done $0x0  }
0x1e: {  	s25 =	simm.s32 $0x2800;
	s24 =	rddreg [dreg:$0x7];
	[sflag:s12] =	ssyncadd.s32 $0xFFFFD800  }
0x1f: {  	[tilespmem:s25], [sflag:$0x9] =	stream.linear.gather [hbm4b:s24+s21], $0x2800, $0x38;
	[tilespmem:$0x1F000] =	vst v63  }
0x20: {  	_ =	swait.ge [sflag:s12], $0x2800  }
0x21: {  	[sflag:s12] =	ssyncset.done $0x0  }
0x22: {  	[sflag:s12] =	ssyncadd.s32 $0xFFFFD800  }
0x23: {  	s7 =	simm.s32 $0x5000;
	[bflag:$0x0] =	sbarrier.arrive $0xFFFF  }
0x24: {  	[tilespmem:s7], [sflag:$0x1] =	stream.indirect.gather [hbm4b:s4+s14], $0x40, s21, s14, $0xb8;
	[tilespmem:$0x1F000] =	vst v63  }
0x25: {  	s8 =	simm.s32 $0x7000  }
0x26: {  	[tilespmem:s8], [sflag:$0x2] =	stream.indirect.gather [hbm4b:s4+s14], $0x40, s14, s14, $0xb8;
	[tilespmem:$0x1F000] =	vst v63  }
0x27: {  	s9 =	simm.s32 $0x100;
	s10 =	simm.s32 $0x9000  }
0x28: {  	[tilespmem:s10], [sflag:$0x3] =	stream.indirect.gather [hbm4b:s4+s14], $0x40, s9, s14, $0xb8;
	[tilespmem:$0x1F000] =	vst v63  }
0x29: {  	s11 =	simm.s32 $0x180;
	s13 =	simm.s32 $0xB000  }
0x2a: {  	[tilespmem:s13], [sflag:$0x4] =	stream.indirect.gather [hbm4b:s4+s14], $0x40, s11, s14, $0xb8;
	[tilespmem:$0x1F000] =	vst v63  }
0x2b: {  	s15 =	simm.s32 $0x200;
	s11 =	simm.s32 $0xD000  }
0x2c: {  	[tilespmem:s11], [sflag:$0x5] =	stream.indirect.gather [hbm4b:s4+s14], $0x40, s15, s14, $0xb8;
	[tilespmem:$0x1F000] =	vst v63  }
0x2d: {  	s16 =	simm.s32 $0x280;
	s17 =	simm.s32 $0xF000  }
0x2e: {  	[tilespmem:s17], [sflag:$0x6] =	stream.indirect.gather [hbm4b:s4+s14], $0x40, s16, s14, $0xb8;
	[tilespmem:$0x1F000] =	vst v63  }
0x2f: {  	s18 =	simm.s32 $0x300;
	s13 =	simm.s32 $0x11000  }
0x30: {  	[tilespmem:s13], [sflag:$0x7] =	stream.indirect.gather [hbm4b:s4+s14], $0x40, s18, s14, $0xb8;
	[tilespmem:$0x1F000] =	vst v63  }
0x31: {  	s19 =	simm.s32 $0x380  }
0x32: {  	[tilespmem:s28], [sflag:$0x8] =	stream.indirect.gather [hbm4b:s4+s14], $0x40, s19, s14, $0xb8;
	[tilespmem:$0x1F000] =	vst v63  }
0x33: {  	_ =	swait.ge [sflag:s29], $0x2000  }
0x34: {  	[sflag:s29] =	ssyncset.done $0x0  }
0x35: {  	s20 =	simm.s32 $0x2800;
	[sflag:s29] =	ssyncadd.s32 $0xFFFFE000  }
0x36: {  	[spmem:s2] =	stream.indirect.scatter.add.bf16 [tilespmem:s7], [sflag:$0x9], $0x40, s20, s14, $0xb8;
	[tilespmem:$0x1F000] =	vst v63  }
0x37: {  	_ =	swait.ge [sflag:s12], $0x2000  }
0x38: {  	p0 =	por $0x0, $0x0;
	[sflag:s12] =	ssyncset.done $0x0  }
0x39: {  	s3 =	simm.s32 @p0 $0x2;
	[sflag:s12] =	ssyncadd.s32 $0xFFFFE000  }
0x3a: {  	_ =	swait.ge @p0 [sflag:s3], $0x2000  }
0x3b: {  	s5 =	simm.s32 @p0 $0x2880;
	s6 =	simm.s32 @p0 $0x7000;
	[sflag:s3] =	ssyncset.done @p0 $0x0  }
0x3c: {  	s7 =	simm.s32 @p0 $0x9;
	[sflag:s3] =	ssyncadd.s32 @p0 $0xFFFFE000;
	s3 =	simm.s32 @p0 $0x80  }
0x3d: {  	[spmem:s2] =	stream.indirect.scatter.add.bf16 @p0 [tilespmem:s6], [sflag:$0x9], $0x40, s5, s3, $0xb8;
	[tilespmem:$0x1F000] =	vst v63  }
0x3e: {  	_ =	swait.ge @p0 [sflag:s7], $0x2000  }
0x3f: {  	s8 =	simm.s32 @!p0 $0x2;
	s9 =	simm.s32 @!p0 $0x5000;
	[sflag:s7] =	ssyncset.done @p0 $0x0  }
0x40: {  	s6 =	simm.s32 @!p0 $0x400;
	s5 =	simm.s32 @!p0 $0x80;
	[sflag:s7] =	ssyncadd.s32 @p0 $0xFFFFE000  }
0x41: {  	[tilespmem:s9], [sflag:$0x1] =	stream.indirect.gather @!p0 [hbm4b:s4+s5], $0x40, s6, s5, $0xb8;
	[tilespmem:$0x1F000] =	vst v63  }
0x42: {  	_ =	swait.ge @!p0 [sflag:s8], $0x2000  }
0x43: {  	s6 =	simm.s32 @!p0 $0x2880;
	[sflag:s8] =	ssyncset.done @!p0 $0x0  }
0x44: {  	s9 =	simm.s32 @!p0 $0x7000;
	[sflag:s8] =	ssyncadd.s32 @!p0 $0xFFFFE000;
	s8 =	simm.s32 @!p0 $0x9  }
0x45: {  	[spmem:s2] =	stream.indirect.scatter.add.bf16 @!p0 [tilespmem:s9], [sflag:$0x9], $0x40, s6, s5, $0xb8;
	[tilespmem:$0x1F000] =	vst v63  }
0x46: {  	_ =	swait.ge @!p0 [sflag:s8], $0x2000  }
0x47: {  	[sflag:s8] =	ssyncset.done @!p0 $0x0  }
0x48: {  	s6 =	simm.s32 @!p0 $0x480;
	[sflag:s8] =	ssyncadd.s32 @!p0 $0xFFFFE000  }
0x49: {  	[tilespmem:s9], [sflag:$0x2] =	stream.indirect.gather @!p0 [hbm4b:s4+s5], $0x40, s6, s5, $0xb8;
	[tilespmem:$0x1F000] =	vst v63  }
0x4a: {  	_ =	swait.ge [sflag:s30], $0x2000  }
0x4b: {  	[sflag:s30] =	ssyncset.done $0x0  }
0x4c: {  	s21 =	simm.s32 $0x2900;
	[sflag:s30] =	ssyncadd.s32 $0xFFFFE000  }
0x4d: {  	[spmem:s2] =	stream.indirect.scatter.add.bf16 [tilespmem:s10], [sflag:$0x9], $0x40, s21, s14, $0xb8;
	[tilespmem:$0x1F000] =	vst v63  }
0x4e: {  	_ =	swait.ge [sflag:s12], $0x2000  }
0x4f: {  	[sflag:s12] =	ssyncset.done $0x0  }
0x50: {  	s6 =	simm.s32 @p0 $0x4;
	[sflag:s12] =	ssyncadd.s32 $0xFFFFE000  }
0x51: {  	_ =	swait.ge @p0 [sflag:s6], $0x2000  }
0x52: {  	[sflag:s6] =	ssyncset.done @p0 $0x0  }
0x53: {  	s9 =	simm.s32 @p0 $0x2980;
	[sflag:s6] =	ssyncadd.s32 @p0 $0xFFFFE000;
	s6 =	simm.s32 @p0 $0xB000  }
0x54: {  	[spmem:s2] =	stream.indirect.scatter.add.bf16 @p0 [tilespmem:s6], [sflag:$0x9], $0x40, s9, s3, $0xb8;
	[tilespmem:$0x1F000] =	vst v63  }
0x55: {  	_ =	swait.ge @p0 [sflag:s7], $0x2000  }
0x56: {  	[sflag:s7] =	ssyncset.done @p0 $0x0  }
0x57: {  	s6 =	simm.s32 @!p0 $0x500;
	s9 =	simm.s32 @!p0 $0x9000;
	[sflag:s7] =	ssyncadd.s32 @p0 $0xFFFFE000  }
0x58: {  	[tilespmem:s9], [sflag:$0x3] =	stream.indirect.gather @!p0 [hbm4b:s4+s5], $0x40, s6, s5, $0xb8;
	[tilespmem:$0x1F000] =	vst v63  }
0x59: {  	s6 =	simm.s32 @!p0 $0x4  }
0x5a: {  	_ =	swait.ge @!p0 [sflag:s6], $0x2000  }
0x5b: {  	[sflag:s6] =	ssyncset.done @!p0 $0x0  }
0x5c: {  	s9 =	simm.s32 @!p0 $0x2980;
	[sflag:s6] =	ssyncadd.s32 @!p0 $0xFFFFE000;
	s6 =	simm.s32 @!p0 $0xB000  }
0x5d: {  	[spmem:s2] =	stream.indirect.scatter.add.bf16 @!p0 [tilespmem:s6], [sflag:$0x9], $0x40, s9, s5, $0xb8;
	[tilespmem:$0x1F000] =	vst v63  }
0x5e: {  	_ =	swait.ge @!p0 [sflag:s8], $0x2000  }
0x5f: {  	[sflag:s8] =	ssyncset.done @!p0 $0x0  }
0x60: {  	s9 =	simm.s32 @!p0 $0x580;
	[sflag:s8] =	ssyncadd.s32 @!p0 $0xFFFFE000  }
0x61: {  	[tilespmem:s6], [sflag:$0x4] =	stream.indirect.gather @!p0 [hbm4b:s4+s5], $0x40, s9, s5, $0xb8;
	[tilespmem:$0x1F000] =	vst v63  }
0x62: {  	_ =	swait.ge [sflag:s31], $0x2000  }
0x63: {  	[sflag:s31] =	ssyncset.done $0x0  }
0x64: {  	s23 =	simm.s32 $0x2A00;
	[sflag:s31] =	ssyncadd.s32 $0xFFFFE000  }
0x65: {  	[spmem:s2] =	stream.indirect.scatter.add.bf16 [tilespmem:s11], [sflag:$0x9], $0x40, s23, s14, $0xb8;
	[tilespmem:$0x1F000] =	vst v63  }
0x66: {  	_ =	swait.ge [sflag:s12], $0x2000  }
0x67: {  	[sflag:s12] =	ssyncset.done $0x0  }
0x68: {  	s6 =	simm.s32 @p0 $0x6;
	[sflag:s12] =	ssyncadd.s32 $0xFFFFE000  }
0x69: {  	_ =	swait.ge @p0 [sflag:s6], $0x2000  }
0x6a: {  	[sflag:s6] =	ssyncset.done @p0 $0x0  }
0x6b: {  	s9 =	simm.s32 @p0 $0x2A80;
	[sflag:s6] =	ssyncadd.s32 @p0 $0xFFFFE000;
	s6 =	simm.s32 @p0 $0xF000  }
0x6c: {  	[spmem:s2] =	stream.indirect.scatter.add.bf16 @p0 [tilespmem:s6], [sflag:$0x9], $0x40, s9, s3, $0xb8;
	[tilespmem:$0x1F000] =	vst v63  }
0x6d: {  	_ =	swait.ge @p0 [sflag:s7], $0x2000  }
0x6e: {  	[sflag:s7] =	ssyncset.done @p0 $0x0  }
0x6f: {  	s3 =	simm.s32 @!p0 $0x600;
	s6 =	simm.s32 @!p0 $0xD000;
	[sflag:s7] =	ssyncadd.s32 @p0 $0xFFFFE000  }
0x70: {  	[tilespmem:s6], [sflag:$0x5] =	stream.indirect.gather @!p0 [hbm4b:s4+s5], $0x40, s3, s5, $0xb8;
	[tilespmem:$0x1F000] =	vst v63  }
0x71: {  	s3 =	simm.s32 @!p0 $0x6  }
0x72: {  	_ =	swait.ge @!p0 [sflag:s3], $0x2000  }
0x73: {  	[sflag:s3] =	ssyncset.done @!p0 $0x0  }
0x74: {  	s6 =	simm.s32 @!p0 $0x2A80;
	[sflag:s3] =	ssyncadd.s32 @!p0 $0xFFFFE000;
	s3 =	simm.s32 @!p0 $0xF000  }
0x75: {  	[spmem:s2] =	stream.indirect.scatter.add.bf16 @!p0 [tilespmem:s3], [sflag:$0x9], $0x40, s6, s5, $0xb8;
	[tilespmem:$0x1F000] =	vst v63  }
0x76: {  	_ =	swait.ge @!p0 [sflag:s8], $0x2000  }
0x77: {  	[sflag:s8] =	ssyncset.done @!p0 $0x0  }
0x78: {  	s6 =	simm.s32 @!p0 $0x680;
	[sflag:s8] =	ssyncadd.s32 @!p0 $0xFFFFE000  }
0x79: {  	[tilespmem:s3], [sflag:$0x6] =	stream.indirect.gather @!p0 [hbm4b:s4+s5], $0x40, s6, s5, $0xb8;
	[tilespmem:$0x1F000] =	vst v63  }
0x7a: {  	_ =	swait.ge [sflag:s0], $0x2000  }
0x7b: {  	[sflag:s0] =	ssyncset.done $0x0  }
0x7c: {  	s24 =	simm.s32 $0x2B00;
	[sflag:s0] =	ssyncadd.s32 $0xFFFFE000  }
0x7d: {  	[spmem:s2] =	stream.indirect.scatter.add.bf16 [tilespmem:s13], [sflag:$0x9], $0x40, s24, s14, $0xb8;
	[tilespmem:$0x1F000] =	vst v63  }
0x7e: {  	_ =	swait.ge [sflag:s12], $0x2000  }
0x7f: {  	[sflag:s12] =	ssyncset.done $0x0  }
0x80: {  	s3 =	simm.s32 @!p0 $0x700;
	s6 =	simm.s32 @!p0 $0x11000;
	[sflag:s12] =	ssyncadd.s32 $0xFFFFE000  }
0x81: {  	[tilespmem:s6], [sflag:$0x7] =	stream.indirect.gather @!p0 [hbm4b:s4+s5], $0x40, s3, s5, $0xb8;
	[tilespmem:$0x1F000] =	vst v63  }
0x82: {  	_ =	swait.ge [sflag:s1], $0x2000  }
0x83: {  	[sflag:s1] =	ssyncset.done $0x0  }
0x84: {  	s25 =	simm.s32 $0x2B80;
	[sflag:s1] =	ssyncadd.s32 $0xFFFFE000  }
0x85: {  	[spmem:s2] =	stream.indirect.scatter.add.bf16 [tilespmem:s28], [sflag:$0x9], $0x40, s25, s14, $0xb8;
	[tilespmem:$0x1F000] =	vst v63  }
0x86: {  	s17 =	simm.s32 $0x2000;
	_ =	swait.ge [sflag:s12], $0x2000  }
0x87: {  	s16 =	simm.s32 $0x400;
	s19 =	simm.s32 $0x1000;
	[sflag:s12] =	ssyncset.done $0x0  }
.LBB2_2:
0x88: {  	s3 =	sadd.s32 $0x380, s16  }
0x89: {  	[sflag:s12] =	ssyncadd.s32 $0xFFFFE000;
	s10 =	smov.u32 s17;
	s17 =	sadd.s32 $0x1000, s17  }
0x8a: {  	[tilespmem:s28], [sflag:$0x8] =	stream.indirect.gather [hbm4b:s4+s14], $0x40, s3, s14, $0xb8;
	[tilespmem:$0x1F000] =	vst v63  }
0x8b: {  	p0 =	sne.s32 s17, $0xA000;
	_ =	swait.ge [sflag:s29], $0x2000  }
0x8c: {  	[sflag:s29] =	ssyncset.done $0x0  }
0x8d: {  	s3 =	sadd.s32 $0x2800, s16;
	[sflag:s29] =	ssyncadd.s32 $0xFFFFE000  }
0x8e: {  	[spmem:s2] =	stream.indirect.scatter.add.bf16 [tilespmem:s22], [sflag:$0x9], $0x40, s3, s14, $0xb8;
	[tilespmem:$0x1F000] =	vst v63  }
0x8f: {  	_ =	swait.ge [sflag:s12], $0x2000  }
0x90: {  	p1 =	seq.s32 s19, $0x9000;
	[sflag:s12] =	ssyncset.done $0x0  }
0x91: {  	s5 =	sshra.s32 @p1 s19, $0x2;
	s3 =	simm.s32 @p1 $0x2;
	[sflag:s12] =	ssyncadd.s32 $0xFFFFE000  }
0x92: {  	s19 =	sshra.s32 @!p1 s19, $0x2;
	s6 =	sadd.s32 @p1 $0x2880, s5;
	_ =	swait.ge @p1 [sflag:s3], $0x2000  }
0x93: {  	s21 =	simm.s32 @p1 $0x9;
	s7 =	sadd.s32 @!p1 $0x400, s19;
	[sflag:s3] =	ssyncset.done @p1 $0x0  }
0x94: {  	s24 =	simm.s32 @p1 $0x80;
	[sflag:s3] =	ssyncadd.s32 @p1 $0xFFFFE000;
	s3 =	simm.s32 @p1 $0x7000  }
0x95: {  	[spmem:s2] =	stream.indirect.scatter.add.bf16 @p1 [tilespmem:s3], [sflag:$0x9], $0x40, s6, s24, $0xb8;
	[tilespmem:$0x1F000] =	vst v63  }
0x96: {  	s8 =	sadd.s32 @!p1 $0x2880, s19;
	s11 =	sadd.s32 @!p1 $0x480, s19;
	_ =	swait.ge @p1 [sflag:s21], $0x2000  }
0x97: {  	s23 =	simm.s32 @!p1 $0x2;
	s13 =	sadd.s32 @p1 $0x2980, s5;
	[sflag:s21] =	ssyncset.done @p1 $0x0  }
0x98: {  	s20 =	simm.s32 @!p1 $0x80;
	s3 =	simm.s32 @!p1 $0x5000;
	[sflag:s21] =	ssyncadd.s32 @p1 $0xFFFFE000  }
0x99: {  	[tilespmem:s3], [sflag:$0x1] =	stream.indirect.gather @!p1 [hbm4b:s4+s20], $0x40, s7, s20, $0xb8;
	[tilespmem:$0x1F000] =	vst v63  }
0x9a: {  	s15 =	sadd.s32 @!p1 $0x500, s19;
	s6 =	sadd.s32 @!p1 $0x2980, s19;
	_ =	swait.ge @!p1 [sflag:s23], $0x2000  }
0x9b: {  	s9 =	sadd.s32 @p1 $0x2A80, s5;
	s3 =	sadd.s32 @!p1 $0x580, s19;
	[sflag:s23] =	ssyncset.done @!p1 $0x0  }
0x9c: {  	s18 =	simm.s32 @!p1 $0x7000;
	s25 =	simm.s32 @!p1 $0x9;
	[sflag:s23] =	ssyncadd.s32 @!p1 $0xFFFFE000  }
0x9d: {  	[spmem:s2] =	stream.indirect.scatter.add.bf16 @!p1 [tilespmem:s18], [sflag:$0x9], $0x40, s8, s20, $0xb8;
	[tilespmem:$0x1F000] =	vst v63  }
0x9e: {  	s7 =	sadd.s32 @!p1 $0x2A80, s19;
	s8 =	sadd.s32 @!p1 $0x600, s19;
	_ =	swait.ge @!p1 [sflag:s25], $0x2000  }
0x9f: {  	s5 =	sadd.s32 @!p1 $0x680, s19;
	s23 =	sadd.s32 @!p1 $0x700, s19;
	[sflag:s25] =	ssyncset.done @!p1 $0x0  }
0xa0: {  	s19 =	smov.u32 s10;
	[sflag:s25] =	ssyncadd.s32 @!p1 $0xFFFFE000  }
0xa1: {  	[tilespmem:s18], [sflag:$0x2] =	stream.indirect.gather @!p1 [hbm4b:s4+s20], $0x40, s11, s20, $0xb8;
	[tilespmem:$0x1F000] =	vst v63  }
0xa2: {  	_ =	swait.ge [sflag:s30], $0x2000  }
0xa3: {  	[sflag:s30] =	ssyncset.done $0x0  }
0xa4: {  	s10 =	sadd.s32 $0x2900, s16;
	[sflag:s30] =	ssyncadd.s32 $0xFFFFE000  }
0xa5: {  	[spmem:s2] =	stream.indirect.scatter.add.bf16 [tilespmem:s26], [sflag:$0x9], $0x40, s10, s14, $0xb8;
	[tilespmem:$0x1F000] =	vst v63  }
0xa6: {  	_ =	swait.ge [sflag:s12], $0x2000  }
0xa7: {  	[sflag:s12] =	ssyncset.done $0x0  }
0xa8: {  	s10 =	simm.s32 @p1 $0x4;
	[sflag:s12] =	ssyncadd.s32 $0xFFFFE000  }
0xa9: {  	_ =	swait.ge @p1 [sflag:s10], $0x2000  }
0xaa: {  	[sflag:s10] =	ssyncset.done @p1 $0x0  }
0xab: {  	[sflag:s10] =	ssyncadd.s32 @p1 $0xFFFFE000;
	s10 =	simm.s32 @p1 $0xB000  }
0xac: {  	[spmem:s2] =	stream.indirect.scatter.add.bf16 @p1 [tilespmem:s10], [sflag:$0x9], $0x40, s13, s24, $0xb8;
	[tilespmem:$0x1F000] =	vst v63  }
0xad: {  	_ =	swait.ge @p1 [sflag:s21], $0x2000  }
0xae: {  	[sflag:s21] =	ssyncset.done @p1 $0x0  }
0xaf: {  	s11 =	simm.s32 @!p1 $0x4;
	s10 =	simm.s32 @!p1 $0x9000;
	[sflag:s21] =	ssyncadd.s32 @p1 $0xFFFFE000  }
0xb0: {  	[tilespmem:s10], [sflag:$0x3] =	stream.indirect.gather @!p1 [hbm4b:s4+s20], $0x40, s15, s20, $0xb8;
	[tilespmem:$0x1F000] =	vst v63  }
0xb1: {  	_ =	swait.ge @!p1 [sflag:s11], $0x2000  }
0xb2: {  	[sflag:s11] =	ssyncset.done @!p1 $0x0  }
0xb3: {  	s10 =	simm.s32 @!p1 $0xB000;
	[sflag:s11] =	ssyncadd.s32 @!p1 $0xFFFFE000  }
0xb4: {  	[spmem:s2] =	stream.indirect.scatter.add.bf16 @!p1 [tilespmem:s10], [sflag:$0x9], $0x40, s6, s20, $0xb8;
	[tilespmem:$0x1F000] =	vst v63  }
0xb5: {  	_ =	swait.ge @!p1 [sflag:s25], $0x2000  }
0xb6: {  	[sflag:s25] =	ssyncset.done @!p1 $0x0  }
0xb7: {  	[sflag:s25] =	ssyncadd.s32 @!p1 $0xFFFFE000  }
0xb8: {  	[tilespmem:s10], [sflag:$0x4] =	stream.indirect.gather @!p1 [hbm4b:s4+s20], $0x40, s3, s20, $0xb8;
	[tilespmem:$0x1F000] =	vst v63  }
0xb9: {  	_ =	swait.ge [sflag:s31], $0x2000  }
0xba: {  	[sflag:s31] =	ssyncset.done $0x0  }
0xbb: {  	s6 =	simm.s32 $0xD000;
	s3 =	sadd.s32 $0x2A00, s16;
	[sflag:s31] =	ssyncadd.s32 $0xFFFFE000  }
0xbc: {  	[spmem:s2] =	stream.indirect.scatter.add.bf16 [tilespmem:s6], [sflag:$0x9], $0x40, s3, s14, $0xb8;
	[tilespmem:$0x1F000] =	vst v63  }
0xbd: {  	_ =	swait.ge [sflag:s12], $0x2000  }
0xbe: {  	[sflag:s12] =	ssyncset.done $0x0  }
0xbf: {  	s3 =	simm.s32 @p1 $0x6;
	[sflag:s12] =	ssyncadd.s32 $0xFFFFE000  }
0xc0: {  	_ =	swait.ge @p1 [sflag:s3], $0x2000  }
0xc1: {  	[sflag:s3] =	ssyncset.done @p1 $0x0  }
0xc2: {  	[sflag:s3] =	ssyncadd.s32 @p1 $0xFFFFE000;
	s3 =	simm.s32 @p1 $0xF000  }
0xc3: {  	[spmem:s2] =	stream.indirect.scatter.add.bf16 @p1 [tilespmem:s3], [sflag:$0x9], $0x40, s9, s24, $0xb8;
	[tilespmem:$0x1F000] =	vst v63  }
0xc4: {  	_ =	swait.ge @p1 [sflag:s21], $0x2000  }
0xc5: {  	[sflag:s21] =	ssyncset.done @p1 $0x0  }
0xc6: {  	s6 =	simm.s32 @!p1 $0x6;
	s3 =	simm.s32 @!p1 $0xD000;
	[sflag:s21] =	ssyncadd.s32 @p1 $0xFFFFE000  }
0xc7: {  	[tilespmem:s3], [sflag:$0x5] =	stream.indirect.gather @!p1 [hbm4b:s4+s20], $0x40, s8, s20, $0xb8;
	[tilespmem:$0x1F000] =	vst v63  }
0xc8: {  	_ =	swait.ge @!p1 [sflag:s6], $0x2000  }
0xc9: {  	[sflag:s6] =	ssyncset.done @!p1 $0x0  }
0xca: {  	s3 =	simm.s32 @!p1 $0xF000;
	[sflag:s6] =	ssyncadd.s32 @!p1 $0xFFFFE000  }
0xcb: {  	[spmem:s2] =	stream.indirect.scatter.add.bf16 @!p1 [tilespmem:s3], [sflag:$0x9], $0x40, s7, s20, $0xb8;
	[tilespmem:$0x1F000] =	vst v63  }
0xcc: {  	_ =	swait.ge @!p1 [sflag:s25], $0x2000  }
0xcd: {  	[sflag:s25] =	ssyncset.done @!p1 $0x0  }
0xce: {  	[sflag:s25] =	ssyncadd.s32 @!p1 $0xFFFFE000  }
0xcf: {  	[tilespmem:s3], [sflag:$0x6] =	stream.indirect.gather @!p1 [hbm4b:s4+s20], $0x40, s5, s20, $0xb8;
	[tilespmem:$0x1F000] =	vst v63  }
0xd0: {  	_ =	swait.ge [sflag:s0], $0x2000  }
0xd1: {  	[sflag:s0] =	ssyncset.done $0x0  }
0xd2: {  	s3 =	sadd.s32 $0x2B00, s16;
	s5 =	simm.s32 $0x11000;
	[sflag:s0] =	ssyncadd.s32 $0xFFFFE000  }
0xd3: {  	[spmem:s2] =	stream.indirect.scatter.add.bf16 [tilespmem:s5], [sflag:$0x9], $0x40, s3, s14, $0xb8;
	[tilespmem:$0x1F000] =	vst v63  }
0xd4: {  	_ =	swait.ge [sflag:s12], $0x2000  }
0xd5: {  	[sflag:s12] =	ssyncset.done $0x0  }
0xd6: {  	s3 =	simm.s32 @!p1 $0x11000;
	[sflag:s12] =	ssyncadd.s32 $0xFFFFE000  }
0xd7: {  	[tilespmem:s3], [sflag:$0x7] =	stream.indirect.gather @!p1 [hbm4b:s4+s20], $0x40, s23, s20, $0xb8;
	[tilespmem:$0x1F000] =	vst v63  }
0xd8: {  	_ =	swait.ge [sflag:s1], $0x2000  }
.Ltmp0:
0xd9: {  	[sflag:s1] =	ssyncset.done $0x0;
	(pc) =	sbr.rel @p0 .LBB2_2-.Ltmp0, $4  }
0xda: {  	s3 =	sadd.s32 $0x2B80, s16;
	[sflag:s1] =	ssyncadd.s32 $0xFFFFE000  }
0xdb: {  	[spmem:s2] =	stream.indirect.scatter.add.bf16 [tilespmem:s28], [sflag:$0x9], $0x40, s3, s14, $0xb8;
	[tilespmem:$0x1F000] =	vst v63  }
0xdc: {  	_ =	swait.ge [sflag:s12], $0x2000  }
0xdd: {  	s16 =	sshra.s32 s19, $0x2;
	[sflag:s12] =	ssyncset.done $0x0  }
0xde: {  	s3 =	sadd.s32 $0x380, s16;
	[sflag:s12] =	ssyncadd.s32 $0xFFFFE000  }
0xdf: {  	[tilespmem:s28], [sflag:$0x8] =	stream.indirect.gather [hbm4b:s4+s14], $0x40, s3, s14, $0xb8;
	[tilespmem:$0x1F000] =	vst v63  }
0xe0: {  	_ =	swait.ge [sflag:s29], $0x2000  }
0xe1: {  	[sflag:s29] =	ssyncset.done $0x0  }
0xe2: {  	s13 =	sadd.s32 $0x2800, s16;
	[sflag:s29] =	ssyncadd.s32 $0xFFFFE000  }
0xe3: {  	[spmem:s2] =	stream.indirect.scatter.add.bf16 [tilespmem:s22], [sflag:$0x9], $0x40, s13, s14, $0xb8;
	[tilespmem:$0x1F000] =	vst v63  }
0xe4: {  	_ =	swait.ge [sflag:s12], $0x2000  }
0xe5: {  	p0 =	seq.s32 s19, $0x9000;
	[sflag:s12] =	ssyncset.done $0x0  }
0xe6: {  	s3 =	simm.s32 @p0 $0x2;
	[sflag:s12] =	ssyncadd.s32 $0xFFFFE000  }
0xe7: {  	s9 =	sshra.s32 @p0 s19, $0x2;
	_ =	swait.ge @p0 [sflag:s3], $0x2000  }
0xe8: {  	s8 =	simm.s32 @p0 $0x9;
	s6 =	simm.s32 @p0 $0x7000;
	[sflag:s3] =	ssyncset.done @p0 $0x0  }
0xe9: {  	s5 =	sadd.s32 @p0 $0x2880, s9;
	[sflag:s3] =	ssyncadd.s32 @p0 $0xFFFFE000;
	s3 =	simm.s32 @p0 $0x80  }
0xea: {  	[spmem:s2] =	stream.indirect.scatter.add.bf16 @p0 [tilespmem:s6], [sflag:$0x9], $0x40, s5, s3, $0xb8;
	[tilespmem:$0x1F000] =	vst v63  }
0xeb: {  	s10 =	simm.s32 @!p0 $0x2;
	_ =	swait.ge @p0 [sflag:s8], $0x2000  }
0xec: {  	s7 =	simm.s32 @!p0 $0x80;
	s5 =	sshra.s32 @!p0 s19, $0x2;
	[sflag:s8] =	ssyncset.done @p0 $0x0  }
0xed: {  	s11 =	simm.s32 @!p0 $0x5000;
	s6 =	sadd.s32 @!p0 $0x400, s5;
	[sflag:s8] =	ssyncadd.s32 @p0 $0xFFFFE000  }
0xee: {  	[tilespmem:s11], [sflag:$0x1] =	stream.indirect.gather @!p0 [hbm4b:s4+s7], $0x40, s6, s7, $0xb8;
	[tilespmem:$0x1F000] =	vst v63  }
0xef: {  	_ =	swait.ge @!p0 [sflag:s10], $0x2000  }
0xf0: {  	s6 =	sadd.s32 @!p0 $0x2880, s5;
	[sflag:s10] =	ssyncset.done @!p0 $0x0  }
0xf1: {  	s11 =	simm.s32 @!p0 $0x7000;
	[sflag:s10] =	ssyncadd.s32 @!p0 $0xFFFFE000;
	s10 =	simm.s32 @!p0 $0x9  }
0xf2: {  	[spmem:s2] =	stream.indirect.scatter.add.bf16 @!p0 [tilespmem:s11], [sflag:$0x9], $0x40, s6, s7, $0xb8;
	[tilespmem:$0x1F000] =	vst v63  }
0xf3: {  	_ =	swait.ge @!p0 [sflag:s10], $0x2000  }
0xf4: {  	[sflag:s10] =	ssyncset.done @!p0 $0x0  }
0xf5: {  	s6 =	sadd.s32 @!p0 $0x480, s5;
	[sflag:s10] =	ssyncadd.s32 @!p0 $0xFFFFE000  }
0xf6: {  	[tilespmem:s11], [sflag:$0x2] =	stream.indirect.gather @!p0 [hbm4b:s4+s7], $0x40, s6, s7, $0xb8;
	[tilespmem:$0x1F000] =	vst v63  }
0xf7: {  	_ =	swait.ge [sflag:s30], $0x2000  }
0xf8: {  	[sflag:s30] =	ssyncset.done $0x0  }
0xf9: {  	s15 =	sadd.s32 $0x2900, s16;
	[sflag:s30] =	ssyncadd.s32 $0xFFFFE000  }
0xfa: {  	[spmem:s2] =	stream.indirect.scatter.add.bf16 [tilespmem:s26], [sflag:$0x9], $0x40, s15, s14, $0xb8;
	[tilespmem:$0x1F000] =	vst v63  }
0xfb: {  	_ =	swait.ge [sflag:s12], $0x2000  }
0xfc: {  	[sflag:s12] =	ssyncset.done $0x0  }
0xfd: {  	s6 =	simm.s32 @p0 $0x4;
	[sflag:s12] =	ssyncadd.s32 $0xFFFFE000  }
0xfe: {  	_ =	swait.ge @p0 [sflag:s6], $0x2000  }
0xff: {  	[sflag:s6] =	ssyncset.done @p0 $0x0  }
0x100: {  	s11 =	sadd.s32 @p0 $0x2980, s9;
	[sflag:s6] =	ssyncadd.s32 @p0 $0xFFFFE000;
	s6 =	simm.s32 @p0 $0xB000  }
0x101: {  	[spmem:s2] =	stream.indirect.scatter.add.bf16 @p0 [tilespmem:s6], [sflag:$0x9], $0x40, s11, s3, $0xb8;
	[tilespmem:$0x1F000] =	vst v63  }
0x102: {  	_ =	swait.ge @p0 [sflag:s8], $0x2000  }
0x103: {  	[sflag:s8] =	ssyncset.done @p0 $0x0  }
0x104: {  	s6 =	sadd.s32 @!p0 $0x500, s5;
	s11 =	simm.s32 @!p0 $0x9000;
	[sflag:s8] =	ssyncadd.s32 @p0 $0xFFFFE000  }
0x105: {  	[tilespmem:s11], [sflag:$0x3] =	stream.indirect.gather @!p0 [hbm4b:s4+s7], $0x40, s6, s7, $0xb8;
	[tilespmem:$0x1F000] =	vst v63  }
0x106: {  	s6 =	simm.s32 @!p0 $0x4  }
0x107: {  	_ =	swait.ge @!p0 [sflag:s6], $0x2000  }
0x108: {  	[sflag:s6] =	ssyncset.done @!p0 $0x0  }
0x109: {  	s11 =	sadd.s32 @!p0 $0x2980, s5;
	[sflag:s6] =	ssyncadd.s32 @!p0 $0xFFFFE000;
	s6 =	simm.s32 @!p0 $0xB000  }
0x10a: {  	[spmem:s2] =	stream.indirect.scatter.add.bf16 @!p0 [tilespmem:s6], [sflag:$0x9], $0x40, s11, s7, $0xb8;
	[tilespmem:$0x1F000] =	vst v63  }
0x10b: {  	_ =	swait.ge @!p0 [sflag:s10], $0x2000  }
0x10c: {  	[sflag:s10] =	ssyncset.done @!p0 $0x0  }
0x10d: {  	s11 =	sadd.s32 @!p0 $0x580, s5;
	[sflag:s10] =	ssyncadd.s32 @!p0 $0xFFFFE000  }
0x10e: {  	[tilespmem:s6], [sflag:$0x4] =	stream.indirect.gather @!p0 [hbm4b:s4+s7], $0x40, s11, s7, $0xb8;
	[tilespmem:$0x1F000] =	vst v63  }
0x10f: {  	_ =	swait.ge [sflag:s31], $0x2000  }
0x110: {  	[sflag:s31] =	ssyncset.done $0x0  }
0x111: {  	s17 =	sadd.s32 $0x2A00, s16;
	s18 =	simm.s32 $0xD000;
	[sflag:s31] =	ssyncadd.s32 $0xFFFFE000  }
0x112: {  	[spmem:s2] =	stream.indirect.scatter.add.bf16 [tilespmem:s18], [sflag:$0x9], $0x40, s17, s14, $0xb8;
	[tilespmem:$0x1F000] =	vst v63  }
0x113: {  	_ =	swait.ge [sflag:s12], $0x2000  }
0x114: {  	[sflag:s12] =	ssyncset.done $0x0  }
0x115: {  	s6 =	simm.s32 @p0 $0x6;
	[sflag:s12] =	ssyncadd.s32 $0xFFFFE000  }
0x116: {  	_ =	swait.ge @p0 [sflag:s6], $0x2000  }
0x117: {  	[sflag:s6] =	ssyncset.done @p0 $0x0  }
0x118: {  	s9 =	sadd.s32 @p0 $0x2A80, s9;
	[sflag:s6] =	ssyncadd.s32 @p0 $0xFFFFE000;
	s6 =	simm.s32 @p0 $0xF000  }
0x119: {  	[spmem:s2] =	stream.indirect.scatter.add.bf16 @p0 [tilespmem:s6], [sflag:$0x9], $0x40, s9, s3, $0xb8;
	[tilespmem:$0x1F000] =	vst v63  }
0x11a: {  	_ =	swait.ge @p0 [sflag:s8], $0x2000  }
0x11b: {  	[sflag:s8] =	ssyncset.done @p0 $0x0  }
0x11c: {  	s3 =	sadd.s32 @!p0 $0x600, s5;
	s6 =	simm.s32 @!p0 $0xD000;
	[sflag:s8] =	ssyncadd.s32 @p0 $0xFFFFE000  }
0x11d: {  	[tilespmem:s6], [sflag:$0x5] =	stream.indirect.gather @!p0 [hbm4b:s4+s7], $0x40, s3, s7, $0xb8;
	[tilespmem:$0x1F000] =	vst v63  }
0x11e: {  	s3 =	simm.s32 @!p0 $0x6  }
0x11f: {  	_ =	swait.ge @!p0 [sflag:s3], $0x2000  }
0x120: {  	[sflag:s3] =	ssyncset.done @!p0 $0x0  }
0x121: {  	s6 =	sadd.s32 @!p0 $0x2A80, s5;
	[sflag:s3] =	ssyncadd.s32 @!p0 $0xFFFFE000;
	s3 =	simm.s32 @!p0 $0xF000  }
0x122: {  	[spmem:s2] =	stream.indirect.scatter.add.bf16 @!p0 [tilespmem:s3], [sflag:$0x9], $0x40, s6, s7, $0xb8;
	[tilespmem:$0x1F000] =	vst v63  }
0x123: {  	_ =	swait.ge @!p0 [sflag:s10], $0x2000  }
0x124: {  	[sflag:s10] =	ssyncset.done @!p0 $0x0  }
0x125: {  	s6 =	sadd.s32 @!p0 $0x680, s5;
	[sflag:s10] =	ssyncadd.s32 @!p0 $0xFFFFE000  }
0x126: {  	[tilespmem:s3], [sflag:$0x6] =	stream.indirect.gather @!p0 [hbm4b:s4+s7], $0x40, s6, s7, $0xb8;
	[tilespmem:$0x1F000] =	vst v63  }
0x127: {  	_ =	swait.ge [sflag:s0], $0x2000  }
0x128: {  	[sflag:s0] =	ssyncset.done $0x0  }
0x129: {  	s20 =	simm.s32 $0x11000;
	s19 =	sadd.s32 $0x2B00, s16;
	[sflag:s0] =	ssyncadd.s32 $0xFFFFE000  }
0x12a: {  	[spmem:s2] =	stream.indirect.scatter.add.bf16 [tilespmem:s20], [sflag:$0x9], $0x40, s19, s14, $0xb8;
	[tilespmem:$0x1F000] =	vst v63  }
0x12b: {  	_ =	swait.ge [sflag:s12], $0x2000  }
0x12c: {  	[sflag:s12] =	ssyncset.done $0x0  }
0x12d: {  	s3 =	sadd.s32 @!p0 $0x700, s5;
	s5 =	simm.s32 @!p0 $0x11000;
	[sflag:s12] =	ssyncadd.s32 $0xFFFFE000  }
0x12e: {  	[tilespmem:s5], [sflag:$0x7] =	stream.indirect.gather @!p0 [hbm4b:s4+s7], $0x40, s3, s7, $0xb8;
	[tilespmem:$0x1F000] =	vst v63  }
0x12f: {  	_ =	swait.ge [sflag:s1], $0x2000  }
0x130: {  	[sflag:s1] =	ssyncset.done $0x0  }
0x131: {  	s21 =	sadd.s32 $0x2B80, s16;
	[sflag:s1] =	ssyncadd.s32 $0xFFFFE000  }
0x132: {  	[spmem:s2] =	stream.indirect.scatter.add.bf16 [tilespmem:s28], [sflag:$0x9], $0x40, s21, s14, $0xb8;
	[tilespmem:$0x1F000] =	vst v63  }
0x133: {  	_ =	swait.ge [sflag:s12], $0x2000  }
0x134: {  	[sflag:s12] =	ssyncset.done $0x0  }
0x135: {  	[sflag:s12] =	ssyncadd.s32 $0xFFFFE000  }
0x136: {  	[bflag:$0x0] =	sbarrier.arrive $0xFFFF  }
0x137: {  	s7 =	rddreg [dreg:$0x5]  }
0x138: {  	s23 =	rddreg [dreg:$0x8]  }
0x139: {  	s5 =	rddreg [dreg:$0xa]  }
0x13a: {  	[hbm:s23], [sflag:s7] =	dma.local [spmem:s5], $0x1400  }
0x13b: {  	_ =	swait.ge [sflag:s12], $0x1400  }
0x13c: {  	s24 =	rddreg [dreg:$0xb]  }
0x13d: {  	s25 =	rddreg [dreg:$0x9];
	s6 =	sadd.s32 $0x1, s24  }
0x13e: {  	p0 =	sne.s32 s6, s25  }
.Ltmp1:
0x13f: {  	_ = 	snop;
	(pc) =	sbr.rel @p0 .LBB2_1-.Ltmp1, $3  }
0x140: {  	_ =	sdelay $0x1  }
0x141: {  	[sflag:s12] =	ssyncset.done $0x0  }
0x142: {  	[sflag:s12] =	ssyncadd.s32 $0xFFFFEC00  }
0x143: {  	_ =	sfence.sel $0x180000  }
0x144: {  	[bflag:$0x0] =	sbarrier.arrive $0xFFFF  }
0x145: {  	_ =	strace $0x9000004A  }
0x146: {  	s0 =	stileid.u32;
	[bflag:$0x2] =	sbarrier.arrive $0xFFFF  }
0x147: {  	p0 =	sne.s32 s0, $0x0;
	s0 =	rddreg [dreg:$0x3]  }
0x148: {  	s0 =	sadd.s32 @!p0 $0x100000, s0  }
0x149: {  	[sflag:s0] =	ssyncadd.tile.s32 @!p0 $0x1;
	_ =	shalt  }
.Lfunc_end2:
_tile_overlayer_lowered:
.L_overlay_start_2:
0x14a: {  	(tag) =	ssettag $0x2  }
0x14b: {  	s0 =	rddreg [dreg:$0x0];
	s2 =	stileid.u32  }
0x14c: {  	s1 =	rddreg [dreg:$0x1];
	p0 =	sne.s32 s2, $0x0  }
0x14d: {  	s3 =	rddreg [dreg:$0x2];
	[bflag:$0x3] =	sbarrier.arrive $0xFFFF;
	s2 =	simm.s32 @!p0 $0x1C09  }
0x14e: {  	[timem:s3], [sflag:s2] =	dma.local @!p0 [hbm:s0], s1  }
0x14f: {  	s0 =	simm.s32 @!p0 $0x9  }
0x150: {  	_ =	swait.ge @!p0 [sflag:s0], s1  }
0x151: {  	s1 =	ssub.s32 @!p0 $0x0, s1;
	[sflag:s0] =	ssyncset.done @!p0 $0x0  }
0x152: {  	[sflag:s0] =	ssyncadd.s32 @!p0 s1  }
0x153: {  	[bflag:$0x3] =	sbarrier.arrive $0xFFFF  }
0x154: {  	_ =	shalt  }

// kernel: kernel.14.cloned.1.call-start
scs
__scs_entry_jumppad:
0x0: {  	(pc) =	sbr.rel $0x88, $3  }
0x1: {  	(tag) =	ssettag $0x0;
	lr =	simm.s32 $0x1  }
0x2: {  	[smem:$0x3F9B] =	sst lr;
	_ =	strace $0xD0000000  }
0x3: {  	_ = 	snop  }
0x4: {  	_ = 	snop  }
0x5: {  	_ = 	snop  }
0x6: {  	_ = 	snop  }
0x7: {  	_ = 	snop  }
__scs_overlays_trampoline_lowered:
0x8: {  	[smem:$0x3FAA] =	sst s0  }
0x9: {  	[smem:$0x3FAB] =	sst s1  }
0xa: {  	[smem:$0x3FAC] =	sst s2  }
0xb: {  	[smem:$0x3FAD] =	sst s3  }
0xc: {  	[smem:$0x3FAE] =	sst s4  }
0xd: {  	[smem:$0x3FAF] =	sst s5  }
0xe: {  	[smem:$0x3FB0] =	sst s6  }
0xf: {  	[smem:$0x3FB1] =	sst s7  }
0x10: {  	[smem:$0x3FB2] =	sst s8  }
0x11: {  	[smem:$0x3FB3] =	sst s9;
	s0 =	simm.s32 @!p0 $0x0  }
0x12: {  	s1 =	sld [smem:$0x3F99];
	s0 =	simm.s32 @p0 $0x1  }
0x13: {  	[smem:$0x3FB4] =	sst s0;
	s0 =	simm.s32 @!p1 $0x0  }
0x14: {  	s2 =	sld [smem:$0x3F98];
	s0 =	simm.s32 @p1 $0x1  }
0x15: {  	[smem:$0x3FB5] =	sst s0;
	s0 =	simm.s32 @!p2 $0x0  }
0x16: {  	s3 =	sld [smem:$0x3FDB];
	s0 =	simm.s32 @p2 $0x1  }
0x17: {  	s4 =	simm.s32 $0x1BF5;
	[smem:$0x3FB7] =	sst s0  }
0x18: {  	s0 =	sld [smem:$0x3F9A];
	_ =	swait.ge [sflag:s4], $0x0  }
0x19: {  	s7 =	sld [smem:$0x3F9B]  }
0x1a: {  	s8 =	sadd.s32 $0xFFFFE003, lr  }
0x1b: {  	s9 =	sadd.s32 $0xFFFFFEF7, lr;
	s5 =	simm.s32 $0xFFFFFFFF;
	p2 =	slt.u32 s8, $0xFFFFF086  }
0x1c: {  	p1 =	slt.u32 s9, $0xF7A;
	s5 =	simm.s32 @!p2 $0x0  }
0x1d: {  	s5 =	simm.s32 @p1 $0x1;
	p0 =	seq.s32 s7, s2  }
0x1e: {  	s7 =	smul.u32 @!p0 $0xF7A, s2;
	p2 =	seq.s32 @!p0 s5, $0x0  }
0x1f: {  	s9 =	smul.u32 $0xF7A, s1;
	s8 =	simm.s32 @!p0 $0x1BF5;
	p2 =	por !p2, p0  }
0x20: {  	[sflag:s8] =	ssyncset.s32 @!p0 $0xFFFFF086;
	s6 =	sadd.s32 @!p0 s3, s7;
	s7 =	simm.s32 @!p0 $0x108  }
0x21: {  	s3 =	sadd.s32 s3, s9;
	s6 =	sadd.s32 @!p0 $0x88, s6;
	s7 =	simm.s32 @p2 $0x1082  }
0x22: {  	[simem:s7], [sflag:s8] =	dma.local @!p0 [hbm:s6], $0xF7A  }
0x23: {  	s9 =	sor.u32 $0xD0000000, s2;
	s6 =	simm.s32 $0x108;
	_ =	swait.ge @!p0 [sflag:s8], $0x0  }
0x24: {  	s3 =	sadd.s32 $0x88, s3;
	s6 =	simm.s32 @!p1 $0x1082;
	[sflag:s4] =	ssyncset.s32 $0xFFFFF086  }
0x25: {  	[simem:s6], [sflag:s4] =	dma.local [hbm:s3], $0xF7A  }
0x26: {  	[smem:$0x3F9B] =	sst s1;
	(tag) =	ssettag s2;
	_ =	strace s9  }
0x27: {  	s1 =	sld [smem:$0x3FAB]  }
0x28: {  	s2 =	sld [smem:$0x3FAC]  }
0x29: {  	s4 =	sld [smem:$0x3FAE]  }
0x2a: {  	p0 =	seq.s32 s5, $0x0;
	s5 =	sld [smem:$0x3FAF]  }
0x2b: {  	s6 =	sld [smem:$0x3FB0]  }
0x2c: {  	s7 =	sld [smem:$0x3FB1]  }
0x2d: {  	s3 =	simm.s32 $0x108;
	s8 =	sld [smem:$0x3FB2]  }
0x2e: {  	s3 =	simm.s32 @!p0 $0x1082;
	s9 =	sld [smem:$0x3FB3]  }
0x2f: {  	lr =	sadd.s32 s0, s3;
	s0 =	sld [smem:$0x3FAA]  }
0x30: {  	s3 =	sld [smem:$0x3FAD]  }
0x31: {  	[smem:$0x3FB6] =	sst s10  }
0x32: {  	s10 =	sld [smem:$0x3FB4];
	_ =	sdelay $0x3  }
0x33: {  	p0 =	seq.s32 s10, $0x1;
	s10 =	sld [smem:$0x3FB6];
	_ =	sdelay $0x3  }
0x34: {  	[smem:$0x3FB6] =	sst s10  }
0x35: {  	s10 =	sld [smem:$0x3FB5];
	_ =	sdelay $0x3  }
0x36: {  	p1 =	seq.s32 s10, $0x1;
	s10 =	sld [smem:$0x3FB6];
	_ =	sdelay $0x3  }
0x37: {  	[smem:$0x3FB6] =	sst s10  }
0x38: {  	s10 =	sld [smem:$0x3FB7]  }
0x39: {  	_ = 	snop;
	(pc) =	sbr.ind lr, $3  }
0x3a: {  	_ = 	snop  }
0x3b: {  	_ = 	snop  }
0x3c: {  	p2 =	seq.s32 s10, $0x1;
	s10 =	sld [smem:$0x3FB6]  }
0x3d: {  	_ =	shalt  }
0x3e: {  	_ =	shalt  }
0x3f: {  	_ =	shalt  }
0x40: {  	_ =	shalt  }
0x41: {  	_ =	shalt  }
0x42: {  	_ =	shalt  }
0x43: {  	_ =	shalt  }
0x44: {  	_ =	shalt  }
0x45: {  	_ =	shalt  }
0x46: {  	_ =	shalt  }
0x47: {  	_ =	shalt  }
0x48: {  	_ =	shalt  }
0x49: {  	_ =	shalt  }
0x4a: {  	_ =	shalt  }
0x4b: {  	_ =	shalt  }
0x4c: {  	_ =	shalt  }
0x4d: {  	_ =	shalt  }
0x4e: {  	_ =	shalt  }
0x4f: {  	_ =	shalt  }
0x50: {  	_ =	shalt  }
0x51: {  	_ =	shalt  }
0x52: {  	_ =	shalt  }
0x53: {  	_ =	shalt  }
0x54: {  	_ =	shalt  }
0x55: {  	_ =	shalt  }
0x56: {  	_ =	shalt  }
0x57: {  	_ =	shalt  }
0x58: {  	_ =	shalt  }
0x59: {  	_ =	shalt  }
0x5a: {  	_ =	shalt  }
0x5b: {  	_ =	shalt  }
0x5c: {  	_ =	shalt  }
0x5d: {  	_ =	shalt  }
0x5e: {  	_ =	shalt  }
0x5f: {  	_ =	shalt  }
0x60: {  	_ =	shalt  }
0x61: {  	_ =	shalt  }
0x62: {  	_ =	shalt  }
0x63: {  	_ =	shalt  }
0x64: {  	_ =	shalt  }
0x65: {  	_ =	shalt  }
0x66: {  	_ =	shalt  }
0x67: {  	_ =	shalt  }
0x68: {  	_ =	shalt  }
0x69: {  	_ =	shalt  }
0x6a: {  	_ =	shalt  }
0x6b: {  	_ =	shalt  }
0x6c: {  	_ =	shalt  }
0x6d: {  	_ =	shalt  }
0x6e: {  	_ =	shalt  }
0x6f: {  	_ =	shalt  }
0x70: {  	_ =	shalt  }
0x71: {  	_ =	shalt  }
0x72: {  	_ =	shalt  }
0x73: {  	_ =	shalt  }
0x74: {  	_ =	shalt  }
0x75: {  	_ =	shalt  }
0x76: {  	_ =	shalt  }
0x77: {  	_ =	shalt  }
0x78: {  	_ =	shalt  }
0x79: {  	_ =	shalt  }
0x7a: {  	_ =	shalt  }
0x7b: {  	_ =	shalt  }
0x7c: {  	_ =	shalt  }
0x7d: {  	_ =	shalt  }
0x7e: {  	_ =	shalt  }
0x7f: {  	_ =	shalt  }
0x80: {  	_ =	shalt  }
0x81: {  	_ =	shalt  }
0x82: {  	_ =	shalt  }
0x83: {  	_ =	shalt  }
0x84: {  	_ =	shalt  }
0x85: {  	_ =	shalt  }
0x86: {  	_ =	shalt  }
0x87: {  	_ =	shalt  }
.Lfunc_end0:
.L_simem_size_0:
called_computation.2_lowered:
.L_overlay_start_0:
0x88: {  	s2 =	sld [smem:$0x3FD9]  }
0x89: {  	s3 =	sld [smem:$0x3FFE];
	_ =	sdelay $0x1  }
0x8a: {  	s1 =	srdreg.scid  }
0x8b: {  	s0 =	sand.u32 $0x1, s1  }
0x8c: {  	s17 =	sshll.u32 s0, $0xA;
	s2 =	sadd.s32 s3, s2  }
0x8d: {  	s2 =	sadd.s32 s2, s17  }
0x8e: {  	[smem:$0x3FC2] =	sst s2  }
0x8f: {  	_ = 	snop  }
0x90: {  	s2 =	sld [smem:$0x3FD0];
	(tm) =	ssettm $0x1  }
0x91: {  	s18 =	sld [smem:$0x3FFB];
	_ =	sdelay $0x3  }
0x92: {  	_ =	strace s18  }
0x93: {  	s3 =	sld [smem:$0x3FFC];
	_ =	sdelay $0x3  }
0x94: {  	_ =	strace s3  }
0x95: {  	s3 =	sld [smem:$0x3FFD];
	_ =	sdelay $0x3  }
0x96: {  	_ =	strace s3  }
0x97: {  	_ =	strace $0x8FFFFFFF  }
0x98: {  	s19 =	sld [smem:$0x3FDB];
	_ =	sdelay $0x1  }
0x99: {  	s4 =	simm.s32 $_scs_section_size  }
0x9a: {  	s5 =	simm.s32 $_size__tile_overlayer_lowered;
	s6 =	simm.s32 $_tile_overlayer_lowered  }
0x9b: {  	s22 =	simm.s32 $0x1BFF;
	s21 =	sshll.u32 s6, $0x1;
	s3 =	sadd.s32 s4, s19  }
0x9c: {  	s7 =	simm.s32 $0x0;
	s20 =	sshll.u32 s5, $0x1;
	s5 =	sadd.s32 s21, s3  }
0x9d: {  	[timem:s7], [sflag:s22] =	dma.local [hbm:s5], s20  }
0x9e: {  	_ =	swait.ge [sflag:s22], s20  }
0x9f: {  	s4 =	ssub.s32 $0x0, s20;
	[sflag:s22] =	ssyncset.done $0x0  }
0xa0: {  	[sflag:s22] =	ssyncadd.s32 s4;
	_ =	sdelay $0x1  }
0xa1: {  	s23 =	simm.s32 $0x1B8B  }
0xa2: {  	_ =	swait.ge [sflag:s23], $0x1  }
0xa3: {  	[sflag:s23] =	ssyncset.done $0x0  }
0xa4: {  	s25 =	simm.s32 $0x1B8E;
	s24 =	sld [smem:$0x3FFE];
	[sflag:s23] =	ssyncadd.s32 $0xFFFFFFFF  }
0xa5: {  	s26 =	simm.s32 $execute0_lowered;
	[smem:$0x3FD2] =	sst s25  }
0xa6: {  	s5 =	sshll.u32 s26, $0x1;
	_ =	strace $0x8000004C;
	[dreg:$0x1] =	wrdreg $0xFFFFFFFF  }
0xa7: {  	s28 =	simm.s32 $_size_execute0_lowered;
	s3 =	sadd.s32 s3, s5;
	[dreg:$0x0] =	wrdreg $0x0  }
0xa8: {  	s5 =	sshll.u32 s28, $0x1;
	[dreg:$0x2] =	wrdreg s3  }
0xa9: {  	[dreg:$0x3] =	wrdreg s5  }
0xaa: {  	[dreg:$0x4] =	wrdreg $0xC0  }
0xab: {  	_ =	task [dreg:s7], $0x5FFFF  }
0xac: {  	[dreg:$0x1] =	wrdreg $0xFFFFFFFF  }
0xad: {  	[dreg:$0x0] =	wrdreg $0x60  }
0xae: {  	[dreg:$0x2] =	wrdreg s24  }
0xaf: {  	[dreg:$0x3] =	wrdreg s2  }
0xb0: {  	[dreg:$0x4] =	wrdreg $0xD0000  }
0xb1: {  	[dreg:$0x5] =	wrdreg $0x9  }
0xb2: {  	_ =	task.clear_ibuf [dreg:s7], $0x6FFFF;
	_ =	strace $0x9000004C  }
0xb3: {  	s29 =	simm.s32 $0x9;
	_ =	strace $0x8000004E  }
0xb4: {  	_ =	swait.ge [sflag:s29], $0x1  }
0xb5: {  	[sflag:s29] =	ssyncadd.s32 $0xFFFFFFFF  }
0xb6: {  	_ =	strace $0x9000004E  }
0xb7: {  	_ =	sfence  }
0xb8: {  	s30 =	sld [smem:$0x0];
	_ =	sdelay $0x2  }
0xb9: {  	s31 =	sshll.u32 s1, $0xD;
	s1 =	sshrl.u32 s1, $0x2  }
0xba: {  	s3 =	sand.u32 $0x4000, s31;
	s1 =	sadd.s32 s1, s30  }
0xbb: {  	s0 =	sor.u32 s3, s0;
	s1 =	sshll.u32 s1, $0x11  }
0xbc: {  	s0 =	sor.u32 s1, s0  }
0xbd: {  	s0 =	sadd.s32 $0x8F2B, s0  }
0xbe: {  	[sflag:s0] =	ssyncadd.remote.s32 $0x1  }
0xbf: {  	_ =	sfence.sel $0xFFFF  }
0xc0: {  	[dreg:$0x0] =	wrdreg $0xFFFFFFFF;
	(pc) =	sbr.abs _section_cstart, $3  }
0xc1: {  	[dreg:$0x1] =	wrdreg $0xFFFFFFFF  }
0xc2: {  	_ =	task.clear_ibuf [dreg:s7], $0x2FFFF;
	_ =	strace $0x9FFFFFFF  }
0xc3: {  	(tm) =	ssettm $0x7FFFFFFF  }
tec
execute0_lowered:
.L_overlay_start_1:
0x0: {  	(tag) =	ssettag $0x1  }
0x1: {  	s0 =	rddreg [dreg:$0x0]  }
0x2: {  	s1 =	rddreg [dreg:$0x1]  }
0x3: {  	s2 =	rddreg [dreg:$0x2]  }
0x4: {  	s10 =	stileid.u32;
	s5 =	simm.s32 $0x0;
	s3 =	srdreg.scid  }
0x5: {  	s12 =	simm.s32 $0x9;
	s14 =	simm.s32 $0x80;
	s28 =	simm.s32 $0xC000  }
0x6: {  	s29 =	simm.s32 $0x1;
	s30 =	simm.s32 $0x3;
	s31 =	simm.s32 $0x5  }
0x7: {  	s4 =	smul.u32 $0x2800, s10;
	[smem:$0x7FF] =	sst s5;
	s3 =	sand.u32 $0x1, s3  }
0x8: {  	s6 =	smul.u32 $0xA000, s10;
	s24 =	sshll.u32 s10, $0x6;
	p0 =	seq.s32 s3, $0x0  }
0x9: {  	s7 =	smul.u32 $0xA0000, s3;
	_ =	strace $0x8000004D;
	s3 =	ssub.s32 $0x2, s3  }
0xa: {  	s5 =	sadd.s32 $0x28000, s4;
	s9 =	sshrl.u32 s6, $0x4;
	s23 =	sshrl.u32 s3, $0x1  }
0xb: {  	s5 =	smov.u32 @p0 s4;
	s4 =	sadd.s32 $0x15800, s0;
	s7 =	sadd.s32 s6, s7  }
0xc: {  	s9 =	sadd.s32 s9, s0;
	s3 =	ssub.s32 s3, s23;
	s6 =	sshrl.u32 s6, $0x1  }
0xd: {  	s5 =	sshrl.u32 s5, $0x3;
	s7 =	sshrl.u32 s7, $0x4;
	s9 =	sadd.s32 $0xB800, s9  }
0xe: {  	s6 =	sadd.s32 s6, s2;
	s26 =	smax.u32 s3, $0x1;
	[dreg:$0x4] =	wrdreg s9  }
0xf: {  	s8 =	sadd.s32 s5, s0;
	s1 =	sadd.s32 s1, s5;
	[dreg:$0x9] =	wrdreg s26  }
0x10: {  	s0 =	sadd.s32 s7, s0;
	s7 =	sor.u32 $0x1C09, s24;
	[dreg:$0x6] =	wrdreg s1  }
0x11: {  	s22 =	simm.s32 $0x5000;
	s5 =	sshrl.u32 s6, $0x3;
	[dreg:$0x5] =	wrdreg s7  }
0x12: {  	s6 =	simm.s32 $0x0;
	s25 =	sadd.s32 $0x1800, s8;
	[dreg:$0xa] =	wrdreg s5  }
0x13: {  	s26 =	simm.s32 $0x7000;
	s0 =	sadd.s32 $0x1F800, s0;
	[dreg:$0x7] =	wrdreg s25  }
0x14: {  	s1 =	simm.s32 $0x8;
	[dreg:$0x8] =	wrdreg s0;
	s0 =	simm.s32 $0x7  }
.LBB2_1:
0x15: {  	[dreg:$0xb] =	wrdreg s6  }
0x16: {  	s3 =	rddreg [dreg:$0x4]  }
0x17: {  	[spmem:s5], [sflag:s7] =	dma.local [hbm:s3], $0xA00  }
0x18: {  	_ =	swait.ge [sflag:s12], $0xA00  }
0x19: {  	[sflag:s12] =	ssyncset.done $0x0  }
0x1a: {  	s21 =	simm.s32 $0x0;
	s23 =	rddreg [dreg:$0x6];
	[sflag:s12] =	ssyncadd.s32 $0xFFFFF600  }
0x1b: {  	[tilespmem:s21], [sflag:$0x9] =	stream.linear.gather [hbm4b:s23+s21], $0x2800, $0x38;
	[tilespmem:$0x12000] =	vst v63  }
0x1c: {  	_ =	swait.ge [sflag:s12], $0x2800  }
0x1d: {  	[sflag:s12] =	ssyncset.done $0x0  }
0x1e: {  	s25 =	simm.s32 $0x2800;
	s24 =	rddreg [dreg:$0x7];
	[sflag:s12] =	ssyncadd.s32 $0xFFFFD800  }
0x1f: {  	[tilespmem:s25], [sflag:$0x9] =	stream.linear.gather [hbm4b:s24+s21], $0x2800, $0x38;
	[tilespmem:$0x12000] =	vst v63  }
0x20: {  	_ =	swait.ge [sflag:s12], $0x2800  }
0x21: {  	[sflag:s12] =	ssyncset.done $0x0  }
0x22: {  	[sflag:s12] =	ssyncadd.s32 $0xFFFFD800  }
0x23: {  	s7 =	simm.s32 $0x5000;
	[bflag:$0x0] =	sbarrier.arrive $0xFFFF  }
0x24: {  	[tilespmem:s7], [sflag:$0x1] =	stream.indirect.gather [hbm4b:s4+s14], $0x20, s21, s14, $0xb8;
	[tilespmem:$0x12000] =	vst v63  }
0x25: {  	s8 =	simm.s32 $0x6000  }
0x26: {  	[tilespmem:s8], [sflag:$0x2] =	stream.indirect.gather [hbm4b:s4+s14], $0x20, s14, s14, $0xb8;
	[tilespmem:$0x12000] =	vst v63  }
0x27: {  	s9 =	simm.s32 $0x100;
	s10 =	simm.s32 $0x7000  }
0x28: {  	[tilespmem:s10], [sflag:$0x3] =	stream.indirect.gather [hbm4b:s4+s14], $0x20, s9, s14, $0xb8;
	[tilespmem:$0x12000] =	vst v63  }
0x29: {  	s11 =	simm.s32 $0x180;
	s13 =	simm.s32 $0x8000  }
0x2a: {  	[tilespmem:s13], [sflag:$0x4] =	stream.indirect.gather [hbm4b:s4+s14], $0x20, s11, s14, $0xb8;
	[tilespmem:$0x12000] =	vst v63  }
0x2b: {  	s15 =	simm.s32 $0x200;
	s11 =	simm.s32 $0x9000  }
0x2c: {  	[tilespmem:s11], [sflag:$0x5] =	stream.indirect.gather [hbm4b:s4+s14], $0x20, s15, s14, $0xb8;
	[tilespmem:$0x12000] =	vst v63  }
0x2d: {  	s16 =	simm.s32 $0x280;
	s17 =	simm.s32 $0xA000  }
0x2e: {  	[tilespmem:s17], [sflag:$0x6] =	stream.indirect.gather [hbm4b:s4+s14], $0x20, s16, s14, $0xb8;
	[tilespmem:$0x12000] =	vst v63  }
0x2f: {  	s18 =	simm.s32 $0x300;
	s13 =	simm.s32 $0xB000  }
0x30: {  	[tilespmem:s13], [sflag:$0x7] =	stream.indirect.gather [hbm4b:s4+s14], $0x20, s18, s14, $0xb8;
	[tilespmem:$0x12000] =	vst v63  }
0x31: {  	s19 =	simm.s32 $0x380  }
0x32: {  	[tilespmem:s28], [sflag:$0x8] =	stream.indirect.gather [hbm4b:s4+s14], $0x20, s19, s14, $0xb8;
	[tilespmem:$0x12000] =	vst v63  }
0x33: {  	_ =	swait.ge [sflag:s29], $0x1000  }
0x34: {  	[sflag:s29] =	ssyncset.done $0x0  }
0x35: {  	s20 =	simm.s32 $0x2800;
	[sflag:s29] =	ssyncadd.s32 $0xFFFFF000  }
0x36: {  	[spmem:s2] =	stream.indirect.scatter.add.bf16 [tilespmem:s7], [sflag:$0x9], $0x20, s20, s14, $0xb8;
	[tilespmem:$0x12000] =	vst v63  }
0x37: {  	_ =	swait.ge [sflag:s12], $0x1000  }
0x38: {  	p0 =	por $0x0, $0x0;
	[sflag:s12] =	ssyncset.done $0x0  }
0x39: {  	s3 =	simm.s32 @p0 $0x2;
	[sflag:s12] =	ssyncadd.s32 $0xFFFFF000  }
0x3a: {  	_ =	swait.ge @p0 [sflag:s3], $0x1000  }
0x3b: {  	s5 =	simm.s32 @p0 $0x2880;
	s6 =	simm.s32 @p0 $0x6000;
	[sflag:s3] =	ssyncset.done @p0 $0x0  }
0x3c: {  	s7 =	simm.s32 @p0 $0x9;
	[sflag:s3] =	ssyncadd.s32 @p0 $0xFFFFF000;
	s3 =	simm.s32 @p0 $0x80  }
0x3d: {  	[spmem:s2] =	stream.indirect.scatter.add.bf16 @p0 [tilespmem:s6], [sflag:$0x9], $0x20, s5, s3, $0xb8;
	[tilespmem:$0x12000] =	vst v63  }
0x3e: {  	_ =	swait.ge @p0 [sflag:s7], $0x1000  }
0x3f: {  	s8 =	simm.s32 @!p0 $0x2;
	s9 =	simm.s32 @!p0 $0x5000;
	[sflag:s7] =	ssyncset.done @p0 $0x0  }
0x40: {  	s6 =	simm.s32 @!p0 $0x400;
	s5 =	simm.s32 @!p0 $0x80;
	[sflag:s7] =	ssyncadd.s32 @p0 $0xFFFFF000  }
0x41: {  	[tilespmem:s9], [sflag:$0x1] =	stream.indirect.gather @!p0 [hbm4b:s4+s5], $0x20, s6, s5, $0xb8;
	[tilespmem:$0x12000] =	vst v63  }
0x42: {  	_ =	swait.ge @!p0 [sflag:s8], $0x1000  }
0x43: {  	s6 =	simm.s32 @!p0 $0x2880;
	[sflag:s8] =	ssyncset.done @!p0 $0x0  }
0x44: {  	s9 =	simm.s32 @!p0 $0x6000;
	[sflag:s8] =	ssyncadd.s32 @!p0 $0xFFFFF000;
	s8 =	simm.s32 @!p0 $0x9  }
0x45: {  	[spmem:s2] =	stream.indirect.scatter.add.bf16 @!p0 [tilespmem:s9], [sflag:$0x9], $0x20, s6, s5, $0xb8;
	[tilespmem:$0x12000] =	vst v63  }
0x46: {  	_ =	swait.ge @!p0 [sflag:s8], $0x1000  }
0x47: {  	[sflag:s8] =	ssyncset.done @!p0 $0x0  }
0x48: {  	s6 =	simm.s32 @!p0 $0x480;
	[sflag:s8] =	ssyncadd.s32 @!p0 $0xFFFFF000  }
0x49: {  	[tilespmem:s9], [sflag:$0x2] =	stream.indirect.gather @!p0 [hbm4b:s4+s5], $0x20, s6, s5, $0xb8;
	[tilespmem:$0x12000] =	vst v63  }
0x4a: {  	_ =	swait.ge [sflag:s30], $0x1000  }
0x4b: {  	[sflag:s30] =	ssyncset.done $0x0  }
0x4c: {  	s21 =	simm.s32 $0x2900;
	[sflag:s30] =	ssyncadd.s32 $0xFFFFF000  }
0x4d: {  	[spmem:s2] =	stream.indirect.scatter.add.bf16 [tilespmem:s10], [sflag:$0x9], $0x20, s21, s14, $0xb8;
	[tilespmem:$0x12000] =	vst v63  }
0x4e: {  	_ =	swait.ge [sflag:s12], $0x1000  }
0x4f: {  	[sflag:s12] =	ssyncset.done $0x0  }
0x50: {  	s6 =	simm.s32 @p0 $0x4;
	[sflag:s12] =	ssyncadd.s32 $0xFFFFF000  }
0x51: {  	_ =	swait.ge @p0 [sflag:s6], $0x1000  }
0x52: {  	[sflag:s6] =	ssyncset.done @p0 $0x0  }
0x53: {  	s9 =	simm.s32 @p0 $0x2980;
	[sflag:s6] =	ssyncadd.s32 @p0 $0xFFFFF000;
	s6 =	simm.s32 @p0 $0x8000  }
0x54: {  	[spmem:s2] =	stream.indirect.scatter.add.bf16 @p0 [tilespmem:s6], [sflag:$0x9], $0x20, s9, s3, $0xb8;
	[tilespmem:$0x12000] =	vst v63  }
0x55: {  	_ =	swait.ge @p0 [sflag:s7], $0x1000  }
0x56: {  	[sflag:s7] =	ssyncset.done @p0 $0x0  }
0x57: {  	s6 =	simm.s32 @!p0 $0x500;
	s9 =	simm.s32 @!p0 $0x7000;
	[sflag:s7] =	ssyncadd.s32 @p0 $0xFFFFF000  }
0x58: {  	[tilespmem:s9], [sflag:$0x3] =	stream.indirect.gather @!p0 [hbm4b:s4+s5], $0x20, s6, s5, $0xb8;
	[tilespmem:$0x12000] =	vst v63  }
0x59: {  	s6 =	simm.s32 @!p0 $0x4  }
0x5a: {  	_ =	swait.ge @!p0 [sflag:s6], $0x1000  }
0x5b: {  	[sflag:s6] =	ssyncset.done @!p0 $0x0  }
0x5c: {  	s9 =	simm.s32 @!p0 $0x2980;
	[sflag:s6] =	ssyncadd.s32 @!p0 $0xFFFFF000;
	s6 =	simm.s32 @!p0 $0x8000  }
0x5d: {  	[spmem:s2] =	stream.indirect.scatter.add.bf16 @!p0 [tilespmem:s6], [sflag:$0x9], $0x20, s9, s5, $0xb8;
	[tilespmem:$0x12000] =	vst v63  }
0x5e: {  	_ =	swait.ge @!p0 [sflag:s8], $0x1000  }
0x5f: {  	[sflag:s8] =	ssyncset.done @!p0 $0x0  }
0x60: {  	s9 =	simm.s32 @!p0 $0x580;
	[sflag:s8] =	ssyncadd.s32 @!p0 $0xFFFFF000  }
0x61: {  	[tilespmem:s6], [sflag:$0x4] =	stream.indirect.gather @!p0 [hbm4b:s4+s5], $0x20, s9, s5, $0xb8;
	[tilespmem:$0x12000] =	vst v63  }
0x62: {  	_ =	swait.ge [sflag:s31], $0x1000  }
0x63: {  	[sflag:s31] =	ssyncset.done $0x0  }
0x64: {  	s23 =	simm.s32 $0x2A00;
	[sflag:s31] =	ssyncadd.s32 $0xFFFFF000  }
0x65: {  	[spmem:s2] =	stream.indirect.scatter.add.bf16 [tilespmem:s11], [sflag:$0x9], $0x20, s23, s14, $0xb8;
	[tilespmem:$0x12000] =	vst v63  }
0x66: {  	_ =	swait.ge [sflag:s12], $0x1000  }
0x67: {  	[sflag:s12] =	ssyncset.done $0x0  }
0x68: {  	s6 =	simm.s32 @p0 $0x6;
	[sflag:s12] =	ssyncadd.s32 $0xFFFFF000  }
0x69: {  	_ =	swait.ge @p0 [sflag:s6], $0x1000  }
0x6a: {  	[sflag:s6] =	ssyncset.done @p0 $0x0  }
0x6b: {  	s9 =	simm.s32 @p0 $0x2A80;
	[sflag:s6] =	ssyncadd.s32 @p0 $0xFFFFF000;
	s6 =	simm.s32 @p0 $0xA000  }
0x6c: {  	[spmem:s2] =	stream.indirect.scatter.add.bf16 @p0 [tilespmem:s6], [sflag:$0x9], $0x20, s9, s3, $0xb8;
	[tilespmem:$0x12000] =	vst v63  }
0x6d: {  	_ =	swait.ge @p0 [sflag:s7], $0x1000  }
0x6e: {  	[sflag:s7] =	ssyncset.done @p0 $0x0  }
0x6f: {  	s3 =	simm.s32 @!p0 $0x600;
	s6 =	simm.s32 @!p0 $0x9000;
	[sflag:s7] =	ssyncadd.s32 @p0 $0xFFFFF000  }
0x70: {  	[tilespmem:s6], [sflag:$0x5] =	stream.indirect.gather @!p0 [hbm4b:s4+s5], $0x20, s3, s5, $0xb8;
	[tilespmem:$0x12000] =	vst v63  }
0x71: {  	s3 =	simm.s32 @!p0 $0x6  }
0x72: {  	_ =	swait.ge @!p0 [sflag:s3], $0x1000  }
0x73: {  	[sflag:s3] =	ssyncset.done @!p0 $0x0  }
0x74: {  	s6 =	simm.s32 @!p0 $0x2A80;
	[sflag:s3] =	ssyncadd.s32 @!p0 $0xFFFFF000;
	s3 =	simm.s32 @!p0 $0xA000  }
0x75: {  	[spmem:s2] =	stream.indirect.scatter.add.bf16 @!p0 [tilespmem:s3], [sflag:$0x9], $0x20, s6, s5, $0xb8;
	[tilespmem:$0x12000] =	vst v63  }
0x76: {  	_ =	swait.ge @!p0 [sflag:s8], $0x1000  }
0x77: {  	[sflag:s8] =	ssyncset.done @!p0 $0x0  }
0x78: {  	s6 =	simm.s32 @!p0 $0x680;
	[sflag:s8] =	ssyncadd.s32 @!p0 $0xFFFFF000  }
0x79: {  	[tilespmem:s3], [sflag:$0x6] =	stream.indirect.gather @!p0 [hbm4b:s4+s5], $0x20, s6, s5, $0xb8;
	[tilespmem:$0x12000] =	vst v63  }
0x7a: {  	_ =	swait.ge [sflag:s0], $0x1000  }
0x7b: {  	[sflag:s0] =	ssyncset.done $0x0  }
0x7c: {  	s24 =	simm.s32 $0x2B00;
	[sflag:s0] =	ssyncadd.s32 $0xFFFFF000  }
0x7d: {  	[spmem:s2] =	stream.indirect.scatter.add.bf16 [tilespmem:s13], [sflag:$0x9], $0x20, s24, s14, $0xb8;
	[tilespmem:$0x12000] =	vst v63  }
0x7e: {  	_ =	swait.ge [sflag:s12], $0x1000  }
0x7f: {  	[sflag:s12] =	ssyncset.done $0x0  }
0x80: {  	s3 =	simm.s32 @!p0 $0x700;
	s6 =	simm.s32 @!p0 $0xB000;
	[sflag:s12] =	ssyncadd.s32 $0xFFFFF000  }
0x81: {  	[tilespmem:s6], [sflag:$0x7] =	stream.indirect.gather @!p0 [hbm4b:s4+s5], $0x20, s3, s5, $0xb8;
	[tilespmem:$0x12000] =	vst v63  }
0x82: {  	_ =	swait.ge [sflag:s1], $0x1000  }
0x83: {  	[sflag:s1] =	ssyncset.done $0x0  }
0x84: {  	s25 =	simm.s32 $0x2B80;
	[sflag:s1] =	ssyncadd.s32 $0xFFFFF000  }
0x85: {  	[spmem:s2] =	stream.indirect.scatter.add.bf16 [tilespmem:s28], [sflag:$0x9], $0x20, s25, s14, $0xb8;
	[tilespmem:$0x12000] =	vst v63  }
0x86: {  	s17 =	simm.s32 $0x2000;
	_ =	swait.ge [sflag:s12], $0x1000  }
0x87: {  	s16 =	simm.s32 $0x400;
	s19 =	simm.s32 $0x1000;
	[sflag:s12] =	ssyncset.done $0x0  }
.LBB2_2:
0x88: {  	s3 =	sadd.s32 $0x380, s16  }
0x89: {  	[sflag:s12] =	ssyncadd.s32 $0xFFFFF000;
	s10 =	smov.u32 s17;
	s17 =	sadd.s32 $0x1000, s17  }
0x8a: {  	[tilespmem:s28], [sflag:$0x8] =	stream.indirect.gather [hbm4b:s4+s14], $0x20, s3, s14, $0xb8;
	[tilespmem:$0x12000] =	vst v63  }
0x8b: {  	p0 =	sne.s32 s17, $0xA000;
	_ =	swait.ge [sflag:s29], $0x1000  }
0x8c: {  	[sflag:s29] =	ssyncset.done $0x0  }
0x8d: {  	s3 =	sadd.s32 $0x2800, s16;
	[sflag:s29] =	ssyncadd.s32 $0xFFFFF000  }
0x8e: {  	[spmem:s2] =	stream.indirect.scatter.add.bf16 [tilespmem:s22], [sflag:$0x9], $0x20, s3, s14, $0xb8;
	[tilespmem:$0x12000] =	vst v63  }
0x8f: {  	_ =	swait.ge [sflag:s12], $0x1000  }
0x90: {  	p1 =	seq.s32 s19, $0x9000;
	[sflag:s12] =	ssyncset.done $0x0  }
0x91: {  	s5 =	sshra.s32 @p1 s19, $0x2;
	s3 =	simm.s32 @p1 $0x2;
	[sflag:s12] =	ssyncadd.s32 $0xFFFFF000  }
0x92: {  	s19 =	sshra.s32 @!p1 s19, $0x2;
	s6 =	sadd.s32 @p1 $0x2880, s5;
	_ =	swait.ge @p1 [sflag:s3], $0x1000  }
0x93: {  	s21 =	simm.s32 @p1 $0x9;
	s7 =	sadd.s32 @!p1 $0x400, s19;
	[sflag:s3] =	ssyncset.done @p1 $0x0  }
0x94: {  	s24 =	simm.s32 @p1 $0x80;
	[sflag:s3] =	ssyncadd.s32 @p1 $0xFFFFF000;
	s3 =	simm.s32 @p1 $0x6000  }
0x95: {  	[spmem:s2] =	stream.indirect.scatter.add.bf16 @p1 [tilespmem:s3], [sflag:$0x9], $0x20, s6, s24, $0xb8;
	[tilespmem:$0x12000] =	vst v63  }
0x96: {  	s8 =	sadd.s32 @!p1 $0x2880, s19;
	s11 =	sadd.s32 @!p1 $0x480, s19;
	_ =	swait.ge @p1 [sflag:s21], $0x1000  }
0x97: {  	s23 =	simm.s32 @!p1 $0x2;
	s13 =	sadd.s32 @p1 $0x2980, s5;
	[sflag:s21] =	ssyncset.done @p1 $0x0  }
0x98: {  	s20 =	simm.s32 @!p1 $0x80;
	s3 =	simm.s32 @!p1 $0x5000;
	[sflag:s21] =	ssyncadd.s32 @p1 $0xFFFFF000  }
0x99: {  	[tilespmem:s3], [sflag:$0x1] =	stream.indirect.gather @!p1 [hbm4b:s4+s20], $0x20, s7, s20, $0xb8;
	[tilespmem:$0x12000] =	vst v63  }
0x9a: {  	s15 =	sadd.s32 @!p1 $0x500, s19;
	s6 =	sadd.s32 @!p1 $0x2980, s19;
	_ =	swait.ge @!p1 [sflag:s23], $0x1000  }
0x9b: {  	s9 =	sadd.s32 @p1 $0x2A80, s5;
	s3 =	sadd.s32 @!p1 $0x580, s19;
	[sflag:s23] =	ssyncset.done @!p1 $0x0  }
0x9c: {  	s18 =	simm.s32 @!p1 $0x6000;
	s25 =	simm.s32 @!p1 $0x9;
	[sflag:s23] =	ssyncadd.s32 @!p1 $0xFFFFF000  }
0x9d: {  	[spmem:s2] =	stream.indirect.scatter.add.bf16 @!p1 [tilespmem:s18], [sflag:$0x9], $0x20, s8, s20, $0xb8;
	[tilespmem:$0x12000] =	vst v63  }
0x9e: {  	s7 =	sadd.s32 @!p1 $0x2A80, s19;
	s8 =	sadd.s32 @!p1 $0x600, s19;
	_ =	swait.ge @!p1 [sflag:s25], $0x1000  }
0x9f: {  	s5 =	sadd.s32 @!p1 $0x680, s19;
	s23 =	sadd.s32 @!p1 $0x700, s19;
	[sflag:s25] =	ssyncset.done @!p1 $0x0  }
0xa0: {  	s19 =	smov.u32 s10;
	[sflag:s25] =	ssyncadd.s32 @!p1 $0xFFFFF000  }
0xa1: {  	[tilespmem:s18], [sflag:$0x2] =	stream.indirect.gather @!p1 [hbm4b:s4+s20], $0x20, s11, s20, $0xb8;
	[tilespmem:$0x12000] =	vst v63  }
0xa2: {  	_ =	swait.ge [sflag:s30], $0x1000  }
0xa3: {  	[sflag:s30] =	ssyncset.done $0x0  }
0xa4: {  	s10 =	sadd.s32 $0x2900, s16;
	[sflag:s30] =	ssyncadd.s32 $0xFFFFF000  }
0xa5: {  	[spmem:s2] =	stream.indirect.scatter.add.bf16 [tilespmem:s26], [sflag:$0x9], $0x20, s10, s14, $0xb8;
	[tilespmem:$0x12000] =	vst v63  }
0xa6: {  	_ =	swait.ge [sflag:s12], $0x1000  }
0xa7: {  	[sflag:s12] =	ssyncset.done $0x0  }
0xa8: {  	s10 =	simm.s32 @p1 $0x4;
	[sflag:s12] =	ssyncadd.s32 $0xFFFFF000  }
0xa9: {  	_ =	swait.ge @p1 [sflag:s10], $0x1000  }
0xaa: {  	[sflag:s10] =	ssyncset.done @p1 $0x0  }
0xab: {  	[sflag:s10] =	ssyncadd.s32 @p1 $0xFFFFF000;
	s10 =	simm.s32 @p1 $0x8000  }
0xac: {  	[spmem:s2] =	stream.indirect.scatter.add.bf16 @p1 [tilespmem:s10], [sflag:$0x9], $0x20, s13, s24, $0xb8;
	[tilespmem:$0x12000] =	vst v63  }
0xad: {  	_ =	swait.ge @p1 [sflag:s21], $0x1000  }
0xae: {  	[sflag:s21] =	ssyncset.done @p1 $0x0  }
0xaf: {  	s11 =	simm.s32 @!p1 $0x4;
	s10 =	simm.s32 @!p1 $0x7000;
	[sflag:s21] =	ssyncadd.s32 @p1 $0xFFFFF000  }
0xb0: {  	[tilespmem:s10], [sflag:$0x3] =	stream.indirect.gather @!p1 [hbm4b:s4+s20], $0x20, s15, s20, $0xb8;
	[tilespmem:$0x12000] =	vst v63  }
0xb1: {  	_ =	swait.ge @!p1 [sflag:s11], $0x1000  }
0xb2: {  	[sflag:s11] =	ssyncset.done @!p1 $0x0  }
0xb3: {  	s10 =	simm.s32 @!p1 $0x8000;
	[sflag:s11] =	ssyncadd.s32 @!p1 $0xFFFFF000  }
0xb4: {  	[spmem:s2] =	stream.indirect.scatter.add.bf16 @!p1 [tilespmem:s10], [sflag:$0x9], $0x20, s6, s20, $0xb8;
	[tilespmem:$0x12000] =	vst v63  }
0xb5: {  	_ =	swait.ge @!p1 [sflag:s25], $0x1000  }
0xb6: {  	[sflag:s25] =	ssyncset.done @!p1 $0x0  }
0xb7: {  	[sflag:s25] =	ssyncadd.s32 @!p1 $0xFFFFF000  }
0xb8: {  	[tilespmem:s10], [sflag:$0x4] =	stream.indirect.gather @!p1 [hbm4b:s4+s20], $0x20, s3, s20, $0xb8;
	[tilespmem:$0x12000] =	vst v63  }
0xb9: {  	_ =	swait.ge [sflag:s31], $0x1000  }
0xba: {  	[sflag:s31] =	ssyncset.done $0x0  }
0xbb: {  	s6 =	simm.s32 $0x9000;
	s3 =	sadd.s32 $0x2A00, s16;
	[sflag:s31] =	ssyncadd.s32 $0xFFFFF000  }
0xbc: {  	[spmem:s2] =	stream.indirect.scatter.add.bf16 [tilespmem:s6], [sflag:$0x9], $0x20, s3, s14, $0xb8;
	[tilespmem:$0x12000] =	vst v63  }
0xbd: {  	_ =	swait.ge [sflag:s12], $0x1000  }
0xbe: {  	[sflag:s12] =	ssyncset.done $0x0  }
0xbf: {  	s3 =	simm.s32 @p1 $0x6;
	[sflag:s12] =	ssyncadd.s32 $0xFFFFF000  }
0xc0: {  	_ =	swait.ge @p1 [sflag:s3], $0x1000  }
0xc1: {  	[sflag:s3] =	ssyncset.done @p1 $0x0  }
0xc2: {  	[sflag:s3] =	ssyncadd.s32 @p1 $0xFFFFF000;
	s3 =	simm.s32 @p1 $0xA000  }
0xc3: {  	[spmem:s2] =	stream.indirect.scatter.add.bf16 @p1 [tilespmem:s3], [sflag:$0x9], $0x20, s9, s24, $0xb8;
	[tilespmem:$0x12000] =	vst v63  }
0xc4: {  	_ =	swait.ge @p1 [sflag:s21], $0x1000  }
0xc5: {  	[sflag:s21] =	ssyncset.done @p1 $0x0  }
0xc6: {  	s6 =	simm.s32 @!p1 $0x6;
	s3 =	simm.s32 @!p1 $0x9000;
	[sflag:s21] =	ssyncadd.s32 @p1 $0xFFFFF000  }
0xc7: {  	[tilespmem:s3], [sflag:$0x5] =	stream.indirect.gather @!p1 [hbm4b:s4+s20], $0x20, s8, s20, $0xb8;
	[tilespmem:$0x12000] =	vst v63  }
0xc8: {  	_ =	swait.ge @!p1 [sflag:s6], $0x1000  }
0xc9: {  	[sflag:s6] =	ssyncset.done @!p1 $0x0  }
0xca: {  	s3 =	simm.s32 @!p1 $0xA000;
	[sflag:s6] =	ssyncadd.s32 @!p1 $0xFFFFF000  }
0xcb: {  	[spmem:s2] =	stream.indirect.scatter.add.bf16 @!p1 [tilespmem:s3], [sflag:$0x9], $0x20, s7, s20, $0xb8;
	[tilespmem:$0x12000] =	vst v63  }
0xcc: {  	_ =	swait.ge @!p1 [sflag:s25], $0x1000  }
0xcd: {  	[sflag:s25] =	ssyncset.done @!p1 $0x0  }
0xce: {  	[sflag:s25] =	ssyncadd.s32 @!p1 $0xFFFFF000  }
0xcf: {  	[tilespmem:s3], [sflag:$0x6] =	stream.indirect.gather @!p1 [hbm4b:s4+s20], $0x20, s5, s20, $0xb8;
	[tilespmem:$0x12000] =	vst v63  }
0xd0: {  	_ =	swait.ge [sflag:s0], $0x1000  }
0xd1: {  	[sflag:s0] =	ssyncset.done $0x0  }
0xd2: {  	s3 =	sadd.s32 $0x2B00, s16;
	s5 =	simm.s32 $0xB000;
	[sflag:s0] =	ssyncadd.s32 $0xFFFFF000  }
0xd3: {  	[spmem:s2] =	stream.indirect.scatter.add.bf16 [tilespmem:s5], [sflag:$0x9], $0x20, s3, s14, $0xb8;
	[tilespmem:$0x12000] =	vst v63  }
0xd4: {  	_ =	swait.ge [sflag:s12], $0x1000  }
0xd5: {  	[sflag:s12] =	ssyncset.done $0x0  }
0xd6: {  	s3 =	simm.s32 @!p1 $0xB000;
	[sflag:s12] =	ssyncadd.s32 $0xFFFFF000  }
0xd7: {  	[tilespmem:s3], [sflag:$0x7] =	stream.indirect.gather @!p1 [hbm4b:s4+s20], $0x20, s23, s20, $0xb8;
	[tilespmem:$0x12000] =	vst v63  }
0xd8: {  	_ =	swait.ge [sflag:s1], $0x1000  }
.Ltmp0:
0xd9: {  	[sflag:s1] =	ssyncset.done $0x0;
	(pc) =	sbr.rel @p0 .LBB2_2-.Ltmp0, $4  }
0xda: {  	s3 =	sadd.s32 $0x2B80, s16;
	[sflag:s1] =	ssyncadd.s32 $0xFFFFF000  }
0xdb: {  	[spmem:s2] =	stream.indirect.scatter.add.bf16 [tilespmem:s28], [sflag:$0x9], $0x20, s3, s14, $0xb8;
	[tilespmem:$0x12000] =	vst v63  }
0xdc: {  	_ =	swait.ge [sflag:s12], $0x1000  }
0xdd: {  	s16 =	sshra.s32 s19, $0x2;
	[sflag:s12] =	ssyncset.done $0x0  }
0xde: {  	s3 =	sadd.s32 $0x380, s16;
	[sflag:s12] =	ssyncadd.s32 $0xFFFFF000  }
0xdf: {  	[tilespmem:s28], [sflag:$0x8] =	stream.indirect.gather [hbm4b:s4+s14], $0x20, s3, s14, $0xb8;
	[tilespmem:$0x12000] =	vst v63  }
0xe0: {  	_ =	swait.ge [sflag:s29], $0x1000  }
0xe1: {  	[sflag:s29] =	ssyncset.done $0x0  }
0xe2: {  	s13 =	sadd.s32 $0x2800, s16;
	[sflag:s29] =	ssyncadd.s32 $0xFFFFF000  }
0xe3: {  	[spmem:s2] =	stream.indirect.scatter.add.bf16 [tilespmem:s22], [sflag:$0x9], $0x20, s13, s14, $0xb8;
	[tilespmem:$0x12000] =	vst v63  }
0xe4: {  	_ =	swait.ge [sflag:s12], $0x1000  }
0xe5: {  	p0 =	seq.s32 s19, $0x9000;
	[sflag:s12] =	ssyncset.done $0x0  }
0xe6: {  	s3 =	simm.s32 @p0 $0x2;
	[sflag:s12] =	ssyncadd.s32 $0xFFFFF000  }
0xe7: {  	s9 =	sshra.s32 @p0 s19, $0x2;
	_ =	swait.ge @p0 [sflag:s3], $0x1000  }
0xe8: {  	s8 =	simm.s32 @p0 $0x9;
	s6 =	simm.s32 @p0 $0x6000;
	[sflag:s3] =	ssyncset.done @p0 $0x0  }
0xe9: {  	s5 =	sadd.s32 @p0 $0x2880, s9;
	[sflag:s3] =	ssyncadd.s32 @p0 $0xFFFFF000;
	s3 =	simm.s32 @p0 $0x80  }
0xea: {  	[spmem:s2] =	stream.indirect.scatter.add.bf16 @p0 [tilespmem:s6], [sflag:$0x9], $0x20, s5, s3, $0xb8;
	[tilespmem:$0x12000] =	vst v63  }
0xeb: {  	s10 =	simm.s32 @!p0 $0x2;
	_ =	swait.ge @p0 [sflag:s8], $0x1000  }
0xec: {  	s7 =	simm.s32 @!p0 $0x80;
	s5 =	sshra.s32 @!p0 s19, $0x2;
	[sflag:s8] =	ssyncset.done @p0 $0x0  }
0xed: {  	s11 =	simm.s32 @!p0 $0x5000;
	s6 =	sadd.s32 @!p0 $0x400, s5;
	[sflag:s8] =	ssyncadd.s32 @p0 $0xFFFFF000  }
0xee: {  	[tilespmem:s11], [sflag:$0x1] =	stream.indirect.gather @!p0 [hbm4b:s4+s7], $0x20, s6, s7, $0xb8;
	[tilespmem:$0x12000] =	vst v63  }
0xef: {  	_ =	swait.ge @!p0 [sflag:s10], $0x1000  }
0xf0: {  	s6 =	sadd.s32 @!p0 $0x2880, s5;
	[sflag:s10] =	ssyncset.done @!p0 $0x0  }
0xf1: {  	s11 =	simm.s32 @!p0 $0x6000;
	[sflag:s10] =	ssyncadd.s32 @!p0 $0xFFFFF000;
	s10 =	simm.s32 @!p0 $0x9  }
0xf2: {  	[spmem:s2] =	stream.indirect.scatter.add.bf16 @!p0 [tilespmem:s11], [sflag:$0x9], $0x20, s6, s7, $0xb8;
	[tilespmem:$0x12000] =	vst v63  }
0xf3: {  	_ =	swait.ge @!p0 [sflag:s10], $0x1000  }
0xf4: {  	[sflag:s10] =	ssyncset.done @!p0 $0x0  }
0xf5: {  	s6 =	sadd.s32 @!p0 $0x480, s5;
	[sflag:s10] =	ssyncadd.s32 @!p0 $0xFFFFF000  }
0xf6: {  	[tilespmem:s11], [sflag:$0x2] =	stream.indirect.gather @!p0 [hbm4b:s4+s7], $0x20, s6, s7, $0xb8;
	[tilespmem:$0x12000] =	vst v63  }
0xf7: {  	_ =	swait.ge [sflag:s30], $0x1000  }
0xf8: {  	[sflag:s30] =	ssyncset.done $0x0  }
0xf9: {  	s15 =	sadd.s32 $0x2900, s16;
	[sflag:s30] =	ssyncadd.s32 $0xFFFFF000  }
0xfa: {  	[spmem:s2] =	stream.indirect.scatter.add.bf16 [tilespmem:s26], [sflag:$0x9], $0x20, s15, s14, $0xb8;
	[tilespmem:$0x12000] =	vst v63  }
0xfb: {  	_ =	swait.ge [sflag:s12], $0x1000  }
0xfc: {  	[sflag:s12] =	ssyncset.done $0x0  }
0xfd: {  	s6 =	simm.s32 @p0 $0x4;
	[sflag:s12] =	ssyncadd.s32 $0xFFFFF000  }
0xfe: {  	_ =	swait.ge @p0 [sflag:s6], $0x1000  }
0xff: {  	[sflag:s6] =	ssyncset.done @p0 $0x0  }
0x100: {  	s11 =	sadd.s32 @p0 $0x2980, s9;
	[sflag:s6] =	ssyncadd.s32 @p0 $0xFFFFF000;
	s6 =	simm.s32 @p0 $0x8000  }
0x101: {  	[spmem:s2] =	stream.indirect.scatter.add.bf16 @p0 [tilespmem:s6], [sflag:$0x9], $0x20, s11, s3, $0xb8;
	[tilespmem:$0x12000] =	vst v63  }
0x102: {  	_ =	swait.ge @p0 [sflag:s8], $0x1000  }
0x103: {  	[sflag:s8] =	ssyncset.done @p0 $0x0  }
0x104: {  	s6 =	sadd.s32 @!p0 $0x500, s5;
	s11 =	simm.s32 @!p0 $0x7000;
	[sflag:s8] =	ssyncadd.s32 @p0 $0xFFFFF000  }
0x105: {  	[tilespmem:s11], [sflag:$0x3] =	stream.indirect.gather @!p0 [hbm4b:s4+s7], $0x20, s6, s7, $0xb8;
	[tilespmem:$0x12000] =	vst v63  }
0x106: {  	s6 =	simm.s32 @!p0 $0x4  }
0x107: {  	_ =	swait.ge @!p0 [sflag:s6], $0x1000  }
0x108: {  	[sflag:s6] =	ssyncset.done @!p0 $0x0  }
0x109: {  	s11 =	sadd.s32 @!p0 $0x2980, s5;
	[sflag:s6] =	ssyncadd.s32 @!p0 $0xFFFFF000;
	s6 =	simm.s32 @!p0 $0x8000  }
0x10a: {  	[spmem:s2] =	stream.indirect.scatter.add.bf16 @!p0 [tilespmem:s6], [sflag:$0x9], $0x20, s11, s7, $0xb8;
	[tilespmem:$0x12000] =	vst v63  }
0x10b: {  	_ =	swait.ge @!p0 [sflag:s10], $0x1000  }
0x10c: {  	[sflag:s10] =	ssyncset.done @!p0 $0x0  }
0x10d: {  	s11 =	sadd.s32 @!p0 $0x580, s5;
	[sflag:s10] =	ssyncadd.s32 @!p0 $0xFFFFF000  }
0x10e: {  	[tilespmem:s6], [sflag:$0x4] =	stream.indirect.gather @!p0 [hbm4b:s4+s7], $0x20, s11, s7, $0xb8;
	[tilespmem:$0x12000] =	vst v63  }
0x10f: {  	_ =	swait.ge [sflag:s31], $0x1000  }
0x110: {  	[sflag:s31] =	ssyncset.done $0x0  }
0x111: {  	s17 =	sadd.s32 $0x2A00, s16;
	s18 =	simm.s32 $0x9000;
	[sflag:s31] =	ssyncadd.s32 $0xFFFFF000  }
0x112: {  	[spmem:s2] =	stream.indirect.scatter.add.bf16 [tilespmem:s18], [sflag:$0x9], $0x20, s17, s14, $0xb8;
	[tilespmem:$0x12000] =	vst v63  }
0x113: {  	_ =	swait.ge [sflag:s12], $0x1000  }
0x114: {  	[sflag:s12] =	ssyncset.done $0x0  }
0x115: {  	s6 =	simm.s32 @p0 $0x6;
	[sflag:s12] =	ssyncadd.s32 $0xFFFFF000  }
0x116: {  	_ =	swait.ge @p0 [sflag:s6], $0x1000  }
0x117: {  	[sflag:s6] =	ssyncset.done @p0 $0x0  }
0x118: {  	s9 =	sadd.s32 @p0 $0x2A80, s9;
	[sflag:s6] =	ssyncadd.s32 @p0 $0xFFFFF000;
	s6 =	simm.s32 @p0 $0xA000  }
0x119: {  	[spmem:s2] =	stream.indirect.scatter.add.bf16 @p0 [tilespmem:s6], [sflag:$0x9], $0x20, s9, s3, $0xb8;
	[tilespmem:$0x12000] =	vst v63  }
0x11a: {  	_ =	swait.ge @p0 [sflag:s8], $0x1000  }
0x11b: {  	[sflag:s8] =	ssyncset.done @p0 $0x0  }
0x11c: {  	s3 =	sadd.s32 @!p0 $0x600, s5;
	s6 =	simm.s32 @!p0 $0x9000;
	[sflag:s8] =	ssyncadd.s32 @p0 $0xFFFFF000  }
0x11d: {  	[tilespmem:s6], [sflag:$0x5] =	stream.indirect.gather @!p0 [hbm4b:s4+s7], $0x20, s3, s7, $0xb8;
	[tilespmem:$0x12000] =	vst v63  }
0x11e: {  	s3 =	simm.s32 @!p0 $0x6  }
0x11f: {  	_ =	swait.ge @!p0 [sflag:s3], $0x1000  }
0x120: {  	[sflag:s3] =	ssyncset.done @!p0 $0x0  }
0x121: {  	s6 =	sadd.s32 @!p0 $0x2A80, s5;
	[sflag:s3] =	ssyncadd.s32 @!p0 $0xFFFFF000;
	s3 =	simm.s32 @!p0 $0xA000  }
0x122: {  	[spmem:s2] =	stream.indirect.scatter.add.bf16 @!p0 [tilespmem:s3], [sflag:$0x9], $0x20, s6, s7, $0xb8;
	[tilespmem:$0x12000] =	vst v63  }
0x123: {  	_ =	swait.ge @!p0 [sflag:s10], $0x1000  }
0x124: {  	[sflag:s10] =	ssyncset.done @!p0 $0x0  }
0x125: {  	s6 =	sadd.s32 @!p0 $0x680, s5;
	[sflag:s10] =	ssyncadd.s32 @!p0 $0xFFFFF000  }
0x126: {  	[tilespmem:s3], [sflag:$0x6] =	stream.indirect.gather @!p0 [hbm4b:s4+s7], $0x20, s6, s7, $0xb8;
	[tilespmem:$0x12000] =	vst v63  }
0x127: {  	_ =	swait.ge [sflag:s0], $0x1000  }
0x128: {  	[sflag:s0] =	ssyncset.done $0x0  }
0x129: {  	s20 =	simm.s32 $0xB000;
	s19 =	sadd.s32 $0x2B00, s16;
	[sflag:s0] =	ssyncadd.s32 $0xFFFFF000  }
0x12a: {  	[spmem:s2] =	stream.indirect.scatter.add.bf16 [tilespmem:s20], [sflag:$0x9], $0x20, s19, s14, $0xb8;
	[tilespmem:$0x12000] =	vst v63  }
0x12b: {  	_ =	swait.ge [sflag:s12], $0x1000  }
0x12c: {  	[sflag:s12] =	ssyncset.done $0x0  }
0x12d: {  	s3 =	sadd.s32 @!p0 $0x700, s5;
	s5 =	simm.s32 @!p0 $0xB000;
	[sflag:s12] =	ssyncadd.s32 $0xFFFFF000  }
0x12e: {  	[tilespmem:s5], [sflag:$0x7] =	stream.indirect.gather @!p0 [hbm4b:s4+s7], $0x20, s3, s7, $0xb8;
	[tilespmem:$0x12000] =	vst v63  }
0x12f: {  	_ =	swait.ge [sflag:s1], $0x1000  }
0x130: {  	[sflag:s1] =	ssyncset.done $0x0  }
0x131: {  	s21 =	sadd.s32 $0x2B80, s16;
	[sflag:s1] =	ssyncadd.s32 $0xFFFFF000  }
0x132: {  	[spmem:s2] =	stream.indirect.scatter.add.bf16 [tilespmem:s28], [sflag:$0x9], $0x20, s21, s14, $0xb8;
	[tilespmem:$0x12000] =	vst v63  }
0x133: {  	_ =	swait.ge [sflag:s12], $0x1000  }
0x134: {  	[sflag:s12] =	ssyncset.done $0x0  }
0x135: {  	[sflag:s12] =	ssyncadd.s32 $0xFFFFF000  }
0x136: {  	[bflag:$0x0] =	sbarrier.arrive $0xFFFF  }
0x137: {  	s7 =	rddreg [dreg:$0x5]  }
0x138: {  	s23 =	rddreg [dreg:$0x8]  }
0x139: {  	s5 =	rddreg [dreg:$0xa]  }
0x13a: {  	[hbm:s23], [sflag:s7] =	dma.local [spmem:s5], $0xA00  }
0x13b: {  	_ =	swait.ge [sflag:s12], $0xA00  }
0x13c: {  	s24 =	rddreg [dreg:$0xb]  }
0x13d: {  	s25 =	rddreg [dreg:$0x9];
	s6 =	sadd.s32 $0x1, s24  }
0x13e: {  	p0 =	sne.s32 s6, s25  }
.Ltmp1:
0x13f: {  	_ = 	snop;
	(pc) =	sbr.rel @p0 .LBB2_1-.Ltmp1, $3  }
0x140: {  	_ =	sdelay $0x1  }
0x141: {  	[sflag:s12] =	ssyncset.done $0x0  }
0x142: {  	[sflag:s12] =	ssyncadd.s32 $0xFFFFF600  }
0x143: {  	_ =	sfence.sel $0x180000  }
0x144: {  	[bflag:$0x0] =	sbarrier.arrive $0xFFFF  }
0x145: {  	_ =	strace $0x9000004D  }
0x146: {  	s0 =	stileid.u32;
	[bflag:$0x2] =	sbarrier.arrive $0xFFFF  }
0x147: {  	p0 =	sne.s32 s0, $0x0;
	s0 =	rddreg [dreg:$0x3]  }
0x148: {  	s0 =	sadd.s32 @!p0 $0x100000, s0  }
0x149: {  	[sflag:s0] =	ssyncadd.tile.s32 @!p0 $0x1;
	_ =	shalt  }
.Lfunc_end2:
_tile_overlayer_lowered:
.L_overlay_start_2:
0x14a: {  	(tag) =	ssettag $0x2  }
0x14b: {  	s0 =	rddreg [dreg:$0x0];
	s2 =	stileid.u32  }
0x14c: {  	s1 =	rddreg [dreg:$0x1];
	p0 =	sne.s32 s2, $0x0  }
0x14d: {  	s3 =	rddreg [dreg:$0x2];
	[bflag:$0x3] =	sbarrier.arrive $0xFFFF;
	s2 =	simm.s32 @!p0 $0x1C09  }
0x14e: {  	[timem:s3], [sflag:s2] =	dma.local @!p0 [hbm:s0], s1  }
0x14f: {  	s0 =	simm.s32 @!p0 $0x9  }
0x150: {  	_ =	swait.ge @!p0 [sflag:s0], s1  }
0x151: {  	s1 =	ssub.s32 @!p0 $0x0, s1;
	[sflag:s0] =	ssyncset.done @!p0 $0x0  }
0x152: {  	[sflag:s0] =	ssyncadd.s32 @!p0 s1  }
0x153: {  	[bflag:$0x3] =	sbarrier.arrive $0xFFFF  }
0x154: {  	_ =	shalt  }

// kernel: kernel.8.cloned.1.call-start
scs
__scs_entry_jumppad:
0x0: {  	(pc) =	sbr.rel $0x88, $3  }
0x1: {  	(tag) =	ssettag $0x0;
	lr =	simm.s32 $0x1  }
0x2: {  	[smem:$0x3F9B] =	sst lr;
	_ =	strace $0xD0000000  }
0x3: {  	_ = 	snop  }
0x4: {  	_ = 	snop  }
0x5: {  	_ = 	snop  }
0x6: {  	_ = 	snop  }
0x7: {  	_ = 	snop  }
__scs_overlays_trampoline_lowered:
0x8: {  	[smem:$0x3FAA] =	sst s0  }
0x9: {  	[smem:$0x3FAB] =	sst s1  }
0xa: {  	[smem:$0x3FAC] =	sst s2  }
0xb: {  	[smem:$0x3FAD] =	sst s3  }
0xc: {  	[smem:$0x3FAE] =	sst s4  }
0xd: {  	[smem:$0x3FAF] =	sst s5  }
0xe: {  	[smem:$0x3FB0] =	sst s6  }
0xf: {  	[smem:$0x3FB1] =	sst s7  }
0x10: {  	[smem:$0x3FB2] =	sst s8  }
0x11: {  	[smem:$0x3FB3] =	sst s9;
	s0 =	simm.s32 @!p0 $0x0  }
0x12: {  	s1 =	sld [smem:$0x3F99];
	s0 =	simm.s32 @p0 $0x1  }
0x13: {  	[smem:$0x3FB4] =	sst s0;
	s0 =	simm.s32 @!p1 $0x0  }
0x14: {  	s2 =	sld [smem:$0x3F98];
	s0 =	simm.s32 @p1 $0x1  }
0x15: {  	[smem:$0x3FB5] =	sst s0;
	s0 =	simm.s32 @!p2 $0x0  }
0x16: {  	s3 =	sld [smem:$0x3FDB];
	s0 =	simm.s32 @p2 $0x1  }
0x17: {  	s4 =	simm.s32 $0x1BF5;
	[smem:$0x3FB7] =	sst s0  }
0x18: {  	s0 =	sld [smem:$0x3F9A];
	_ =	swait.ge [sflag:s4], $0x0  }
0x19: {  	s7 =	sld [smem:$0x3F9B]  }
0x1a: {  	s8 =	sadd.s32 $0xFFFFE003, lr  }
0x1b: {  	s9 =	sadd.s32 $0xFFFFFEF7, lr;
	s5 =	simm.s32 $0xFFFFFFFF;
	p2 =	slt.u32 s8, $0xFFFFF086  }
0x1c: {  	p1 =	slt.u32 s9, $0xF7A;
	s5 =	simm.s32 @!p2 $0x0  }
0x1d: {  	s5 =	simm.s32 @p1 $0x1;
	p0 =	seq.s32 s7, s2  }
0x1e: {  	s7 =	smul.u32 @!p0 $0xF7A, s2;
	p2 =	seq.s32 @!p0 s5, $0x0  }
0x1f: {  	s9 =	smul.u32 $0xF7A, s1;
	s8 =	simm.s32 @!p0 $0x1BF5;
	p2 =	por !p2, p0  }
0x20: {  	[sflag:s8] =	ssyncset.s32 @!p0 $0xFFFFF086;
	s6 =	sadd.s32 @!p0 s3, s7;
	s7 =	simm.s32 @!p0 $0x108  }
0x21: {  	s3 =	sadd.s32 s3, s9;
	s6 =	sadd.s32 @!p0 $0x88, s6;
	s7 =	simm.s32 @p2 $0x1082  }
0x22: {  	[simem:s7], [sflag:s8] =	dma.local @!p0 [hbm:s6], $0xF7A  }
0x23: {  	s9 =	sor.u32 $0xD0000000, s2;
	s6 =	simm.s32 $0x108;
	_ =	swait.ge @!p0 [sflag:s8], $0x0  }
0x24: {  	s3 =	sadd.s32 $0x88, s3;
	s6 =	simm.s32 @!p1 $0x1082;
	[sflag:s4] =	ssyncset.s32 $0xFFFFF086  }
0x25: {  	[simem:s6], [sflag:s4] =	dma.local [hbm:s3], $0xF7A  }
0x26: {  	[smem:$0x3F9B] =	sst s1;
	(tag) =	ssettag s2;
	_ =	strace s9  }
0x27: {  	s1 =	sld [smem:$0x3FAB]  }
0x28: {  	s2 =	sld [smem:$0x3FAC]  }
0x29: {  	s4 =	sld [smem:$0x3FAE]  }
0x2a: {  	p0 =	seq.s32 s5, $0x0;
	s5 =	sld [smem:$0x3FAF]  }
0x2b: {  	s6 =	sld [smem:$0x3FB0]  }
0x2c: {  	s7 =	sld [smem:$0x3FB1]  }
0x2d: {  	s3 =	simm.s32 $0x108;
	s8 =	sld [smem:$0x3FB2]  }
0x2e: {  	s3 =	simm.s32 @!p0 $0x1082;
	s9 =	sld [smem:$0x3FB3]  }
0x2f: {  	lr =	sadd.s32 s0, s3;
	s0 =	sld [smem:$0x3FAA]  }
0x30: {  	s3 =	sld [smem:$0x3FAD]  }
0x31: {  	[smem:$0x3FB6] =	sst s10  }
0x32: {  	s10 =	sld [smem:$0x3FB4];
	_ =	sdelay $0x3  }
0x33: {  	p0 =	seq.s32 s10, $0x1;
	s10 =	sld [smem:$0x3FB6];
	_ =	sdelay $0x3  }
0x34: {  	[smem:$0x3FB6] =	sst s10  }
0x35: {  	s10 =	sld [smem:$0x3FB5];
	_ =	sdelay $0x3  }
0x36: {  	p1 =	seq.s32 s10, $0x1;
	s10 =	sld [smem:$0x3FB6];
	_ =	sdelay $0x3  }
0x37: {  	[smem:$0x3FB6] =	sst s10  }
0x38: {  	s10 =	sld [smem:$0x3FB7]  }
0x39: {  	_ = 	snop;
	(pc) =	sbr.ind lr, $3  }
0x3a: {  	_ = 	snop  }
0x3b: {  	_ = 	snop  }
0x3c: {  	p2 =	seq.s32 s10, $0x1;
	s10 =	sld [smem:$0x3FB6]  }
0x3d: {  	_ =	shalt  }
0x3e: {  	_ =	shalt  }
0x3f: {  	_ =	shalt  }
0x40: {  	_ =	shalt  }
0x41: {  	_ =	shalt  }
0x42: {  	_ =	shalt  }
0x43: {  	_ =	shalt  }
0x44: {  	_ =	shalt  }
0x45: {  	_ =	shalt  }
0x46: {  	_ =	shalt  }
0x47: {  	_ =	shalt  }
0x48: {  	_ =	shalt  }
0x49: {  	_ =	shalt  }
0x4a: {  	_ =	shalt  }
0x4b: {  	_ =	shalt  }
0x4c: {  	_ =	shalt  }
0x4d: {  	_ =	shalt  }
0x4e: {  	_ =	shalt  }
0x4f: {  	_ =	shalt  }
0x50: {  	_ =	shalt  }
0x51: {  	_ =	shalt  }
0x52: {  	_ =	shalt  }
0x53: {  	_ =	shalt  }
0x54: {  	_ =	shalt  }
0x55: {  	_ =	shalt  }
0x56: {  	_ =	shalt  }
0x57: {  	_ =	shalt  }
0x58: {  	_ =	shalt  }
0x59: {  	_ =	shalt  }
0x5a: {  	_ =	shalt  }
0x5b: {  	_ =	shalt  }
0x5c: {  	_ =	shalt  }
0x5d: {  	_ =	shalt  }
0x5e: {  	_ =	shalt  }
0x5f: {  	_ =	shalt  }
0x60: {  	_ =	shalt  }
0x61: {  	_ =	shalt  }
0x62: {  	_ =	shalt  }
0x63: {  	_ =	shalt  }
0x64: {  	_ =	shalt  }
0x65: {  	_ =	shalt  }
0x66: {  	_ =	shalt  }
0x67: {  	_ =	shalt  }
0x68: {  	_ =	shalt  }
0x69: {  	_ =	shalt  }
0x6a: {  	_ =	shalt  }
0x6b: {  	_ =	shalt  }
0x6c: {  	_ =	shalt  }
0x6d: {  	_ =	shalt  }
0x6e: {  	_ =	shalt  }
0x6f: {  	_ =	shalt  }
0x70: {  	_ =	shalt  }
0x71: {  	_ =	shalt  }
0x72: {  	_ =	shalt  }
0x73: {  	_ =	shalt  }
0x74: {  	_ =	shalt  }
0x75: {  	_ =	shalt  }
0x76: {  	_ =	shalt  }
0x77: {  	_ =	shalt  }
0x78: {  	_ =	shalt  }
0x79: {  	_ =	shalt  }
0x7a: {  	_ =	shalt  }
0x7b: {  	_ =	shalt  }
0x7c: {  	_ =	shalt  }
0x7d: {  	_ =	shalt  }
0x7e: {  	_ =	shalt  }
0x7f: {  	_ =	shalt  }
0x80: {  	_ =	shalt  }
0x81: {  	_ =	shalt  }
0x82: {  	_ =	shalt  }
0x83: {  	_ =	shalt  }
0x84: {  	_ =	shalt  }
0x85: {  	_ =	shalt  }
0x86: {  	_ =	shalt  }
0x87: {  	_ =	shalt  }
.Lfunc_end0:
.L_simem_size_0:
called_computation_lowered:
.L_overlay_start_0:
0x88: {  	s2 =	sld [smem:$0x3FD9]  }
0x89: {  	s3 =	sld [smem:$0x3FFE];
	_ =	sdelay $0x1  }
0x8a: {  	s1 =	srdreg.scid  }
0x8b: {  	s0 =	sand.u32 $0x1, s1  }
0x8c: {  	s16 =	sshll.u32 s0, $0xA;
	s2 =	sadd.s32 s3, s2  }
0x8d: {  	s2 =	sadd.s32 s2, s16  }
0x8e: {  	[smem:$0x3FC2] =	sst s2  }
0x8f: {  	_ = 	snop  }
0x90: {  	(tm) =	ssettm $0x1  }
0x91: {  	s17 =	sld [smem:$0x3FFB];
	_ =	sdelay $0x3  }
0x92: {  	_ =	strace s17  }
0x93: {  	s2 =	sld [smem:$0x3FFC];
	_ =	sdelay $0x3  }
0x94: {  	_ =	strace s2  }
0x95: {  	s2 =	sld [smem:$0x3FFD];
	_ =	sdelay $0x3  }
0x96: {  	_ =	strace s2  }
0x97: {  	_ =	strace $0x8FFFFFFF  }
0x98: {  	s18 =	sld [smem:$0x3FDB];
	_ =	sdelay $0x1  }
0x99: {  	s19 =	simm.s32 $_scs_section_size  }
0x9a: {  	s4 =	simm.s32 $_size__tile_overlayer_lowered;
	s5 =	simm.s32 $_tile_overlayer_lowered  }
0x9b: {  	s22 =	simm.s32 $0x1BFF;
	s21 =	sshll.u32 s5, $0x1;
	s2 =	sadd.s32 s19, s18  }
0x9c: {  	s6 =	simm.s32 $0x0;
	s20 =	sshll.u32 s4, $0x1;
	s4 =	sadd.s32 s21, s2  }
0x9d: {  	[timem:s6], [sflag:s22] =	dma.local [hbm:s4], s20  }
0x9e: {  	_ =	swait.ge [sflag:s22], s20  }
0x9f: {  	s3 =	ssub.s32 $0x0, s20;
	[sflag:s22] =	ssyncset.done $0x0  }
0xa0: {  	[sflag:s22] =	ssyncadd.s32 s3;
	_ =	sdelay $0x1  }
0xa1: {  	s23 =	simm.s32 $0x1B8B  }
0xa2: {  	_ =	swait.ge [sflag:s23], $0x1  }
0xa3: {  	[sflag:s23] =	ssyncset.done $0x0  }
0xa4: {  	s25 =	simm.s32 $0x1B8E;
	s24 =	sld [smem:$0x3FFE];
	[sflag:s23] =	ssyncadd.s32 $0xFFFFFFFF  }
0xa5: {  	s26 =	simm.s32 $execute0_lowered;
	[smem:$0x3FD2] =	sst s25  }
0xa6: {  	s4 =	sshll.u32 s26, $0x1;
	_ =	strace $0x80000046;
	[dreg:$0x1] =	wrdreg $0xFFFFFFFF  }
0xa7: {  	s28 =	simm.s32 $_size_execute0_lowered;
	s2 =	sadd.s32 s2, s4;
	[dreg:$0x0] =	wrdreg $0x0  }
0xa8: {  	s4 =	sshll.u32 s28, $0x1;
	[dreg:$0x2] =	wrdreg s2  }
0xa9: {  	[dreg:$0x3] =	wrdreg s4  }
0xaa: {  	[dreg:$0x4] =	wrdreg $0xC0  }
0xab: {  	_ =	task [dreg:s6], $0x5FFFF  }
0xac: {  	[dreg:$0x1] =	wrdreg $0xFFFFFFFF  }
0xad: {  	[dreg:$0x0] =	wrdreg $0x60  }
0xae: {  	[dreg:$0x2] =	wrdreg s24  }
0xaf: {  	[dreg:$0x3] =	wrdreg $0x30000  }
0xb0: {  	[dreg:$0x4] =	wrdreg $0x9  }
0xb1: {  	_ =	task.clear_ibuf [dreg:s6], $0x5FFFF;
	_ =	strace $0x90000046  }
0xb2: {  	s29 =	simm.s32 $0x9;
	_ =	strace $0x80000048  }
0xb3: {  	_ =	swait.ge [sflag:s29], $0x1  }
0xb4: {  	[sflag:s29] =	ssyncadd.s32 $0xFFFFFFFF  }
0xb5: {  	_ =	strace $0x90000048  }
0xb6: {  	_ =	sfence  }
0xb7: {  	s30 =	sld [smem:$0x0];
	_ =	sdelay $0x2  }
0xb8: {  	s31 =	sshll.u32 s1, $0xD;
	s1 =	sshrl.u32 s1, $0x2  }
0xb9: {  	s3 =	sand.u32 $0x4000, s31;
	s1 =	sadd.s32 s1, s30  }
0xba: {  	s0 =	sor.u32 s3, s0;
	s1 =	sshll.u32 s1, $0x11  }
0xbb: {  	s0 =	sor.u32 s1, s0  }
0xbc: {  	s0 =	sadd.s32 $0x8F2B, s0  }
0xbd: {  	[sflag:s0] =	ssyncadd.remote.s32 $0x1  }
0xbe: {  	_ =	sfence.sel $0xFFFF  }
0xbf: {  	[dreg:$0x0] =	wrdreg $0xFFFFFFFF;
	(pc) =	sbr.abs _section_cstart, $3  }
0xc0: {  	[dreg:$0x1] =	wrdreg $0xFFFFFFFF  }
0xc1: {  	_ =	task.clear_ibuf [dreg:s6], $0x2FFFF;
	_ =	strace $0x9FFFFFFF  }
0xc2: {  	(tm) =	ssettm $0x7FFFFFFF  }
0xc3: {  	_ =	shalt  }
tec
execute0_lowered:
.L_overlay_start_1:
0x0: {  	(tag) =	ssettag $0x1  }
0x1: {  	s1 =	srdreg.scid;
	s6 =	rddreg [dreg:$0x0]  }
0x2: {  	s0 =	stileid.u32;
	s2 =	rddreg [dreg:$0x1]  }
0x3: {  	s3 =	simm.s32 $0x0;
	s13 =	simm.s32 $0x80;
	s14 =	simm.s32 $0x1  }
0x4: {  	s15 =	simm.s32 $0x0;
	s5 =	sand.u32 $0x1, s1;
	s30 =	sshll.u32 s0, $0x1  }
0x5: {  	s7 =	smul.u32 $0x2800, s0;
	[smem:$0x7FF] =	sst s3;
	s31 =	sshll.u32 s0, $0x6  }
0x6: {  	s1 =	sor.u32 s5, s30;
	s8 =	smul.u32 $0x28000, s5;
	s5 =	ssub.s32 $0x2, s5  }
0x7: {  	s4 =	smul.u32 $0x500, s1;
	s1 =	rddreg [dreg:$0x2];
	_ =	strace $0x80000047  }
0x8: {  	s10 =	sshrl.u32 s7, $0x3;
	s11 =	sshrl.u32 s5, $0x1;
	s12 =	sadd.s32 s7, s2  }
0x9: {  	s8 =	sadd.s32 s7, s8;
	s10 =	sadd.s32 s10, s6;
	s11 =	ssub.s32 s5, s11  }
0xa: {  	s9 =	sadd.s32 s4, s6;
	s4 =	sadd.s32 $0xB800, s6;
	s8 =	sshrl.u32 s8, $0x3  }
0xb: {  	s5 =	sadd.s32 $0xBA00, s10;
	s10 =	sshrl.u32 s12, $0x3;
	s12 =	simm.s32 $0x2800  }
0xc: {  	s8 =	sadd.s32 s8, s6;
	s6 =	sor.u32 $0x1C02, s31;
	s7 =	sadd.s32 $0x1800, s9  }
0xd: {  	s9 =	smax.u32 s11, $0x1;
	s11 =	simm.s32 $0x2;
	s8 =	sadd.s32 $0x10A00, s8  }
.LBB2_1:
0xe: {  	[spmem:s10], [sflag:s6] =	dma.local [hbm:s5], $0x500  }
0xf: {  	_ =	swait.ge [sflag:s11], $0x500  }
0x10: {  	[sflag:s11] =	ssyncset.done $0x0  }
0x11: {  	[sflag:s11] =	ssyncadd.s32 $0xFFFFFB00  }
0x12: {  	[tilespmem:s12], [sflag:$0x2] =	stream.linear.gather [hbm4b:s4+s3], $0x800, $0x38;
	[tilespmem:$0x5800] =	vst v63  }
0x13: {  	_ =	swait.ge [sflag:s11], $0x800  }
0x14: {  	[sflag:s11] =	ssyncset.done $0x0  }
0x15: {  	[sflag:s11] =	ssyncadd.s32 $0xFFFFF800  }
0x16: {  	[tilespmem:s3], [sflag:$0x2] =	stream.linear.gather [hbm4b:s7+s3], $0x2800, $0x38;
	[tilespmem:$0x5800] =	vst v63  }
0x17: {  	_ =	swait.ge [sflag:s11], $0x2800  }
0x18: {  	[sflag:s11] =	ssyncset.done $0x0  }
0x19: {  	[sflag:s11] =	ssyncadd.s32 $0xFFFFD800  }
0x1a: {  	s16 =	simm.s32 $0x0;
	[bflag:$0x0] =	sbarrier.arrive $0xFFFF  }
0x1b: {  	[spmem:s2] =	stream.indirect.scatter.add.f32 [tilespmem:s12], [sflag:$0x1], $0x10, s16, s13, $0xb8;
	[tilespmem:$0x5800] =	vst v63  }
0x1c: {  	s24 =	simm.s32 $0x80  }
0x1d: {  	[spmem:s2] =	stream.indirect.scatter.add.f32 [tilespmem:s12], [sflag:$0x1], $0x10, s24, s13, $0xb8;
	[tilespmem:$0x5800] =	vst v63  }
0x1e: {  	s25 =	simm.s32 $0x100  }
0x1f: {  	[spmem:s2] =	stream.indirect.scatter.add.f32 [tilespmem:s12], [sflag:$0x1], $0x10, s25, s13, $0xb8;
	[tilespmem:$0x5800] =	vst v63  }
0x20: {  	s26 =	simm.s32 $0x180  }
0x21: {  	[spmem:s2] =	stream.indirect.scatter.add.f32 [tilespmem:s12], [sflag:$0x1], $0x10, s26, s13, $0xb8;
	[tilespmem:$0x5800] =	vst v63  }
0x22: {  	s28 =	simm.s32 $0x200  }
0x23: {  	[spmem:s2] =	stream.indirect.scatter.add.f32 [tilespmem:s12], [sflag:$0x1], $0x10, s28, s13, $0xb8;
	[tilespmem:$0x5800] =	vst v63  }
0x24: {  	s29 =	simm.s32 $0x280  }
0x25: {  	[spmem:s2] =	stream.indirect.scatter.add.f32 [tilespmem:s12], [sflag:$0x1], $0x10, s29, s13, $0xb8;
	[tilespmem:$0x5800] =	vst v63  }
0x26: {  	s30 =	simm.s32 $0x300  }
0x27: {  	[spmem:s2] =	stream.indirect.scatter.add.f32 [tilespmem:s12], [sflag:$0x1], $0x10, s30, s13, $0xb8;
	[tilespmem:$0x5800] =	vst v63  }
0x28: {  	s31 =	simm.s32 $0x380  }
0x29: {  	[spmem:s2] =	stream.indirect.scatter.add.f32 [tilespmem:s12], [sflag:$0x1], $0x10, s31, s13, $0xb8;
	[tilespmem:$0x5800] =	vst v63  }
0x2a: {  	_ =	swait.ge [sflag:s14], $0x800  }
0x2b: {  	[sflag:s14] =	ssyncset.done $0x0  }
0x2c: {  	[sflag:s14] =	ssyncadd.s32 $0xFFFFF800  }
0x2d: {  	_ =	swait.ge [sflag:s14], $0x800  }
0x2e: {  	[sflag:s14] =	ssyncset.done $0x0  }
0x2f: {  	[sflag:s14] =	ssyncadd.s32 $0xFFFFF800  }
0x30: {  	_ =	swait.ge [sflag:s14], $0x800  }
0x31: {  	[sflag:s14] =	ssyncset.done $0x0  }
0x32: {  	[sflag:s14] =	ssyncadd.s32 $0xFFFFF800  }
0x33: {  	_ =	swait.ge [sflag:s14], $0x800  }
0x34: {  	[sflag:s14] =	ssyncset.done $0x0  }
0x35: {  	[sflag:s14] =	ssyncadd.s32 $0xFFFFF800  }
0x36: {  	_ =	swait.ge [sflag:s14], $0x800  }
0x37: {  	[sflag:s14] =	ssyncset.done $0x0  }
0x38: {  	[sflag:s14] =	ssyncadd.s32 $0xFFFFF800  }
0x39: {  	_ =	swait.ge [sflag:s14], $0x800  }
0x3a: {  	[sflag:s14] =	ssyncset.done $0x0  }
0x3b: {  	[sflag:s14] =	ssyncadd.s32 $0xFFFFF800  }
0x3c: {  	_ =	swait.ge [sflag:s14], $0x800  }
0x3d: {  	[sflag:s14] =	ssyncset.done $0x0  }
0x3e: {  	[sflag:s14] =	ssyncadd.s32 $0xFFFFF800  }
0x3f: {  	_ =	swait.ge [sflag:s14], $0x800  }
0x40: {  	s18 =	simm.s32 $0x2000;
	s16 =	simm.s32 $0x1000;
	[sflag:s14] =	ssyncset.done $0x0  }
.LBB2_2:
0x41: {  	s19 =	sshra.s32 s16, $0x2  }
0x42: {  	[sflag:s14] =	ssyncadd.s32 $0xFFFFF800;
	s16 =	smov.u32 s18;
	s17 =	sadd.s32 $0x1000, s18  }
0x43: {  	[spmem:s2] =	stream.indirect.scatter.add.f32 [tilespmem:s12], [sflag:$0x1], $0x10, s19, s13, $0xb8;
	[tilespmem:$0x5800] =	vst v63  }
0x44: {  	p0 =	sne.s32 s18, $0x9000;
	s18 =	sadd.s32 $0x80, s19  }
0x45: {  	[spmem:s2] =	stream.indirect.scatter.add.f32 [tilespmem:s12], [sflag:$0x1], $0x10, s18, s13, $0xb8;
	[tilespmem:$0x5800] =	vst v63  }
0x46: {  	s18 =	sadd.s32 $0x100, s19  }
0x47: {  	[spmem:s2] =	stream.indirect.scatter.add.f32 [tilespmem:s12], [sflag:$0x1], $0x10, s18, s13, $0xb8;
	[tilespmem:$0x5800] =	vst v63  }
0x48: {  	s18 =	sadd.s32 $0x180, s19  }
0x49: {  	[spmem:s2] =	stream.indirect.scatter.add.f32 [tilespmem:s12], [sflag:$0x1], $0x10, s18, s13, $0xb8;
	[tilespmem:$0x5800] =	vst v63  }
0x4a: {  	s18 =	sadd.s32 $0x200, s19  }
0x4b: {  	[spmem:s2] =	stream.indirect.scatter.add.f32 [tilespmem:s12], [sflag:$0x1], $0x10, s18, s13, $0xb8;
	[tilespmem:$0x5800] =	vst v63  }
0x4c: {  	s18 =	sadd.s32 $0x280, s19  }
0x4d: {  	[spmem:s2] =	stream.indirect.scatter.add.f32 [tilespmem:s12], [sflag:$0x1], $0x10, s18, s13, $0xb8;
	[tilespmem:$0x5800] =	vst v63  }
0x4e: {  	s18 =	sadd.s32 $0x300, s19  }
0x4f: {  	[spmem:s2] =	stream.indirect.scatter.add.f32 [tilespmem:s12], [sflag:$0x1], $0x10, s18, s13, $0xb8;
	[tilespmem:$0x5800] =	vst v63  }
0x50: {  	s18 =	sadd.s32 $0x380, s19  }
0x51: {  	[spmem:s2] =	stream.indirect.scatter.add.f32 [tilespmem:s12], [sflag:$0x1], $0x10, s18, s13, $0xb8;
	[tilespmem:$0x5800] =	vst v63  }
0x52: {  	_ =	swait.ge [sflag:s14], $0x800  }
0x53: {  	[sflag:s14] =	ssyncset.done $0x0  }
0x54: {  	[sflag:s14] =	ssyncadd.s32 $0xFFFFF800  }
0x55: {  	_ =	swait.ge [sflag:s14], $0x800  }
0x56: {  	[sflag:s14] =	ssyncset.done $0x0  }
0x57: {  	[sflag:s14] =	ssyncadd.s32 $0xFFFFF800  }
0x58: {  	_ =	swait.ge [sflag:s14], $0x800  }
0x59: {  	[sflag:s14] =	ssyncset.done $0x0  }
0x5a: {  	[sflag:s14] =	ssyncadd.s32 $0xFFFFF800  }
0x5b: {  	_ =	swait.ge [sflag:s14], $0x800  }
0x5c: {  	[sflag:s14] =	ssyncset.done $0x0  }
0x5d: {  	[sflag:s14] =	ssyncadd.s32 $0xFFFFF800  }
0x5e: {  	_ =	swait.ge [sflag:s14], $0x800  }
0x5f: {  	[sflag:s14] =	ssyncset.done $0x0  }
0x60: {  	[sflag:s14] =	ssyncadd.s32 $0xFFFFF800  }
0x61: {  	_ =	swait.ge [sflag:s14], $0x800  }
0x62: {  	[sflag:s14] =	ssyncset.done $0x0  }
0x63: {  	[sflag:s14] =	ssyncadd.s32 $0xFFFFF800  }
.Ltmp0:
0x64: {  	_ =	swait.ge [sflag:s14], $0x800;
	(pc) =	sbr.rel @p0 .LBB2_2-.Ltmp0, $4  }
0x65: {  	[sflag:s14] =	ssyncset.done $0x0  }
0x66: {  	[sflag:s14] =	ssyncadd.s32 $0xFFFFF800  }
0x67: {  	_ =	swait.ge [sflag:s14], $0x800  }
0x68: {  	s18 =	smov.u32 s17;
	[sflag:s14] =	ssyncset.done $0x0  }
0x69: {  	s16 =	sshra.s32 s16, $0x2;
	[sflag:s14] =	ssyncadd.s32 $0xFFFFF800  }
0x6a: {  	[spmem:s2] =	stream.indirect.scatter.add.f32 [tilespmem:s12], [sflag:$0x1], $0x10, s16, s13, $0xb8;
	[tilespmem:$0x5800] =	vst v63  }
0x6b: {  	s17 =	sadd.s32 $0x80, s16  }
0x6c: {  	[spmem:s2] =	stream.indirect.scatter.add.f32 [tilespmem:s12], [sflag:$0x1], $0x10, s17, s13, $0xb8;
	[tilespmem:$0x5800] =	vst v63  }
0x6d: {  	s26 =	sadd.s32 $0x100, s16  }
0x6e: {  	[spmem:s2] =	stream.indirect.scatter.add.f32 [tilespmem:s12], [sflag:$0x1], $0x10, s26, s13, $0xb8;
	[tilespmem:$0x5800] =	vst v63  }
0x6f: {  	s28 =	sadd.s32 $0x180, s16  }
0x70: {  	[spmem:s2] =	stream.indirect.scatter.add.f32 [tilespmem:s12], [sflag:$0x1], $0x10, s28, s13, $0xb8;
	[tilespmem:$0x5800] =	vst v63  }
0x71: {  	s29 =	sadd.s32 $0x200, s16  }
0x72: {  	[spmem:s2] =	stream.indirect.scatter.add.f32 [tilespmem:s12], [sflag:$0x1], $0x10, s29, s13, $0xb8;
	[tilespmem:$0x5800] =	vst v63  }
0x73: {  	s30 =	sadd.s32 $0x280, s16  }
0x74: {  	[spmem:s2] =	stream.indirect.scatter.add.f32 [tilespmem:s12], [sflag:$0x1], $0x10, s30, s13, $0xb8;
	[tilespmem:$0x5800] =	vst v63  }
0x75: {  	s31 =	sadd.s32 $0x300, s16  }
0x76: {  	[spmem:s2] =	stream.indirect.scatter.add.f32 [tilespmem:s12], [sflag:$0x1], $0x10, s31, s13, $0xb8;
	[tilespmem:$0x5800] =	vst v63  }
0x77: {  	s16 =	sadd.s32 $0x380, s16  }
0x78: {  	[spmem:s2] =	stream.indirect.scatter.add.f32 [tilespmem:s12], [sflag:$0x1], $0x10, s16, s13, $0xb8;
	[tilespmem:$0x5800] =	vst v63  }
0x79: {  	_ =	swait.ge [sflag:s14], $0x800  }
0x7a: {  	[sflag:s14] =	ssyncset.done $0x0  }
0x7b: {  	[sflag:s14] =	ssyncadd.s32 $0xFFFFF800  }
0x7c: {  	_ =	swait.ge [sflag:s14], $0x800  }
0x7d: {  	[sflag:s14] =	ssyncset.done $0x0  }
0x7e: {  	[sflag:s14] =	ssyncadd.s32 $0xFFFFF800  }
0x7f: {  	_ =	swait.ge [sflag:s14], $0x800  }
0x80: {  	[sflag:s14] =	ssyncset.done $0x0  }
0x81: {  	[sflag:s14] =	ssyncadd.s32 $0xFFFFF800  }
0x82: {  	_ =	swait.ge [sflag:s14], $0x800  }
0x83: {  	[sflag:s14] =	ssyncset.done $0x0  }
0x84: {  	[sflag:s14] =	ssyncadd.s32 $0xFFFFF800  }
0x85: {  	_ =	swait.ge [sflag:s14], $0x800  }
0x86: {  	[sflag:s14] =	ssyncset.done $0x0  }
0x87: {  	[sflag:s14] =	ssyncadd.s32 $0xFFFFF800  }
0x88: {  	_ =	swait.ge [sflag:s14], $0x800  }
0x89: {  	[sflag:s14] =	ssyncset.done $0x0  }
0x8a: {  	[sflag:s14] =	ssyncadd.s32 $0xFFFFF800  }
0x8b: {  	_ =	swait.ge [sflag:s14], $0x800  }
0x8c: {  	[sflag:s14] =	ssyncset.done $0x0  }
0x8d: {  	[sflag:s14] =	ssyncadd.s32 $0xFFFFF800  }
0x8e: {  	_ =	swait.ge [sflag:s14], $0x800  }
0x8f: {  	s15 =	sadd.s32 $0x1, s15;
	[sflag:s14] =	ssyncset.done $0x0  }
0x90: {  	p0 =	sne.s32 s15, s9;
	[sflag:s14] =	ssyncadd.s32 $0xFFFFF800  }
.Ltmp1:
0x91: {  	[bflag:$0x0] =	sbarrier.arrive $0xFFFF;
	(pc) =	sbr.rel @p0 .LBB2_1-.Ltmp1, $4  }
0x92: {  	[hbm:s8], [sflag:s6] =	dma.local [spmem:s10], $0x500  }
0x93: {  	_ =	swait.ge [sflag:s11], $0x500  }
0x94: {  	[sflag:s11] =	ssyncset.done $0x0  }
0x95: {  	[sflag:s11] =	ssyncadd.s32 $0xFFFFFB00  }
0x96: {  	_ =	sfence.sel $0x180000  }
0x97: {  	[bflag:$0x0] =	sbarrier.arrive $0xFFFF  }
0x98: {  	p0 =	sne.s32 s0, $0x0;
	_ =	strace $0x90000047  }
0x99: {  	s0 =	sadd.s32 @!p0 $0x100000, s1;
	[bflag:$0x2] =	sbarrier.arrive $0xFFFF  }
0x9a: {  	[sflag:s0] =	ssyncadd.tile.s32 @!p0 $0x1;
	_ =	shalt  }
.Lfunc_end2:
_tile_overlayer_lowered:
.L_overlay_start_2:
0x9b: {  	(tag) =	ssettag $0x2  }
0x9c: {  	s0 =	rddreg [dreg:$0x0];
	s2 =	stileid.u32  }
0x9d: {  	s1 =	rddreg [dreg:$0x1];
	p0 =	sne.s32 s2, $0x0  }
0x9e: {  	s3 =	rddreg [dreg:$0x2];
	[bflag:$0x3] =	sbarrier.arrive $0xFFFF;
	s2 =	simm.s32 @!p0 $0x1C02  }
0x9f: {  	[timem:s3], [sflag:s2] =	dma.local @!p0 [hbm:s0], s1  }
0xa0: {  	s0 =	simm.s32 @!p0 $0x2  }
0xa1: {  	_ =	swait.ge @!p0 [sflag:s0], s1  }
0xa2: {  	s1 =	ssub.s32 @!p0 $0x0, s1;
	[sflag:s0] =	ssyncset.done @!p0 $0x0  }
0xa3: {  	[sflag:s0] =	ssyncadd.s32 @!p0 s1  }
0xa4: {  	[bflag:$0x3] =	sbarrier.arrive $0xFFFF  }
0xa5: {  	_ =	shalt  }

</sc_bundles>
